<compile_context>
chip_gen: v7x
topology: tpu7x:2x2x1
jax: 0.10.2.dev20260603
libtpu: 0.0.44.dev20260713+nightly
codegen_flags: <defaults>
</compile_context>

<pallas_src>
import functools

import jax
import jax.numpy as jnp
from jax import lax
from jax.experimental import pallas as pl
from jax.experimental.pallas import tpu as pltpu
from jax.experimental.pallas import tpu_sc as plsc

N = 10000
D = 256
NL = 2
NE = 4
NS = 3
G = 64
C = 10

HALF = 128
NPAD = 10240
EPAD = 163840
CHUNK = 128
NTILES = 16
NCHUNK = EPAD // NTILES // CHUNK
KB = 16
NKB = NCHUNK // KB
ROWS_PER_TILE = NPAD // NTILES
TBL = 2 * NE * NPAD

BN = 512
NPO = NPAD // BN


def _trans_body(h_ref, w_ref, b_ref, out_ref):
    acc = lax.dot_general(h_ref[...], w_ref[0, 0],
                          (((1,), (1,)), ((), ())),
                          preferred_element_type=jnp.float32)
    out_ref[...] = acc + b_ref[0, 0]


def _trans_table(h, W, b):
    grid = (NPO, NE, 2)
    return pl.pallas_call(
        _trans_body,
        grid=grid,
        in_specs=[
            pl.BlockSpec((BN, D), lambda i, t, hh: (i, 0)),
            pl.BlockSpec((1, 1, HALF, D), lambda i, t, hh: (t, hh, 0, 0)),
            pl.BlockSpec((1, 1, 1, HALF), lambda i, t, hh: (t, hh, 0, 0)),
        ],
        out_specs=pl.BlockSpec(
            (BN, HALF), lambda i, t, hh: (hh * (NE * NPO) + t * NPO + i, 0)),
        out_shape=jax.ShapeDtypeStruct((TBL, HALF), jnp.float32),
    )(h, W.reshape(NE, 2, HALF, D), b.reshape(NE, 2, 1, HALF))


def _sc_segment_sum(table, gidx2, dst2, zeros_block):
    mesh = plsc.VectorSubcoreMesh(core_axis_name="c", subcore_axis_name="s")

    @functools.partial(
        pl.kernel,
        mesh=mesh,
        out_type=jax.ShapeDtypeStruct((2, NPAD, HALF), jnp.float32),
        scratch_types=[
            pltpu.VMEM((KB, CHUNK), jnp.int32),
            pltpu.VMEM((KB, CHUNK), jnp.int32),
            pltpu.VMEM((CHUNK, HALF), jnp.float32),
            pltpu.VMEM((CHUNK, HALF), jnp.float32),
            pltpu.VMEM_SHARED((NPAD, HALF), jnp.float32),
            pltpu.SemaphoreType.DMA,
            pltpu.SemaphoreType.DMA,
        ],
    )
    def seg_kernel(table_hbm, gidx_hbm, dst_hbm, zero_hbm, out_hbm,
                   gi_v, di_v, buf0, buf1, acc_sh, sem0, sem1):
        c = lax.axis_index("c")
        s = lax.axis_index("s")
        pltpu.sync_copy(zero_hbm, acc_sh.at[pl.ds(s * ROWS_PER_TILE,
                                                  ROWS_PER_TILE)])
        plsc.subcore_barrier()

        @pl.loop(0, NKB)
        def _(kb):
            pltpu.sync_copy(gidx_hbm.at[c, s, kb], gi_v)
            pltpu.sync_copy(dst_hbm.at[s, kb], di_v)
            pltpu.async_copy(table_hbm.at[gi_v.at[0]], buf0, sem0)

            @pl.loop(0, KB, step=2)
            def _(j):
                pltpu.make_async_copy(table_hbm.at[gi_v.at[j]], buf0,
                                      sem0).wait()
                pltpu.async_copy(table_hbm.at[gi_v.at[j + 1]], buf1, sem1)
                pltpu.sync_copy(buf0, acc_sh.at[di_v.at[j]], add=True)
                pltpu.make_async_copy(table_hbm.at[gi_v.at[j + 1]], buf1,
                                      sem1).wait()

                @pl.when(j + 2 < KB)
                def _():
                    pltpu.async_copy(table_hbm.at[gi_v.at[j + 2]], buf0, sem0)

                pltpu.sync_copy(buf1, acc_sh.at[di_v.at[j + 1]], add=True)

        plsc.subcore_barrier()
        pltpu.sync_copy(
            acc_sh.at[pl.ds(s * ROWS_PER_TILE, ROWS_PER_TILE)],
            out_hbm.at[c].at[pl.ds(s * ROWS_PER_TILE, ROWS_PER_TILE)])

    return seg_kernel(table, gidx2, dst2, zeros_block)


def _gru_body(a_ref, h_ref, wih_ref, whh_ref, bih_ref, bhh_ref, out_ref):
    a = jnp.concatenate([a_ref[0], a_ref[1]], axis=1)
    h = h_ref[...]
    gi = lax.dot_general(a, wih_ref[...], (((1,), (1,)), ((), ())),
                         preferred_element_type=jnp.float32) + bih_ref[...]
    gh = lax.dot_general(h, whh_ref[...], (((1,), (1,)), ((), ())),
                         preferred_element_type=jnp.float32) + bhh_ref[...]
    r = jax.nn.sigmoid(gi[:, :D] + gh[:, :D])
    z = jax.nn.sigmoid(gi[:, D:2 * D] + gh[:, D:2 * D])
    n = jnp.tanh(gi[:, 2 * D:] + r * gh[:, 2 * D:])
    out_ref[...] = (1.0 - z) * n + z * h


def _gru(a2, h, w_ih, w_hh, b_ih, b_hh):
    return pl.pallas_call(
        _gru_body,
        grid=(NPO,),
        in_specs=[
            pl.BlockSpec((2, BN, HALF), lambda i: (0, i, 0)),
            pl.BlockSpec((BN, D), lambda i: (i, 0)),
            pl.BlockSpec((3 * D, D), lambda i: (0, 0)),
            pl.BlockSpec((3 * D, D), lambda i: (0, 0)),
            pl.BlockSpec((1, 3 * D), lambda i: (0, 0)),
            pl.BlockSpec((1, 3 * D), lambda i: (0, 0)),
        ],
        out_specs=pl.BlockSpec((BN, D), lambda i: (i, 0)),
        out_shape=jax.ShapeDtypeStruct((NPAD, D), jnp.float32),
    )(a2, h, w_ih, w_hh, b_ih.reshape(1, 3 * D), b_hh.reshape(1, 3 * D))


def _pool_body(h_ref, ids_ref, wt_ref, b_ref, out_ref):
    ids = ids_ref[...]
    ohT = (lax.broadcasted_iota(jnp.int32, (G, N), 0)
           == jnp.broadcast_to(ids, (G, N))).astype(jnp.float32)
    pooled = lax.dot_general(ohT, h_ref[...], (((1,), (0,)), ((), ())),
                             preferred_element_type=jnp.float32)
    counts = jnp.sum(ohT, axis=1, keepdims=True)
    hg = pooled / jnp.maximum(counts, 1.0)
    out_ref[...] = lax.dot_general(hg, wt_ref[...], (((1,), (0,)), ((), ())),
                                   preferred_element_type=jnp.float32) \
        + b_ref[...]


def _pool_logits(h, ids, out_W, out_b):
    wt_pad = jnp.zeros((D, 128), jnp.float32).at[:, :C].set(out_W.T)
    b_pad = jnp.zeros((1, 128), jnp.float32).at[0, :C].set(out_b)
    logits_pad = pl.pallas_call(
        _pool_body,
        in_specs=[
            pl.BlockSpec((N, D), lambda: (0, 0)),
            pl.BlockSpec((1, N), lambda: (0, 0)),
            pl.BlockSpec((D, 128), lambda: (0, 0)),
            pl.BlockSpec((1, 128), lambda: (0, 0)),
        ],
        out_specs=pl.BlockSpec((G, 128), lambda: (0, 0)),
        out_shape=jax.ShapeDtypeStruct((G, 128), jnp.float32),
    )(h, ids.reshape(1, N), wt_pad, b_pad)
    return logits_pad[:, :C]


def kernel(x, edge_index, etypes, node_graph_ids, lin_W, lin_b,
           gru_w_ih, gru_w_hh, gru_b_ih, gru_b_hh, out_W, out_b):
    src = edge_index[0]
    dst = edge_index[1]

    W = lin_W[NL - 1]
    b = lin_b[NL - 1]
    w_ih = gru_w_ih[NL - 1]
    w_hh = gru_w_hh[NL - 1]
    b_ih = gru_b_ih[NL - 1]
    b_hh = gru_b_hh[NL - 1]

    gidx = etypes.astype(jnp.int32) * NPAD + src
    pad_e = EPAD - gidx.shape[0]
    gidx_p = jnp.concatenate([gidx, jnp.zeros((pad_e,), jnp.int32)])
    dst_p = jnp.concatenate(
        [dst, jnp.full((pad_e,), NPAD - 1, jnp.int32)])
    gidx2 = jnp.stack([gidx_p, gidx_p + NE * NPAD]).reshape(
        2, NTILES, NKB, KB, CHUNK)
    dst2 = dst_p.reshape(NTILES, NKB, KB, CHUNK)
    zeros_block = jnp.zeros((ROWS_PER_TILE, HALF), jnp.float32)

    h = jnp.zeros((NPAD, D), jnp.float32).at[:N].set(x.astype(jnp.float32))
    for _ in range(NS):
        table = _trans_table(h, W, b)
        a2 = _sc_segment_sum(table, gidx2, dst2, zeros_block)
        h = _gru(a2, h, w_ih, w_hh, b_ih, b_hh)

    return _pool_logits(h[:N], node_graph_ids.astype(jnp.int32), out_W, out_b)

# --- scband reference (transcript-rebuilt; emitter-appended) ---
"""Pipeline reference for scband-graph-cls-ggnn-4269197492563 (READ-ONLY COPY).

The authoritative reference and input builder live on the scoring server;
editing this copy changes nothing except your own understanding.
"""

import jax, jax.numpy as jnp
import numpy as np

N = 10000
E = 160000
D = 256
NL = 2
NE = 4
NS = 3
G = 64
C = 10


def setup_inputs(seed: int = 0) -> dict:
    key = jax.random.key(seed)
    ks = jax.random.split(key, 12)
    x = jax.random.normal(ks[0], (N, D), dtype=jnp.float32)
    edge_index = jax.random.randint(ks[1], (2, E), 0, N, dtype=jnp.int32)
    etypes = jax.random.randint(ks[2], (E,), 0, NE, dtype=jnp.int32)
    node_graph_ids = jnp.sort(jax.random.randint(ks[3], (N,), 0, G, dtype=jnp.int32))
    s = 1.0 / np.sqrt(D)
    lin_W = jax.random.uniform(ks[4], (NL, NE, D, D), minval=-s, maxval=s, dtype=jnp.float32)
    lin_b = jax.random.uniform(ks[5], (NL, NE, D), minval=-s, maxval=s, dtype=jnp.float32)
    gru_w_ih = jax.random.uniform(ks[6], (NL, 3 * D, D), minval=-s, maxval=s, dtype=jnp.float32)
    gru_w_hh = jax.random.uniform(ks[7], (NL, 3 * D, D), minval=-s, maxval=s, dtype=jnp.float32)
    gru_b_ih = jax.random.uniform(ks[8], (NL, 3 * D), minval=-s, maxval=s, dtype=jnp.float32)
    gru_b_hh = jax.random.uniform(ks[9], (NL, 3 * D), minval=-s, maxval=s, dtype=jnp.float32)
    xav = np.sqrt(6.0 / (C + D))
    out_W = jax.random.uniform(ks[10], (C, D), minval=-xav, maxval=xav, dtype=jnp.float32)
    out_b = jnp.zeros((C,), dtype=jnp.float32)
    return {
        'x': x, 'edge_index': edge_index, 'etypes': etypes,
        'node_graph_ids': node_graph_ids,
        'lin_W': lin_W, 'lin_b': lin_b,
        'gru_w_ih': gru_w_ih, 'gru_w_hh': gru_w_hh,
        'gru_b_ih': gru_b_ih, 'gru_b_hh': gru_b_hh,
        'out_W': out_W, 'out_b': out_b,
    }


def _gru_cell(a, h, w_ih, w_hh, b_ih, b_hh):
    gi = a @ w_ih.T + b_ih
    gh = h @ w_hh.T + b_hh
    i_r, i_z, i_n = jnp.split(gi, 3, axis=-1)
    h_r, h_z, h_n = jnp.split(gh, 3, axis=-1)
    r = jax.nn.sigmoid(i_r + h_r)
    z = jax.nn.sigmoid(i_z + h_z)
    n = jnp.tanh(i_n + r * h_n)
    return (1.0 - z) * n + z * h


def _gated_graph_conv(feat, src, dst, etypes, W, b, w_ih, w_hh, b_ih, b_hh):
    # DGL GatedGraphConv: per-etype linear on src feats, sum-aggregate, GRU update
    h = feat
    for _ in range(NS):
        # transform node feats once per etype: [NE, N, D]
        trans = jnp.einsum('tod,nd->tno', W, h) + b[:, None, :]
        msg = trans[etypes, src]  # [E, D] gather by (etype, src)
        a = jax.ops.segment_sum(msg, dst, num_segments=N)
        h = _gru_cell(a, h, w_ih, w_hh, b_ih, b_hh)
    return h


def reference(x, edge_index, etypes, node_graph_ids, lin_W, lin_b,
              gru_w_ih, gru_w_hh, gru_b_ih, gru_b_hh, out_W, out_b):
    src = edge_index[0]
    dst = edge_index[1]
    feats = x.astype(jnp.float32)
    out = feats
    # NOTE: original forward never reassigns `feats`, so every conv layer
    # consumes the ORIGINAL features; only the last layer's output is used.
    # `self.activation(out)` is not assigned -> no-op. Faithfully reproduced.
    for l in range(NL):
        out = _gated_graph_conv(feats, src, dst, etypes, lin_W[l], lin_b[l],
                                gru_w_ih[l], gru_w_hh[l], gru_b_ih[l], gru_b_hh[l])
    sums = jax.ops.segment_sum(out, node_graph_ids, num_segments=G)
    counts = jax.ops.segment_sum(jnp.ones((node_graph_ids.shape[0], 1), jnp.float32),
                                 node_graph_ids, num_segments=G)
    hg = sums / jnp.maximum(counts, 1.0)  # dgl.mean_nodes
    logits = hg @ out_W.T + out_b
    return logits

if __name__ == "__main__":
    import jax
    _d = setup_inputs()
    print(jax.jit(kernel)(*tuple(_d.values())))

</pallas_src>

<mosaic_0001>
#map = affine_map<(d0, d1) -> (0, 0)>
#map1 = affine_map<(d0, d1) -> (0, 0, 0, 0, 0)>
#map2 = affine_map<(d0, d1) -> (0, 0, 0, 0)>
#map3 = affine_map<(d0, d1) -> (0, 0, 0)>
module attributes {stable_mosaic.version = 14 : i64} {
  func.func @seg_kernel(%arg0: i32, %arg1: i32, %arg2: memref<81920x128xf32, #tpu.memory_space<hbm>>, %arg3: memref<2x16x5x16x128xi32, #tpu.memory_space<hbm>>, %arg4: memref<16x5x16x128xi32, #tpu.memory_space<hbm>>, %arg5: memref<640x128xf32, #tpu.memory_space<hbm>>, %arg6: memref<2x10240x128xf32, #tpu.memory_space<hbm>>, %arg7: memref<16x128xi32, #tpu.memory_space<vmem>>, %arg8: memref<16x128xi32, #tpu.memory_space<vmem>>, %arg9: memref<128x128xf32, #tpu.memory_space<vmem>>, %arg10: memref<128x128xf32, #tpu.memory_space<vmem>>, %arg11: memref<10240x128xf32, #tpu.memory_space<vmem_shared>>, %arg12: memref<!tpu.dma_semaphore, #tpu.memory_space<semaphore_mem>>, %arg13: memref<!tpu.dma_semaphore, #tpu.memory_space<semaphore_mem>>) attributes {dimension_semantics = [#tpu.dimension_semantics<core_parallel>, #tpu.dimension_semantics<subcore_parallel>], iteration_bounds = array<i64: 2, 16>, scalar_prefetch = 0 : i64, scratch_operands = 7 : i64, tpu.core_type = #tpu.core_type<sc_vector_subcore>, window_params = [{transform_indices = #map}, {transform_indices = #map1}, {transform_indices = #map2}, {transform_indices = #map}, {transform_indices = #map3}]} {
    %mul3A = arith.constant 640 : i32
    %mul3A_0 = arith.muli %arg1, %mul3A : i32
    "tpu.region"() ({
      %run_scoped3A = tpu.sem_alloc : memref<!tpu.dma_semaphore, #tpu.memory_space<semaphore_mem>>
      %dma_start3A = arith.constant 0 : i32
      %dma_start3A_10 = tpu.memref_slice %arg11[%mul3A_0, %dma_start3A] : memref<10240x128xf32, #tpu.memory_space<vmem_shared>> -> memref<640x128xf32, #tpu.memory_space<vmem_shared>>
      tpu.enqueue_dma source(%arg5 : memref<640x128xf32, #tpu.memory_space<hbm>>) target(%dma_start3A_10 : memref<640x128xf32, #tpu.memory_space<vmem_shared>>) target_semaphore(%run_scoped3A : memref<!tpu.dma_semaphore, #tpu.memory_space<semaphore_mem>>)
      %dma_wait3A = arith.constant 0 : i32
      %dma_wait3A_11 = tpu.memref_slice %arg11[%mul3A_0, %dma_wait3A] : memref<10240x128xf32, #tpu.memory_space<vmem_shared>> -> memref<640x128xf32, #tpu.memory_space<vmem_shared>>
      tpu.wait_dma2 semaphore(%run_scoped3A : memref<!tpu.dma_semaphore, #tpu.memory_space<semaphore_mem>>) src(%arg5 : memref<640x128xf32, #tpu.memory_space<hbm>>) dst(%dma_wait3A_11 : memref<640x128xf32, #tpu.memory_space<vmem_shared>>)
      tpu.yield
    }) : () -> ()
    %barrier3A = arith.constant 0 : index
    tpu.barrier barrier_id(%barrier3A)
    %scan3A = arith.constant 0 : i32
    %scan3A_1 = arith.constant 5 : i32
    %scan3A_2 = arith.addi %scan3A, %scan3A_1 : i32
    %scan3A_3 = arith.constant 1 : i32
    scf.for %scan3A_10 = %scan3A to %scan3A_2 step %scan3A_3  : i32 {
      %mul3A_11 = arith.constant 1 : i32
      %mul3A_12 = arith.muli %scan3A_10, %mul3A_11 : i32
      %add3A = arith.constant 0 : i32
      %add3A_13 = arith.addi %add3A, %mul3A_12 : i32
      "tpu.region"() ({
        %run_scoped3A = tpu.sem_alloc : memref<!tpu.dma_semaphore, #tpu.memory_space<semaphore_mem>>
        %dma_start3A_25 = arith.constant 0 : i32
        %dma_start3A_26 = arith.constant 0 : i32
        %dma_start3A_27 = tpu.memref_slice %arg3[%arg0, %arg1, %add3A_13, %dma_start3A_25, %dma_start3A_26] : memref<2x16x5x16x128xi32, #tpu.memory_space<hbm>> -> memref<1x1x1x16x128xi32, #tpu.memory_space<hbm>>
        %dma_start3A_28 = tpu.memref_squeeze %dma_start3A_27 : memref<1x1x1x16x128xi32, #tpu.memory_space<hbm>> -> memref<16x128xi32, #tpu.memory_space<hbm>>
        %dma_start3A_29 = arith.constant 0 : i32
        %dma_start3A_30 = arith.constant 0 : i32
        %dma_start3A_31 = tpu.memref_slice %arg3[%arg0, %arg1, %add3A_13, %dma_start3A_29, %dma_start3A_30] : memref<2x16x5x16x128xi32, #tpu.memory_space<hbm>> -> memref<1x1x1x16x128xi32, #tpu.memory_space<hbm>>
        %dma_start3A_32 = tpu.memref_squeeze %dma_start3A_31 : memref<1x1x1x16x128xi32, #tpu.memory_space<hbm>> -> memref<16x128xi32, #tpu.memory_space<hbm>>
        tpu.enqueue_dma source(%dma_start3A_32 : memref<16x128xi32, #tpu.memory_space<hbm>>) target(%arg7 : memref<16x128xi32, #tpu.memory_space<vmem>>) target_semaphore(%run_scoped3A : memref<!tpu.dma_semaphore, #tpu.memory_space<semaphore_mem>>)
        %dma_wait3A = arith.constant 0 : i32
        %dma_wait3A_33 = arith.constant 0 : i32
        %dma_wait3A_34 = tpu.memref_slice %arg3[%arg0, %arg1, %add3A_13, %dma_wait3A, %dma_wait3A_33] : memref<2x16x5x16x128xi32, #tpu.memory_space<hbm>> -> memref<1x1x1x16x128xi32, #tpu.memory_space<hbm>>
        %dma_wait3A_35 = tpu.memref_squeeze %dma_wait3A_34 : memref<1x1x1x16x128xi32, #tpu.memory_space<hbm>> -> memref<16x128xi32, #tpu.memory_space<hbm>>
        %dma_wait3A_36 = arith.constant 0 : i32
        %dma_wait3A_37 = arith.constant 0 : i32
        %dma_wait3A_38 = tpu.memref_slice %arg3[%arg0, %arg1, %add3A_13, %dma_wait3A_36, %dma_wait3A_37] : memref<2x16x5x16x128xi32, #tpu.memory_space<hbm>> -> memref<1x1x1x16x128xi32, #tpu.memory_space<hbm>>
        %dma_wait3A_39 = tpu.memref_squeeze %dma_wait3A_38 : memref<1x1x1x16x128xi32, #tpu.memory_space<hbm>> -> memref<16x128xi32, #tpu.memory_space<hbm>>
        tpu.wait_dma2 semaphore(%run_scoped3A : memref<!tpu.dma_semaphore, #tpu.memory_space<semaphore_mem>>) src(%dma_wait3A_39 : memref<16x128xi32, #tpu.memory_space<hbm>>) dst(%arg7 : memref<16x128xi32, #tpu.memory_space<vmem>>)
        tpu.yield
      }) : () -> ()
      "tpu.region"() ({
        %run_scoped3A = tpu.sem_alloc : memref<!tpu.dma_semaphore, #tpu.memory_space<semaphore_mem>>
        %dma_start3A_25 = arith.constant 0 : i32
        %dma_start3A_26 = arith.constant 0 : i32
        %dma_start3A_27 = tpu.memref_slice %arg4[%arg1, %add3A_13, %dma_start3A_25, %dma_start3A_26] : memref<16x5x16x128xi32, #tpu.memory_space<hbm>> -> memref<1x1x16x128xi32, #tpu.memory_space<hbm>>
        %dma_start3A_28 = tpu.memref_squeeze %dma_start3A_27 : memref<1x1x16x128xi32, #tpu.memory_space<hbm>> -> memref<16x128xi32, #tpu.memory_space<hbm>>
        %dma_start3A_29 = arith.constant 0 : i32
        %dma_start3A_30 = arith.constant 0 : i32
        %dma_start3A_31 = tpu.memref_slice %arg4[%arg1, %add3A_13, %dma_start3A_29, %dma_start3A_30] : memref<16x5x16x128xi32, #tpu.memory_space<hbm>> -> memref<1x1x16x128xi32, #tpu.memory_space<hbm>>
        %dma_start3A_32 = tpu.memref_squeeze %dma_start3A_31 : memref<1x1x16x128xi32, #tpu.memory_space<hbm>> -> memref<16x128xi32, #tpu.memory_space<hbm>>
        tpu.enqueue_dma source(%dma_start3A_32 : memref<16x128xi32, #tpu.memory_space<hbm>>) target(%arg8 : memref<16x128xi32, #tpu.memory_space<vmem>>) target_semaphore(%run_scoped3A : memref<!tpu.dma_semaphore, #tpu.memory_space<semaphore_mem>>)
        %dma_wait3A = arith.constant 0 : i32
        %dma_wait3A_33 = arith.constant 0 : i32
        %dma_wait3A_34 = tpu.memref_slice %arg4[%arg1, %add3A_13, %dma_wait3A, %dma_wait3A_33] : memref<16x5x16x128xi32, #tpu.memory_space<hbm>> -> memref<1x1x16x128xi32, #tpu.memory_space<hbm>>
        %dma_wait3A_35 = tpu.memref_squeeze %dma_wait3A_34 : memref<1x1x16x128xi32, #tpu.memory_space<hbm>> -> memref<16x128xi32, #tpu.memory_space<hbm>>
        %dma_wait3A_36 = arith.constant 0 : i32
        %dma_wait3A_37 = arith.constant 0 : i32
        %dma_wait3A_38 = tpu.memref_slice %arg4[%arg1, %add3A_13, %dma_wait3A_36, %dma_wait3A_37] : memref<16x5x16x128xi32, #tpu.memory_space<hbm>> -> memref<1x1x16x128xi32, #tpu.memory_space<hbm>>
        %dma_wait3A_39 = tpu.memref_squeeze %dma_wait3A_38 : memref<1x1x16x128xi32, #tpu.memory_space<hbm>> -> memref<16x128xi32, #tpu.memory_space<hbm>>
        tpu.wait_dma2 semaphore(%run_scoped3A : memref<!tpu.dma_semaphore, #tpu.memory_space<semaphore_mem>>) src(%dma_wait3A_39 : memref<16x128xi32, #tpu.memory_space<hbm>>) dst(%arg8 : memref<16x128xi32, #tpu.memory_space<vmem>>)
        tpu.yield
      }) : () -> ()
      %dma_start3A = arith.constant 0 : i32
      %dma_start3A_14 = arith.constant 0 : i32
      %dma_start3A_15 = tpu.memref_slice %arg7[%dma_start3A, %dma_start3A_14] : memref<16x128xi32, #tpu.memory_space<vmem>> -> memref<1x128xi32, #tpu.memory_space<vmem>>
      %dma_start3A_16 = tpu.memref_squeeze %dma_start3A_15 : memref<1x128xi32, #tpu.memory_space<vmem>> -> memref<128xi32, #tpu.memory_space<vmem>>
      %dma_start3A_17 = arith.constant 0 : i32
      %dma_start3A_18 = arith.constant 0 : i32
      %dma_start3A_19 = tpu.memref_slice %arg2[%dma_start3A_17, %dma_start3A_18] : memref<81920x128xf32, #tpu.memory_space<hbm>> -> memref<81920x128xf32, #tpu.memory_space<hbm>>
      tpu.enqueue_indirect_dma source(%dma_start3A_19 : memref<81920x128xf32, #tpu.memory_space<hbm>>) target(%arg9 : memref<128x128xf32, #tpu.memory_space<vmem>>) offsets(%dma_start3A_16 : memref<128xi32, #tpu.memory_space<vmem>>) semaphore(%arg12 : memref<!tpu.dma_semaphore, #tpu.memory_space<semaphore_mem>>)
      %scan3A_20 = arith.constant 0 : i32
      %scan3A_21 = arith.constant 8 : i32
      %scan3A_22 = arith.addi %scan3A_20, %scan3A_21 : i32
      %scan3A_23 = arith.constant 1 : i32
      scf.for %scan3A_25 = %scan3A_20 to %scan3A_22 step %scan3A_23  : i32 {
        %mul3A_26 = arith.constant 2 : i32
        %mul3A_27 = arith.muli %scan3A_25, %mul3A_26 : i32
        %add3A_28 = arith.constant 0 : i32
        %add3A_29 = arith.addi %add3A_28, %mul3A_27 : i32
        %dma_wait3A = arith.constant 0 : i32
        %dma_wait3A_30 = tpu.memref_slice %arg7[%add3A_29, %dma_wait3A] : memref<16x128xi32, #tpu.memory_space<vmem>> -> memref<1x128xi32, #tpu.memory_space<vmem>>
        %dma_wait3A_31 = tpu.memref_squeeze %dma_wait3A_30 : memref<1x128xi32, #tpu.memory_space<vmem>> -> memref<128xi32, #tpu.memory_space<vmem>>
        %dma_wait3A_32 = arith.constant 0 : i32
        %dma_wait3A_33 = arith.constant 0 : i32
        %dma_wait3A_34 = tpu.memref_slice %arg2[%dma_wait3A_32, %dma_wait3A_33] : memref<81920x128xf32, #tpu.memory_space<hbm>> -> memref<81920x128xf32, #tpu.memory_space<hbm>>
        tpu.wait_indirect_dma semaphore(%arg12 : memref<!tpu.dma_semaphore, #tpu.memory_space<semaphore_mem>>) src(%dma_wait3A_34 : memref<81920x128xf32, #tpu.memory_space<hbm>>) dst(%arg9 : memref<128x128xf32, #tpu.memory_space<vmem>>)
        %add3A_35 = arith.constant 1 : i32
        %add3A_36 = arith.addi %add3A_29, %add3A_35 : i32
        %dma_start3A_37 = arith.constant 0 : i32
        %dma_start3A_38 = tpu.memref_slice %arg7[%add3A_36, %dma_start3A_37] : memref<16x128xi32, #tpu.memory_space<vmem>> -> memref<1x128xi32, #tpu.memory_space<vmem>>
        %dma_start3A_39 = tpu.memref_squeeze %dma_start3A_38 : memref<1x128xi32, #tpu.memory_space<vmem>> -> memref<128xi32, #tpu.memory_space<vmem>>
        %dma_start3A_40 = arith.constant 0 : i32
        %dma_start3A_41 = arith.constant 0 : i32
        %dma_start3A_42 = tpu.memref_slice %arg2[%dma_start3A_40, %dma_start3A_41] : memref<81920x128xf32, #tpu.memory_space<hbm>> -> memref<81920x128xf32, #tpu.memory_space<hbm>>
        tpu.enqueue_indirect_dma source(%dma_start3A_42 : memref<81920x128xf32, #tpu.memory_space<hbm>>) target(%arg10 : memref<128x128xf32, #tpu.memory_space<vmem>>) offsets(%dma_start3A_39 : memref<128xi32, #tpu.memory_space<vmem>>) semaphore(%arg13 : memref<!tpu.dma_semaphore, #tpu.memory_space<semaphore_mem>>)
        "tpu.region"() ({
          %run_scoped3A = tpu.sem_alloc : memref<!tpu.dma_semaphore, #tpu.memory_space<semaphore_mem>>
          %dma_start3A_57 = arith.constant 0 : i32
          %dma_start3A_58 = tpu.memref_slice %arg8[%add3A_29, %dma_start3A_57] : memref<16x128xi32, #tpu.memory_space<vmem>> -> memref<1x128xi32, #tpu.memory_space<vmem>>
          %dma_start3A_59 = tpu.memref_squeeze %dma_start3A_58 : memref<1x128xi32, #tpu.memory_space<vmem>> -> memref<128xi32, #tpu.memory_space<vmem>>
          %dma_start3A_60 = arith.constant 0 : i32
          %dma_start3A_61 = arith.constant 0 : i32
          %dma_start3A_62 = tpu.memref_slice %arg11[%dma_start3A_60, %dma_start3A_61] : memref<10240x128xf32, #tpu.memory_space<vmem_shared>> -> memref<10240x128xf32, #tpu.memory_space<vmem_shared>>
          tpu.enqueue_indirect_dma source(%arg9 : memref<128x128xf32, #tpu.memory_space<vmem>>) target(%dma_start3A_62 : memref<10240x128xf32, #tpu.memory_space<vmem_shared>>) offsets(%dma_start3A_59 : memref<128xi32, #tpu.memory_space<vmem>>) semaphore(%run_scoped3A : memref<!tpu.dma_semaphore, #tpu.memory_space<semaphore_mem>>) {add = true}
          %dma_wait3A_63 = arith.constant 0 : i32
          %dma_wait3A_64 = tpu.memref_slice %arg8[%add3A_29, %dma_wait3A_63] : memref<16x128xi32, #tpu.memory_space<vmem>> -> memref<1x128xi32, #tpu.memory_space<vmem>>
          %dma_wait3A_65 = tpu.memref_squeeze %dma_wait3A_64 : memref<1x128xi32, #tpu.memory_space<vmem>> -> memref<128xi32, #tpu.memory_space<vmem>>
          %dma_wait3A_66 = arith.constant 0 : i32
          %dma_wait3A_67 = arith.constant 0 : i32
          %dma_wait3A_68 = tpu.memref_slice %arg11[%dma_wait3A_66, %dma_wait3A_67] : memref<10240x128xf32, #tpu.memory_space<vmem_shared>> -> memref<10240x128xf32, #tpu.memory_space<vmem_shared>>
          tpu.wait_indirect_dma semaphore(%run_scoped3A : memref<!tpu.dma_semaphore, #tpu.memory_space<semaphore_mem>>) src(%arg9 : memref<128x128xf32, #tpu.memory_space<vmem>>) dst(%dma_wait3A_68 : memref<10240x128xf32, #tpu.memory_space<vmem_shared>>)
          tpu.yield
        }) : () -> ()
        %add3A_43 = arith.constant 1 : i32
        %add3A_44 = arith.addi %add3A_29, %add3A_43 : i32
        %dma_wait3A_45 = arith.constant 0 : i32
        %dma_wait3A_46 = tpu.memref_slice %arg7[%add3A_44, %dma_wait3A_45] : memref<16x128xi32, #tpu.memory_space<vmem>> -> memref<1x128xi32, #tpu.memory_space<vmem>>
        %dma_wait3A_47 = tpu.memref_squeeze %dma_wait3A_46 : memref<1x128xi32, #tpu.memory_space<vmem>> -> memref<128xi32, #tpu.memory_space<vmem>>
        %dma_wait3A_48 = arith.constant 0 : i32
        %dma_wait3A_49 = arith.constant 0 : i32
        %dma_wait3A_50 = tpu.memref_slice %arg2[%dma_wait3A_48, %dma_wait3A_49] : memref<81920x128xf32, #tpu.memory_space<hbm>> -> memref<81920x128xf32, #tpu.memory_space<hbm>>
        tpu.wait_indirect_dma semaphore(%arg13 : memref<!tpu.dma_semaphore, #tpu.memory_space<semaphore_mem>>) src(%dma_wait3A_50 : memref<81920x128xf32, #tpu.memory_space<hbm>>) dst(%arg10 : memref<128x128xf32, #tpu.memory_space<vmem>>)
        %add3A_51 = arith.constant 2 : i32
        %add3A_52 = arith.addi %add3A_29, %add3A_51 : i32
        %lt3A = arith.constant 16 : i32
        %lt3A_53 = arith.cmpi slt, %add3A_52, %lt3A : i32
        %convert_element_type3A = arith.extui %lt3A_53 : i1 to i32
        %cond3A = arith.constant 0 : i32
        %cond3A_54 = arith.cmpi ne, %convert_element_type3A, %cond3A : i32
        scf.if %cond3A_54 {
          %add3A_57 = arith.constant 2 : i32
          %add3A_58 = arith.addi %add3A_29, %add3A_57 : i32
          %dma_start3A_59 = arith.constant 0 : i32
          %dma_start3A_60 = tpu.memref_slice %arg7[%add3A_58, %dma_start3A_59] : memref<16x128xi32, #tpu.memory_space<vmem>> -> memref<1x128xi32, #tpu.memory_space<vmem>>
          %dma_start3A_61 = tpu.memref_squeeze %dma_start3A_60 : memref<1x128xi32, #tpu.memory_space<vmem>> -> memref<128xi32, #tpu.memory_space<vmem>>
          %dma_start3A_62 = arith.constant 0 : i32
          %dma_start3A_63 = arith.constant 0 : i32
          %dma_start3A_64 = tpu.memref_slice %arg2[%dma_start3A_62, %dma_start3A_63] : memref<81920x128xf32, #tpu.memory_space<hbm>> -> memref<81920x128xf32, #tpu.memory_space<hbm>>
          tpu.enqueue_indirect_dma source(%dma_start3A_64 : memref<81920x128xf32, #tpu.memory_space<hbm>>) target(%arg9 : memref<128x128xf32, #tpu.memory_space<vmem>>) offsets(%dma_start3A_61 : memref<128xi32, #tpu.memory_space<vmem>>) semaphore(%arg12 : memref<!tpu.dma_semaphore, #tpu.memory_space<semaphore_mem>>)
        } else {
        }
        %add3A_55 = arith.constant 1 : i32
        %add3A_56 = arith.addi %add3A_29, %add3A_55 : i32
        "tpu.region"() ({
          %run_scoped3A = tpu.sem_alloc : memref<!tpu.dma_semaphore, #tpu.memory_space<semaphore_mem>>
          %dma_start3A_57 = arith.constant 0 : i32
          %dma_start3A_58 = tpu.memref_slice %arg8[%add3A_56, %dma_start3A_57] : memref<16x128xi32, #tpu.memory_space<vmem>> -> memref<1x128xi32, #tpu.memory_space<vmem>>
          %dma_start3A_59 = tpu.memref_squeeze %dma_start3A_58 : memref<1x128xi32, #tpu.memory_space<vmem>> -> memref<128xi32, #tpu.memory_space<vmem>>
          %dma_start3A_60 = arith.constant 0 : i32
          %dma_start3A_61 = arith.constant 0 : i32
          %dma_start3A_62 = tpu.memref_slice %arg11[%dma_start3A_60, %dma_start3A_61] : memref<10240x128xf32, #tpu.memory_space<vmem_shared>> -> memref<10240x128xf32, #tpu.memory_space<vmem_shared>>
          tpu.enqueue_indirect_dma source(%arg10 : memref<128x128xf32, #tpu.memory_space<vmem>>) target(%dma_start3A_62 : memref<10240x128xf32, #tpu.memory_space<vmem_shared>>) offsets(%dma_start3A_59 : memref<128xi32, #tpu.memory_space<vmem>>) semaphore(%run_scoped3A : memref<!tpu.dma_semaphore, #tpu.memory_space<semaphore_mem>>) {add = true}
          %dma_wait3A_63 = arith.constant 0 : i32
          %dma_wait3A_64 = tpu.memref_slice %arg8[%add3A_56, %dma_wait3A_63] : memref<16x128xi32, #tpu.memory_space<vmem>> -> memref<1x128xi32, #tpu.memory_space<vmem>>
          %dma_wait3A_65 = tpu.memref_squeeze %dma_wait3A_64 : memref<1x128xi32, #tpu.memory_space<vmem>> -> memref<128xi32, #tpu.memory_space<vmem>>
          %dma_wait3A_66 = arith.constant 0 : i32
          %dma_wait3A_67 = arith.constant 0 : i32
          %dma_wait3A_68 = tpu.memref_slice %arg11[%dma_wait3A_66, %dma_wait3A_67] : memref<10240x128xf32, #tpu.memory_space<vmem_shared>> -> memref<10240x128xf32, #tpu.memory_space<vmem_shared>>
          tpu.wait_indirect_dma semaphore(%run_scoped3A : memref<!tpu.dma_semaphore, #tpu.memory_space<semaphore_mem>>) src(%arg10 : memref<128x128xf32, #tpu.memory_space<vmem>>) dst(%dma_wait3A_68 : memref<10240x128xf32, #tpu.memory_space<vmem_shared>>)
          tpu.yield
        }) : () -> ()
      }
      %scan3A_24 = arith.constant 8 : i32
    }
    %scan3A_4 = arith.constant 5 : i32
    %barrier3A_5 = arith.constant 0 : index
    tpu.barrier barrier_id(%barrier3A_5)
    %mul3A_6 = arith.constant 640 : i32
    %mul3A_7 = arith.muli %arg1, %mul3A_6 : i32
    %mul3A_8 = arith.constant 640 : i32
    %mul3A_9 = arith.muli %arg1, %mul3A_8 : i32
    "tpu.region"() ({
      %run_scoped3A = tpu.sem_alloc : memref<!tpu.dma_semaphore, #tpu.memory_space<semaphore_mem>>
      %dma_start3A = arith.constant 0 : i32
      %dma_start3A_10 = arith.constant 0 : i32
      %dma_start3A_11 = tpu.memref_slice %arg6[%arg0, %dma_start3A, %dma_start3A_10] : memref<2x10240x128xf32, #tpu.memory_space<hbm>> -> memref<1x10240x128xf32, #tpu.memory_space<hbm>>
      %dma_start3A_12 = tpu.memref_squeeze %dma_start3A_11 : memref<1x10240x128xf32, #tpu.memory_space<hbm>> -> memref<10240x128xf32, #tpu.memory_space<hbm>>
      %dma_start3A_13 = arith.constant 0 : i32
      %dma_start3A_14 = tpu.memref_slice %dma_start3A_12[%mul3A_9, %dma_start3A_13] : memref<10240x128xf32, #tpu.memory_space<hbm>> -> memref<640x128xf32, #tpu.memory_space<hbm>>
      %dma_start3A_15 = arith.constant 0 : i32
      %dma_start3A_16 = tpu.memref_slice %arg11[%mul3A_7, %dma_start3A_15] : memref<10240x128xf32, #tpu.memory_space<vmem_shared>> -> memref<640x128xf32, #tpu.memory_space<vmem_shared>>
      tpu.enqueue_dma source(%dma_start3A_16 : memref<640x128xf32, #tpu.memory_space<vmem_shared>>) target(%dma_start3A_14 : memref<640x128xf32, #tpu.memory_space<hbm>>) target_semaphore(%run_scoped3A : memref<!tpu.dma_semaphore, #tpu.memory_space<semaphore_mem>>)
      %dma_wait3A = arith.constant 0 : i32
      %dma_wait3A_17 = arith.constant 0 : i32
      %dma_wait3A_18 = tpu.memref_slice %arg6[%arg0, %dma_wait3A, %dma_wait3A_17] : memref<2x10240x128xf32, #tpu.memory_space<hbm>> -> memref<1x10240x128xf32, #tpu.memory_space<hbm>>
      %dma_wait3A_19 = tpu.memref_squeeze %dma_wait3A_18 : memref<1x10240x128xf32, #tpu.memory_space<hbm>> -> memref<10240x128xf32, #tpu.memory_space<hbm>>
      %dma_wait3A_20 = arith.constant 0 : i32
      %dma_wait3A_21 = tpu.memref_slice %dma_wait3A_19[%mul3A_9, %dma_wait3A_20] : memref<10240x128xf32, #tpu.memory_space<hbm>> -> memref<640x128xf32, #tpu.memory_space<hbm>>
      %dma_wait3A_22 = arith.constant 0 : i32
      %dma_wait3A_23 = tpu.memref_slice %arg11[%mul3A_7, %dma_wait3A_22] : memref<10240x128xf32, #tpu.memory_space<vmem_shared>> -> memref<640x128xf32, #tpu.memory_space<vmem_shared>>
      tpu.wait_dma2 semaphore(%run_scoped3A : memref<!tpu.dma_semaphore, #tpu.memory_space<semaphore_mem>>) src(%dma_wait3A_23 : memref<640x128xf32, #tpu.memory_space<vmem_shared>>) dst(%dma_wait3A_21 : memref<640x128xf32, #tpu.memory_space<hbm>>)
      tpu.yield
    }) : () -> ()
    return
  }
}

#map = affine_map<(d0, d1) -> (0, 0)>
#map1 = affine_map<(d0, d1) -> (0, 0, 0, 0, 0)>
#map2 = affine_map<(d0, d1) -> (0, 0, 0, 0)>
#map3 = affine_map<(d0, d1) -> (0, 0, 0)>
module attributes {stable_mosaic.version = 14 : i64} {
  func.func @seg_kernel(%arg0: i32, %arg1: i32, %arg2: memref<81920x128xf32, #tpu.memory_space<hbm>>, %arg3: memref<2x16x5x16x128xi32, #tpu.memory_space<hbm>>, %arg4: memref<16x5x16x128xi32, #tpu.memory_space<hbm>>, %arg5: memref<640x128xf32, #tpu.memory_space<hbm>>, %arg6: memref<2x10240x128xf32, #tpu.memory_space<hbm>>, %arg7: memref<16x128xi32, #tpu.memory_space<vmem>>, %arg8: memref<16x128xi32, #tpu.memory_space<vmem>>, %arg9: memref<128x128xf32, #tpu.memory_space<vmem>>, %arg10: memref<128x128xf32, #tpu.memory_space<vmem>>, %arg11: memref<10240x128xf32, #tpu.memory_space<vmem_shared>>, %arg12: memref<!tpu.dma_semaphore, #tpu.memory_space<semaphore_mem>>, %arg13: memref<!tpu.dma_semaphore, #tpu.memory_space<semaphore_mem>>) attributes {dimension_semantics = [#tpu.dimension_semantics<core_parallel>, #tpu.dimension_semantics<subcore_parallel>], iteration_bounds = array<i64: 2, 16>, scalar_prefetch = 0 : i64, scratch_operands = 7 : i64, tpu.core_type = #tpu.core_type<sc_vector_subcore>, window_params = [{transform_indices = #map}, {transform_indices = #map1}, {transform_indices = #map2}, {transform_indices = #map}, {transform_indices = #map3}]} {
    %mul3A = arith.constant 640 : i32
    %mul3A_0 = arith.muli %arg1, %mul3A : i32
    "tpu.region"() ({
      %run_scoped3A = tpu.sem_alloc : memref<!tpu.dma_semaphore, #tpu.memory_space<semaphore_mem>>
      %dma_start3A = arith.constant 0 : i32
      %dma_start3A_10 = tpu.memref_slice %arg11[%mul3A_0, %dma_start3A] : memref<10240x128xf32, #tpu.memory_space<vmem_shared>> -> memref<640x128xf32, #tpu.memory_space<vmem_shared>>
      tpu.enqueue_dma source(%arg5 : memref<640x128xf32, #tpu.memory_space<hbm>>) target(%dma_start3A_10 : memref<640x128xf32, #tpu.memory_space<vmem_shared>>) target_semaphore(%run_scoped3A : memref<!tpu.dma_semaphore, #tpu.memory_space<semaphore_mem>>)
      %dma_wait3A = arith.constant 0 : i32
      %dma_wait3A_11 = tpu.memref_slice %arg11[%mul3A_0, %dma_wait3A] : memref<10240x128xf32, #tpu.memory_space<vmem_shared>> -> memref<640x128xf32, #tpu.memory_space<vmem_shared>>
      tpu.wait_dma2 semaphore(%run_scoped3A : memref<!tpu.dma_semaphore, #tpu.memory_space<semaphore_mem>>) src(%arg5 : memref<640x128xf32, #tpu.memory_space<hbm>>) dst(%dma_wait3A_11 : memref<640x128xf32, #tpu.memory_space<vmem_shared>>)
      tpu.yield
    }) : () -> ()
    %barrier3A = arith.constant 0 : index
    tpu.barrier barrier_id(%barrier3A)
    %scan3A = arith.constant 0 : i32
    %scan3A_1 = arith.constant 5 : i32
    %scan3A_2 = arith.addi %scan3A, %scan3A_1 : i32
    %scan3A_3 = arith.constant 1 : i32
    scf.for %scan3A_10 = %scan3A to %scan3A_2 step %scan3A_3  : i32 {
      %mul3A_11 = arith.constant 1 : i32
      %mul3A_12 = arith.muli %scan3A_10, %mul3A_11 : i32
      %add3A = arith.constant 0 : i32
      %add3A_13 = arith.addi %add3A, %mul3A_12 : i32
      "tpu.region"() ({
        %run_scoped3A = tpu.sem_alloc : memref<!tpu.dma_semaphore, #tpu.memory_space<semaphore_mem>>
        %dma_start3A_25 = arith.constant 0 : i32
        %dma_start3A_26 = arith.constant 0 : i32
        %dma_start3A_27 = tpu.memref_slice %arg3[%arg0, %arg1, %add3A_13, %dma_start3A_25, %dma_start3A_26] : memref<2x16x5x16x128xi32, #tpu.memory_space<hbm>> -> memref<1x1x1x16x128xi32, #tpu.memory_space<hbm>>
        %dma_start3A_28 = tpu.memref_squeeze %dma_start3A_27 : memref<1x1x1x16x128xi32, #tpu.memory_space<hbm>> -> memref<16x128xi32, #tpu.memory_space<hbm>>
        %dma_start3A_29 = arith.constant 0 : i32
        %dma_start3A_30 = arith.constant 0 : i32
        %dma_start3A_31 = tpu.memref_slice %arg3[%arg0, %arg1, %add3A_13, %dma_start3A_29, %dma_start3A_30] : memref<2x16x5x16x128xi32, #tpu.memory_space<hbm>> -> memref<1x1x1x16x128xi32, #tpu.memory_space<hbm>>
        %dma_start3A_32 = tpu.memref_squeeze %dma_start3A_31 : memref<1x1x1x16x128xi32, #tpu.memory_space<hbm>> -> memref<16x128xi32, #tpu.memory_space<hbm>>
        tpu.enqueue_dma source(%dma_start3A_32 : memref<16x128xi32, #tpu.memory_space<hbm>>) target(%arg7 : memref<16x128xi32, #tpu.memory_space<vmem>>) target_semaphore(%run_scoped3A : memref<!tpu.dma_semaphore, #tpu.memory_space<semaphore_mem>>)
        %dma_wait3A = arith.constant 0 : i32
        %dma_wait3A_33 = arith.constant 0 : i32
        %dma_wait3A_34 = tpu.memref_slice %arg3[%arg0, %arg1, %add3A_13, %dma_wait3A, %dma_wait3A_33] : memref<2x16x5x16x128xi32, #tpu.memory_space<hbm>> -> memref<1x1x1x16x128xi32, #tpu.memory_space<hbm>>
        %dma_wait3A_35 = tpu.memref_squeeze %dma_wait3A_34 : memref<1x1x1x16x128xi32, #tpu.memory_space<hbm>> -> memref<16x128xi32, #tpu.memory_space<hbm>>
        %dma_wait3A_36 = arith.constant 0 : i32
        %dma_wait3A_37 = arith.constant 0 : i32
        %dma_wait3A_38 = tpu.memref_slice %arg3[%arg0, %arg1, %add3A_13, %dma_wait3A_36, %dma_wait3A_37] : memref<2x16x5x16x128xi32, #tpu.memory_space<hbm>> -> memref<1x1x1x16x128xi32, #tpu.memory_space<hbm>>
        %dma_wait3A_39 = tpu.memref_squeeze %dma_wait3A_38 : memref<1x1x1x16x128xi32, #tpu.memory_space<hbm>> -> memref<16x128xi32, #tpu.memory_space<hbm>>
        tpu.wait_dma2 semaphore(%run_scoped3A : memref<!tpu.dma_semaphore, #tpu.memory_space<semaphore_mem>>) src(%dma_wait3A_39 : memref<16x128xi32, #tpu.memory_space<hbm>>) dst(%arg7 : memref<16x128xi32, #tpu.memory_space<vmem>>)
        tpu.yield
      }) : () -> ()
      "tpu.region"() ({
        %run_scoped3A = tpu.sem_alloc : memref<!tpu.dma_semaphore, #tpu.memory_space<semaphore_mem>>
        %dma_start3A_25 = arith.constant 0 : i32
        %dma_start3A_26 = arith.constant 0 : i32
        %dma_start3A_27 = tpu.memref_slice %arg4[%arg1, %add3A_13, %dma_start3A_25, %dma_start3A_26] : memref<16x5x16x128xi32, #tpu.memory_space<hbm>> -> memref<1x1x16x128xi32, #tpu.memory_space<hbm>>
        %dma_start3A_28 = tpu.memref_squeeze %dma_start3A_27 : memref<1x1x16x128xi32, #tpu.memory_space<hbm>> -> memref<16x128xi32, #tpu.memory_space<hbm>>
        %dma_start3A_29 = arith.constant 0 : i32
        %dma_start3A_30 = arith.constant 0 : i32
        %dma_start3A_31 = tpu.memref_slice %arg4[%arg1, %add3A_13, %dma_start3A_29, %dma_start3A_30] : memref<16x5x16x128xi32, #tpu.memory_space<hbm>> -> memref<1x1x16x128xi32, #tpu.memory_space<hbm>>
        %dma_start3A_32 = tpu.memref_squeeze %dma_start3A_31 : memref<1x1x16x128xi32, #tpu.memory_space<hbm>> -> memref<16x128xi32, #tpu.memory_space<hbm>>
        tpu.enqueue_dma source(%dma_start3A_32 : memref<16x128xi32, #tpu.memory_space<hbm>>) target(%arg8 : memref<16x128xi32, #tpu.memory_space<vmem>>) target_semaphore(%run_scoped3A : memref<!tpu.dma_semaphore, #tpu.memory_space<semaphore_mem>>)
        %dma_wait3A = arith.constant 0 : i32
        %dma_wait3A_33 = arith.constant 0 : i32
        %dma_wait3A_34 = tpu.memref_slice %arg4[%arg1, %add3A_13, %dma_wait3A, %dma_wait3A_33] : memref<16x5x16x128xi32, #tpu.memory_space<hbm>> -> memref<1x1x16x128xi32, #tpu.memory_space<hbm>>
        %dma_wait3A_35 = tpu.memref_squeeze %dma_wait3A_34 : memref<1x1x16x128xi32, #tpu.memory_space<hbm>> -> memref<16x128xi32, #tpu.memory_space<hbm>>
        %dma_wait3A_36 = arith.constant 0 : i32
        %dma_wait3A_37 = arith.constant 0 : i32
        %dma_wait3A_38 = tpu.memref_slice %arg4[%arg1, %add3A_13, %dma_wait3A_36, %dma_wait3A_37] : memref<16x5x16x128xi32, #tpu.memory_space<hbm>> -> memref<1x1x16x128xi32, #tpu.memory_space<hbm>>
        %dma_wait3A_39 = tpu.memref_squeeze %dma_wait3A_38 : memref<1x1x16x128xi32, #tpu.memory_space<hbm>> -> memref<16x128xi32, #tpu.memory_space<hbm>>
        tpu.wait_dma2 semaphore(%run_scoped3A : memref<!tpu.dma_semaphore, #tpu.memory_space<semaphore_mem>>) src(%dma_wait3A_39 : memref<16x128xi32, #tpu.memory_space<hbm>>) dst(%arg8 : memref<16x128xi32, #tpu.memory_space<vmem>>)
        tpu.yield
      }) : () -> ()
      %dma_start3A = arith.constant 0 : i32
      %dma_start3A_14 = arith.constant 0 : i32
      %dma_start3A_15 = tpu.memref_slice %arg7[%dma_start3A, %dma_start3A_14] : memref<16x128xi32, #tpu.memory_space<vmem>> -> memref<1x128xi32, #tpu.memory_space<vmem>>
      %dma_start3A_16 = tpu.memref_squeeze %dma_start3A_15 : memref<1x128xi32, #tpu.memory_space<vmem>> -> memref<128xi32, #tpu.memory_space<vmem>>
      %dma_start3A_17 = arith.constant 0 : i32
      %dma_start3A_18 = arith.constant 0 : i32
      %dma_start3A_19 = tpu.memref_slice %arg2[%dma_start3A_17, %dma_start3A_18] : memref<81920x128xf32, #tpu.memory_space<hbm>> -> memref<81920x128xf32, #tpu.memory_space<hbm>>
      tpu.enqueue_indirect_dma source(%dma_start3A_19 : memref<81920x128xf32, #tpu.memory_space<hbm>>) target(%arg9 : memref<128x128xf32, #tpu.memory_space<vmem>>) offsets(%dma_start3A_16 : memref<128xi32, #tpu.memory_space<vmem>>) semaphore(%arg12 : memref<!tpu.dma_semaphore, #tpu.memory_space<semaphore_mem>>)
      %scan3A_20 = arith.constant 0 : i32
      %scan3A_21 = arith.constant 8 : i32
      %scan3A_22 = arith.addi %scan3A_20, %scan3A_21 : i32
      %scan3A_23 = arith.constant 1 : i32
      scf.for %scan3A_25 = %scan3A_20 to %scan3A_22 step %scan3A_23  : i32 {
        %mul3A_26 = arith.constant 2 : i32
        %mul3A_27 = arith.muli %scan3A_25, %mul3A_26 : i32
        %add3A_28 = arith.constant 0 : i32
        %add3A_29 = arith.addi %add3A_28, %mul3A_27 : i32
        %dma_wait3A = arith.constant 0 : i32
        %dma_wait3A_30 = tpu.memref_slice %arg7[%add3A_29, %dma_wait3A] : memref<16x128xi32, #tpu.memory_space<vmem>> -> memref<1x128xi32, #tpu.memory_space<vmem>>
        %dma_wait3A_31 = tpu.memref_squeeze %dma_wait3A_30 : memref<1x128xi32, #tpu.memory_space<vmem>> -> memref<128xi32, #tpu.memory_space<vmem>>
        %dma_wait3A_32 = arith.constant 0 : i32
        %dma_wait3A_33 = arith.constant 0 : i32
        %dma_wait3A_34 = tpu.memref_slice %arg2[%dma_wait3A_32, %dma_wait3A_33] : memref<81920x128xf32, #tpu.memory_space<hbm>> -> memref<81920x128xf32, #tpu.memory_space<hbm>>
        tpu.wait_indirect_dma semaphore(%arg12 : memref<!tpu.dma_semaphore, #tpu.memory_space<semaphore_mem>>) src(%dma_wait3A_34 : memref<81920x128xf32, #tpu.memory_space<hbm>>) dst(%arg9 : memref<128x128xf32, #tpu.memory_space<vmem>>)
        %add3A_35 = arith.constant 1 : i32
        %add3A_36 = arith.addi %add3A_29, %add3A_35 : i32
        %dma_start3A_37 = arith.constant 0 : i32
        %dma_start3A_38 = tpu.memref_slice %arg7[%add3A_36, %dma_start3A_37] : memref<16x128xi32, #tpu.memory_space<vmem>> -> memref<1x128xi32, #tpu.memory_space<vmem>>
        %dma_start3A_39 = tpu.memref_squeeze %dma_start3A_38 : memref<1x128xi32, #tpu.memory_space<vmem>> -> memref<128xi32, #tpu.memory_space<vmem>>
        %dma_start3A_40 = arith.constant 0 : i32
        %dma_start3A_41 = arith.constant 0 : i32
        %dma_start3A_42 = tpu.memref_slice %arg2[%dma_start3A_40, %dma_start3A_41] : memref<81920x128xf32, #tpu.memory_space<hbm>> -> memref<81920x128xf32, #tpu.memory_space<hbm>>
        tpu.enqueue_indirect_dma source(%dma_start3A_42 : memref<81920x128xf32, #tpu.memory_space<hbm>>) target(%arg10 : memref<128x128xf32, #tpu.memory_space<vmem>>) offsets(%dma_start3A_39 : memref<128xi32, #tpu.memory_space<vmem>>) semaphore(%arg13 : memref<!tpu.dma_semaphore, #tpu.memory_space<semaphore_mem>>)
        "tpu.region"() ({
          %run_scoped3A = tpu.sem_alloc : memref<!tpu.dma_semaphore, #tpu.memory_space<semaphore_mem>>
          %dma_start3A_57 = arith.constant 0 : i32
          %dma_start3A_58 = tpu.memref_slice %arg8[%add3A_29, %dma_start3A_57] : memref<16x128xi32, #tpu.memory_space<vmem>> -> memref<1x128xi32, #tpu.memory_space<vmem>>
          %dma_start3A_59 = tpu.memref_squeeze %dma_start3A_58 : memref<1x128xi32, #tpu.memory_space<vmem>> -> memref<128xi32, #tpu.memory_space<vmem>>
          %dma_start3A_60 = arith.constant 0 : i32
          %dma_start3A_61 = arith.constant 0 : i32
          %dma_start3A_62 = tpu.memref_slice %arg11[%dma_start3A_60, %dma_start3A_61] : memref<10240x128xf32, #tpu.memory_space<vmem_shared>> -> memref<10240x128xf32, #tpu.memory_space<vmem_shared>>
          tpu.enqueue_indirect_dma source(%arg9 : memref<128x128xf32, #tpu.memory_space<vmem>>) target(%dma_start3A_62 : memref<10240x128xf32, #tpu.memory_space<vmem_shared>>) offsets(%dma_start3A_59 : memref<128xi32, #tpu.memory_space<vmem>>) semaphore(%run_scoped3A : memref<!tpu.dma_semaphore, #tpu.memory_space<semaphore_mem>>) {add = true}
          %dma_wait3A_63 = arith.constant 0 : i32
          %dma_wait3A_64 = tpu.memref_slice %arg8[%add3A_29, %dma_wait3A_63] : memref<16x128xi32, #tpu.memory_space<vmem>> -> memref<1x128xi32, #tpu.memory_space<vmem>>
          %dma_wait3A_65 = tpu.memref_squeeze %dma_wait3A_64 : memref<1x128xi32, #tpu.memory_space<vmem>> -> memref<128xi32, #tpu.memory_space<vmem>>
          %dma_wait3A_66 = arith.constant 0 : i32
          %dma_wait3A_67 = arith.constant 0 : i32
          %dma_wait3A_68 = tpu.memref_slice %arg11[%dma_wait3A_66, %dma_wait3A_67] : memref<10240x128xf32, #tpu.memory_space<vmem_shared>> -> memref<10240x128xf32, #tpu.memory_space<vmem_shared>>
          tpu.wait_indirect_dma semaphore(%run_scoped3A : memref<!tpu.dma_semaphore, #tpu.memory_space<semaphore_mem>>) src(%arg9 : memref<128x128xf32, #tpu.memory_space<vmem>>) dst(%dma_wait3A_68 : memref<10240x128xf32, #tpu.memory_space<vmem_shared>>)
          tpu.yield
        }) : () -> ()
        %add3A_43 = arith.constant 1 : i32
        %add3A_44 = arith.addi %add3A_29, %add3A_43 : i32
        %dma_wait3A_45 = arith.constant 0 : i32
        %dma_wait3A_46 = tpu.memref_slice %arg7[%add3A_44, %dma_wait3A_45] : memref<16x128xi32, #tpu.memory_space<vmem>> -> memref<1x128xi32, #tpu.memory_space<vmem>>
        %dma_wait3A_47 = tpu.memref_squeeze %dma_wait3A_46 : memref<1x128xi32, #tpu.memory_space<vmem>> -> memref<128xi32, #tpu.memory_space<vmem>>
        %dma_wait3A_48 = arith.constant 0 : i32
        %dma_wait3A_49 = arith.constant 0 : i32
        %dma_wait3A_50 = tpu.memref_slice %arg2[%dma_wait3A_48, %dma_wait3A_49] : memref<81920x128xf32, #tpu.memory_space<hbm>> -> memref<81920x128xf32, #tpu.memory_space<hbm>>
        tpu.wait_indirect_dma semaphore(%arg13 : memref<!tpu.dma_semaphore, #tpu.memory_space<semaphore_mem>>) src(%dma_wait3A_50 : memref<81920x128xf32, #tpu.memory_space<hbm>>) dst(%arg10 : memref<128x128xf32, #tpu.memory_space<vmem>>)
        %add3A_51 = arith.constant 2 : i32
        %add3A_52 = arith.addi %add3A_29, %add3A_51 : i32
        %lt3A = arith.constant 16 : i32
        %lt3A_53 = arith.cmpi slt, %add3A_52, %lt3A : i32
        %convert_element_type3A = arith.extui %lt3A_53 : i1 to i32
        %cond3A = arith.constant 0 : i32
        %cond3A_54 = arith.cmpi ne, %convert_element_type3A, %cond3A : i32
        scf.if %cond3A_54 {
          %add3A_57 = arith.constant 2 : i32
          %add3A_58 = arith.addi %add3A_29, %add3A_57 : i32
          %dma_start3A_59 = arith.constant 0 : i32
          %dma_start3A_60 = tpu.memref_slice %arg7[%add3A_58, %dma_start3A_59] : memref<16x128xi32, #tpu.memory_space<vmem>> -> memref<1x128xi32, #tpu.memory_space<vmem>>
          %dma_start3A_61 = tpu.memref_squeeze %dma_start3A_60 : memref<1x128xi32, #tpu.memory_space<vmem>> -> memref<128xi32, #tpu.memory_space<vmem>>
          %dma_start3A_62 = arith.constant 0 : i32
          %dma_start3A_63 = arith.constant 0 : i32
          %dma_start3A_64 = tpu.memref_slice %arg2[%dma_start3A_62, %dma_start3A_63] : memref<81920x128xf32, #tpu.memory_space<hbm>> -> memref<81920x128xf32, #tpu.memory_space<hbm>>
          tpu.enqueue_indirect_dma source(%dma_start3A_64 : memref<81920x128xf32, #tpu.memory_space<hbm>>) target(%arg9 : memref<128x128xf32, #tpu.memory_space<vmem>>) offsets(%dma_start3A_61 : memref<128xi32, #tpu.memory_space<vmem>>) semaphore(%arg12 : memref<!tpu.dma_semaphore, #tpu.memory_space<semaphore_mem>>)
        } else {
        }
        %add3A_55 = arith.constant 1 : i32
        %add3A_56 = arith.addi %add3A_29, %add3A_55 : i32
        "tpu.region"() ({
          %run_scoped3A = tpu.sem_alloc : memref<!tpu.dma_semaphore, #tpu.memory_space<semaphore_mem>>
          %dma_start3A_57 = arith.constant 0 : i32
          %dma_start3A_58 = tpu.memref_slice %arg8[%add3A_56, %dma_start3A_57] : memref<16x128xi32, #tpu.memory_space<vmem>> -> memref<1x128xi32, #tpu.memory_space<vmem>>
          %dma_start3A_59 = tpu.memref_squeeze %dma_start3A_58 : memref<1x128xi32, #tpu.memory_space<vmem>> -> memref<128xi32, #tpu.memory_space<vmem>>
          %dma_start3A_60 = arith.constant 0 : i32
          %dma_start3A_61 = arith.constant 0 : i32
          %dma_start3A_62 = tpu.memref_slice %arg11[%dma_start3A_60, %dma_start3A_61] : memref<10240x128xf32, #tpu.memory_space<vmem_shared>> -> memref<10240x128xf32, #tpu.memory_space<vmem_shared>>
          tpu.enqueue_indirect_dma source(%arg10 : memref<128x128xf32, #tpu.memory_space<vmem>>) target(%dma_start3A_62 : memref<10240x128xf32, #tpu.memory_space<vmem_shared>>) offsets(%dma_start3A_59 : memref<128xi32, #tpu.memory_space<vmem>>) semaphore(%run_scoped3A : memref<!tpu.dma_semaphore, #tpu.memory_space<semaphore_mem>>) {add = true}
          %dma_wait3A_63 = arith.constant 0 : i32
          %dma_wait3A_64 = tpu.memref_slice %arg8[%add3A_56, %dma_wait3A_63] : memref<16x128xi32, #tpu.memory_space<vmem>> -> memref<1x128xi32, #tpu.memory_space<vmem>>
          %dma_wait3A_65 = tpu.memref_squeeze %dma_wait3A_64 : memref<1x128xi32, #tpu.memory_space<vmem>> -> memref<128xi32, #tpu.memory_space<vmem>>
          %dma_wait3A_66 = arith.constant 0 : i32
          %dma_wait3A_67 = arith.constant 0 : i32
          %dma_wait3A_68 = tpu.memref_slice %arg11[%dma_wait3A_66, %dma_wait3A_67] : memref<10240x128xf32, #tpu.memory_space<vmem_shared>> -> memref<10240x128xf32, #tpu.memory_space<vmem_shared>>
          tpu.wait_indirect_dma semaphore(%run_scoped3A : memref<!tpu.dma_semaphore, #tpu.memory_space<semaphore_mem>>) src(%arg10 : memref<128x128xf32, #tpu.memory_space<vmem>>) dst(%dma_wait3A_68 : memref<10240x128xf32, #tpu.memory_space<vmem_shared>>)
          tpu.yield
        }) : () -> ()
      }
      %scan3A_24 = arith.constant 8 : i32
    }
    %scan3A_4 = arith.constant 5 : i32
    %barrier3A_5 = arith.constant 0 : index
    tpu.barrier barrier_id(%barrier3A_5)
    %mul3A_6 = arith.constant 640 : i32
    %mul3A_7 = arith.muli %arg1, %mul3A_6 : i32
    %mul3A_8 = arith.constant 640 : i32
    %mul3A_9 = arith.muli %arg1, %mul3A_8 : i32
    "tpu.region"() ({
      %run_scoped3A = tpu.sem_alloc : memref<!tpu.dma_semaphore, #tpu.memory_space<semaphore_mem>>
      %dma_start3A = arith.constant 0 : i32
      %dma_start3A_10 = arith.constant 0 : i32
      %dma_start3A_11 = tpu.memref_slice %arg6[%arg0, %dma_start3A, %dma_start3A_10] : memref<2x10240x128xf32, #tpu.memory_space<hbm>> -> memref<1x10240x128xf32, #tpu.memory_space<hbm>>
      %dma_start3A_12 = tpu.memref_squeeze %dma_start3A_11 : memref<1x10240x128xf32, #tpu.memory_space<hbm>> -> memref<10240x128xf32, #tpu.memory_space<hbm>>
      %dma_start3A_13 = arith.constant 0 : i32
      %dma_start3A_14 = tpu.memref_slice %dma_start3A_12[%mul3A_9, %dma_start3A_13] : memref<10240x128xf32, #tpu.memory_space<hbm>> -> memref<640x128xf32, #tpu.memory_space<hbm>>
      %dma_start3A_15 = arith.constant 0 : i32
      %dma_start3A_16 = tpu.memref_slice %arg11[%mul3A_7, %dma_start3A_15] : memref<10240x128xf32, #tpu.memory_space<vmem_shared>> -> memref<640x128xf32, #tpu.memory_space<vmem_shared>>
      tpu.enqueue_dma source(%dma_start3A_16 : memref<640x128xf32, #tpu.memory_space<vmem_shared>>) target(%dma_start3A_14 : memref<640x128xf32, #tpu.memory_space<hbm>>) target_semaphore(%run_scoped3A : memref<!tpu.dma_semaphore, #tpu.memory_space<semaphore_mem>>)
      %dma_wait3A = arith.constant 0 : i32
      %dma_wait3A_17 = arith.constant 0 : i32
      %dma_wait3A_18 = tpu.memref_slice %arg6[%arg0, %dma_wait3A, %dma_wait3A_17] : memref<2x10240x128xf32, #tpu.memory_space<hbm>> -> memref<1x10240x128xf32, #tpu.memory_space<hbm>>
      %dma_wait3A_19 = tpu.memref_squeeze %dma_wait3A_18 : memref<1x10240x128xf32, #tpu.memory_space<hbm>> -> memref<10240x128xf32, #tpu.memory_space<hbm>>
      %dma_wait3A_20 = arith.constant 0 : i32
      %dma_wait3A_21 = tpu.memref_slice %dma_wait3A_19[%mul3A_9, %dma_wait3A_20] : memref<10240x128xf32, #tpu.memory_space<hbm>> -> memref<640x128xf32, #tpu.memory_space<hbm>>
      %dma_wait3A_22 = arith.constant 0 : i32
      %dma_wait3A_23 = tpu.memref_slice %arg11[%mul3A_7, %dma_wait3A_22] : memref<10240x128xf32, #tpu.memory_space<vmem_shared>> -> memref<640x128xf32, #tpu.memory_space<vmem_shared>>
      tpu.wait_dma2 semaphore(%run_scoped3A : memref<!tpu.dma_semaphore, #tpu.memory_space<semaphore_mem>>) src(%dma_wait3A_23 : memref<640x128xf32, #tpu.memory_space<vmem_shared>>) dst(%dma_wait3A_21 : memref<640x128xf32, #tpu.memory_space<hbm>>)
      tpu.yield
    }) : () -> ()
    return
  }
}

#map = affine_map<(d0, d1) -> (0, 0)>
#map1 = affine_map<(d0, d1) -> (0, 0, 0, 0, 0)>
#map2 = affine_map<(d0, d1) -> (0, 0, 0, 0)>
#map3 = affine_map<(d0, d1) -> (0, 0, 0)>
module attributes {stable_mosaic.version = 14 : i64} {
  func.func @seg_kernel(%arg0: i32, %arg1: i32, %arg2: memref<81920x128xf32, #tpu.memory_space<hbm>>, %arg3: memref<2x16x5x16x128xi32, #tpu.memory_space<hbm>>, %arg4: memref<16x5x16x128xi32, #tpu.memory_space<hbm>>, %arg5: memref<640x128xf32, #tpu.memory_space<hbm>>, %arg6: memref<2x10240x128xf32, #tpu.memory_space<hbm>>, %arg7: memref<16x128xi32, #tpu.memory_space<vmem>>, %arg8: memref<16x128xi32, #tpu.memory_space<vmem>>, %arg9: memref<128x128xf32, #tpu.memory_space<vmem>>, %arg10: memref<128x128xf32, #tpu.memory_space<vmem>>, %arg11: memref<10240x128xf32, #tpu.memory_space<vmem_shared>>, %arg12: memref<!tpu.dma_semaphore, #tpu.memory_space<semaphore_mem>>, %arg13: memref<!tpu.dma_semaphore, #tpu.memory_space<semaphore_mem>>) attributes {dimension_semantics = [#tpu.dimension_semantics<core_parallel>, #tpu.dimension_semantics<subcore_parallel>], iteration_bounds = array<i64: 2, 16>, scalar_prefetch = 0 : i64, scratch_operands = 7 : i64, tpu.core_type = #tpu.core_type<sc_vector_subcore>, window_params = [{transform_indices = #map}, {transform_indices = #map1}, {transform_indices = #map2}, {transform_indices = #map}, {transform_indices = #map3}]} {
    %mul3A = arith.constant 640 : i32
    %mul3A_0 = arith.muli %arg1, %mul3A : i32
    "tpu.region"() ({
      %run_scoped3A = tpu.sem_alloc : memref<!tpu.dma_semaphore, #tpu.memory_space<semaphore_mem>>
      %dma_start3A = arith.constant 0 : i32
      %dma_start3A_10 = tpu.memref_slice %arg11[%mul3A_0, %dma_start3A] : memref<10240x128xf32, #tpu.memory_space<vmem_shared>> -> memref<640x128xf32, #tpu.memory_space<vmem_shared>>
      tpu.enqueue_dma source(%arg5 : memref<640x128xf32, #tpu.memory_space<hbm>>) target(%dma_start3A_10 : memref<640x128xf32, #tpu.memory_space<vmem_shared>>) target_semaphore(%run_scoped3A : memref<!tpu.dma_semaphore, #tpu.memory_space<semaphore_mem>>)
      %dma_wait3A = arith.constant 0 : i32
      %dma_wait3A_11 = tpu.memref_slice %arg11[%mul3A_0, %dma_wait3A] : memref<10240x128xf32, #tpu.memory_space<vmem_shared>> -> memref<640x128xf32, #tpu.memory_space<vmem_shared>>
      tpu.wait_dma2 semaphore(%run_scoped3A : memref<!tpu.dma_semaphore, #tpu.memory_space<semaphore_mem>>) src(%arg5 : memref<640x128xf32, #tpu.memory_space<hbm>>) dst(%dma_wait3A_11 : memref<640x128xf32, #tpu.memory_space<vmem_shared>>)
      tpu.yield
    }) : () -> ()
    %barrier3A = arith.constant 0 : index
    tpu.barrier barrier_id(%barrier3A)
    %scan3A = arith.constant 0 : i32
    %scan3A_1 = arith.constant 5 : i32
    %scan3A_2 = arith.addi %scan3A, %scan3A_1 : i32
    %scan3A_3 = arith.constant 1 : i32
    scf.for %scan3A_10 = %scan3A to %scan3A_2 step %scan3A_3  : i32 {
      %mul3A_11 = arith.constant 1 : i32
      %mul3A_12 = arith.muli %scan3A_10, %mul3A_11 : i32
      %add3A = arith.constant 0 : i32
      %add3A_13 = arith.addi %add3A, %mul3A_12 : i32
      "tpu.region"() ({
        %run_scoped3A = tpu.sem_alloc : memref<!tpu.dma_semaphore, #tpu.memory_space<semaphore_mem>>
        %dma_start3A_25 = arith.constant 0 : i32
        %dma_start3A_26 = arith.constant 0 : i32
        %dma_start3A_27 = tpu.memref_slice %arg3[%arg0, %arg1, %add3A_13, %dma_start3A_25, %dma_start3A_26] : memref<2x16x5x16x128xi32, #tpu.memory_space<hbm>> -> memref<1x1x1x16x128xi32, #tpu.memory_space<hbm>>
        %dma_start3A_28 = tpu.memref_squeeze %dma_start3A_27 : memref<1x1x1x16x128xi32, #tpu.memory_space<hbm>> -> memref<16x128xi32, #tpu.memory_space<hbm>>
        %dma_start3A_29 = arith.constant 0 : i32
        %dma_start3A_30 = arith.constant 0 : i32
        %dma_start3A_31 = tpu.memref_slice %arg3[%arg0, %arg1, %add3A_13, %dma_start3A_29, %dma_start3A_30] : memref<2x16x5x16x128xi32, #tpu.memory_space<hbm>> -> memref<1x1x1x16x128xi32, #tpu.memory_space<hbm>>
        %dma_start3A_32 = tpu.memref_squeeze %dma_start3A_31 : memref<1x1x1x16x128xi32, #tpu.memory_space<hbm>> -> memref<16x128xi32, #tpu.memory_space<hbm>>
        tpu.enqueue_dma source(%dma_start3A_32 : memref<16x128xi32, #tpu.memory_space<hbm>>) target(%arg7 : memref<16x128xi32, #tpu.memory_space<vmem>>) target_semaphore(%run_scoped3A : memref<!tpu.dma_semaphore, #tpu.memory_space<semaphore_mem>>)
        %dma_wait3A = arith.constant 0 : i32
        %dma_wait3A_33 = arith.constant 0 : i32
        %dma_wait3A_34 = tpu.memref_slice %arg3[%arg0, %arg1, %add3A_13, %dma_wait3A, %dma_wait3A_33] : memref<2x16x5x16x128xi32, #tpu.memory_space<hbm>> -> memref<1x1x1x16x128xi32, #tpu.memory_space<hbm>>
        %dma_wait3A_35 = tpu.memref_squeeze %dma_wait3A_34 : memref<1x1x1x16x128xi32, #tpu.memory_space<hbm>> -> memref<16x128xi32, #tpu.memory_space<hbm>>
        %dma_wait3A_36 = arith.constant 0 : i32
        %dma_wait3A_37 = arith.constant 0 : i32
        %dma_wait3A_38 = tpu.memref_slice %arg3[%arg0, %arg1, %add3A_13, %dma_wait3A_36, %dma_wait3A_37] : memref<2x16x5x16x128xi32, #tpu.memory_space<hbm>> -> memref<1x1x1x16x128xi32, #tpu.memory_space<hbm>>
        %dma_wait3A_39 = tpu.memref_squeeze %dma_wait3A_38 : memref<1x1x1x16x128xi32, #tpu.memory_space<hbm>> -> memref<16x128xi32, #tpu.memory_space<hbm>>
        tpu.wait_dma2 semaphore(%run_scoped3A : memref<!tpu.dma_semaphore, #tpu.memory_space<semaphore_mem>>) src(%dma_wait3A_39 : memref<16x128xi32, #tpu.memory_space<hbm>>) dst(%arg7 : memref<16x128xi32, #tpu.memory_space<vmem>>)
        tpu.yield
      }) : () -> ()
      "tpu.region"() ({
        %run_scoped3A = tpu.sem_alloc : memref<!tpu.dma_semaphore, #tpu.memory_space<semaphore_mem>>
        %dma_start3A_25 = arith.constant 0 : i32
        %dma_start3A_26 = arith.constant 0 : i32
        %dma_start3A_27 = tpu.memref_slice %arg4[%arg1, %add3A_13, %dma_start3A_25, %dma_start3A_26] : memref<16x5x16x128xi32, #tpu.memory_space<hbm>> -> memref<1x1x16x128xi32, #tpu.memory_space<hbm>>
        %dma_start3A_28 = tpu.memref_squeeze %dma_start3A_27 : memref<1x1x16x128xi32, #tpu.memory_space<hbm>> -> memref<16x128xi32, #tpu.memory_space<hbm>>
        %dma_start3A_29 = arith.constant 0 : i32
        %dma_start3A_30 = arith.constant 0 : i32
        %dma_start3A_31 = tpu.memref_slice %arg4[%arg1, %add3A_13, %dma_start3A_29, %dma_start3A_30] : memref<16x5x16x128xi32, #tpu.memory_space<hbm>> -> memref<1x1x16x128xi32, #tpu.memory_space<hbm>>
        %dma_start3A_32 = tpu.memref_squeeze %dma_start3A_31 : memref<1x1x16x128xi32, #tpu.memory_space<hbm>> -> memref<16x128xi32, #tpu.memory_space<hbm>>
        tpu.enqueue_dma source(%dma_start3A_32 : memref<16x128xi32, #tpu.memory_space<hbm>>) target(%arg8 : memref<16x128xi32, #tpu.memory_space<vmem>>) target_semaphore(%run_scoped3A : memref<!tpu.dma_semaphore, #tpu.memory_space<semaphore_mem>>)
        %dma_wait3A = arith.constant 0 : i32
        %dma_wait3A_33 = arith.constant 0 : i32
        %dma_wait3A_34 = tpu.memref_slice %arg4[%arg1, %add3A_13, %dma_wait3A, %dma_wait3A_33] : memref<16x5x16x128xi32, #tpu.memory_space<hbm>> -> memref<1x1x16x128xi32, #tpu.memory_space<hbm>>
        %dma_wait3A_35 = tpu.memref_squeeze %dma_wait3A_34 : memref<1x1x16x128xi32, #tpu.memory_space<hbm>> -> memref<16x128xi32, #tpu.memory_space<hbm>>
        %dma_wait3A_36 = arith.constant 0 : i32
        %dma_wait3A_37 = arith.constant 0 : i32
        %dma_wait3A_38 = tpu.memref_slice %arg4[%arg1, %add3A_13, %dma_wait3A_36, %dma_wait3A_37] : memref<16x5x16x128xi32, #tpu.memory_space<hbm>> -> memref<1x1x16x128xi32, #tpu.memory_space<hbm>>
        %dma_wait3A_39 = tpu.memref_squeeze %dma_wait3A_38 : memref<1x1x16x128xi32, #tpu.memory_space<hbm>> -> memref<16x128xi32, #tpu.memory_space<hbm>>
        tpu.wait_dma2 semaphore(%run_scoped3A : memref<!tpu.dma_semaphore, #tpu.memory_space<semaphore_mem>>) src(%dma_wait3A_39 : memref<16x128xi32, #tpu.memory_space<hbm>>) dst(%arg8 : memref<16x128xi32, #tpu.memory_space<vmem>>)
        tpu.yield
      }) : () -> ()
      %dma_start3A = arith.constant 0 : i32
      %dma_start3A_14 = arith.constant 0 : i32
      %dma_start3A_15 = tpu.memref_slice %arg7[%dma_start3A, %dma_start3A_14] : memref<16x128xi32, #tpu.memory_space<vmem>> -> memref<1x128xi32, #tpu.memory_space<vmem>>
      %dma_start3A_16 = tpu.memref_squeeze %dma_start3A_15 : memref<1x128xi32, #tpu.memory_space<vmem>> -> memref<128xi32, #tpu.memory_space<vmem>>
      %dma_start3A_17 = arith.constant 0 : i32
      %dma_start3A_18 = arith.constant 0 : i32
      %dma_start3A_19 = tpu.memref_slice %arg2[%dma_start3A_17, %dma_start3A_18] : memref<81920x128xf32, #tpu.memory_space<hbm>> -> memref<81920x128xf32, #tpu.memory_space<hbm>>
      tpu.enqueue_indirect_dma source(%dma_start3A_19 : memref<81920x128xf32, #tpu.memory_space<hbm>>) target(%arg9 : memref<128x128xf32, #tpu.memory_space<vmem>>) offsets(%dma_start3A_16 : memref<128xi32, #tpu.memory_space<vmem>>) semaphore(%arg12 : memref<!tpu.dma_semaphore, #tpu.memory_space<semaphore_mem>>)
      %scan3A_20 = arith.constant 0 : i32
      %scan3A_21 = arith.constant 8 : i32
      %scan3A_22 = arith.addi %scan3A_20, %scan3A_21 : i32
      %scan3A_23 = arith.constant 1 : i32
      scf.for %scan3A_25 = %scan3A_20 to %scan3A_22 step %scan3A_23  : i32 {
        %mul3A_26 = arith.constant 2 : i32
        %mul3A_27 = arith.muli %scan3A_25, %mul3A_26 : i32
        %add3A_28 = arith.constant 0 : i32
        %add3A_29 = arith.addi %add3A_28, %mul3A_27 : i32
        %dma_wait3A = arith.constant 0 : i32
        %dma_wait3A_30 = tpu.memref_slice %arg7[%add3A_29, %dma_wait3A] : memref<16x128xi32, #tpu.memory_space<vmem>> -> memref<1x128xi32, #tpu.memory_space<vmem>>
        %dma_wait3A_31 = tpu.memref_squeeze %dma_wait3A_30 : memref<1x128xi32, #tpu.memory_space<vmem>> -> memref<128xi32, #tpu.memory_space<vmem>>
        %dma_wait3A_32 = arith.constant 0 : i32
        %dma_wait3A_33 = arith.constant 0 : i32
        %dma_wait3A_34 = tpu.memref_slice %arg2[%dma_wait3A_32, %dma_wait3A_33] : memref<81920x128xf32, #tpu.memory_space<hbm>> -> memref<81920x128xf32, #tpu.memory_space<hbm>>
        tpu.wait_indirect_dma semaphore(%arg12 : memref<!tpu.dma_semaphore, #tpu.memory_space<semaphore_mem>>) src(%dma_wait3A_34 : memref<81920x128xf32, #tpu.memory_space<hbm>>) dst(%arg9 : memref<128x128xf32, #tpu.memory_space<vmem>>)
        %add3A_35 = arith.constant 1 : i32
        %add3A_36 = arith.addi %add3A_29, %add3A_35 : i32
        %dma_start3A_37 = arith.constant 0 : i32
        %dma_start3A_38 = tpu.memref_slice %arg7[%add3A_36, %dma_start3A_37] : memref<16x128xi32, #tpu.memory_space<vmem>> -> memref<1x128xi32, #tpu.memory_space<vmem>>
        %dma_start3A_39 = tpu.memref_squeeze %dma_start3A_38 : memref<1x128xi32, #tpu.memory_space<vmem>> -> memref<128xi32, #tpu.memory_space<vmem>>
        %dma_start3A_40 = arith.constant 0 : i32
        %dma_start3A_41 = arith.constant 0 : i32
        %dma_start3A_42 = tpu.memref_slice %arg2[%dma_start3A_40, %dma_start3A_41] : memref<81920x128xf32, #tpu.memory_space<hbm>> -> memref<81920x128xf32, #tpu.memory_space<hbm>>
        tpu.enqueue_indirect_dma source(%dma_start3A_42 : memref<81920x128xf32, #tpu.memory_space<hbm>>) target(%arg10 : memref<128x128xf32, #tpu.memory_space<vmem>>) offsets(%dma_start3A_39 : memref<128xi32, #tpu.memory_space<vmem>>) semaphore(%arg13 : memref<!tpu.dma_semaphore, #tpu.memory_space<semaphore_mem>>)
        "tpu.region"() ({
          %run_scoped3A = tpu.sem_alloc : memref<!tpu.dma_semaphore, #tpu.memory_space<semaphore_mem>>
          %dma_start3A_57 = arith.constant 0 : i32
          %dma_start3A_58 = tpu.memref_slice %arg8[%add3A_29, %dma_start3A_57] : memref<16x128xi32, #tpu.memory_space<vmem>> -> memref<1x128xi32, #tpu.memory_space<vmem>>
          %dma_start3A_59 = tpu.memref_squeeze %dma_start3A_58 : memref<1x128xi32, #tpu.memory_space<vmem>> -> memref<128xi32, #tpu.memory_space<vmem>>
          %dma_start3A_60 = arith.constant 0 : i32
          %dma_start3A_61 = arith.constant 0 : i32
          %dma_start3A_62 = tpu.memref_slice %arg11[%dma_start3A_60, %dma_start3A_61] : memref<10240x128xf32, #tpu.memory_space<vmem_shared>> -> memref<10240x128xf32, #tpu.memory_space<vmem_shared>>
          tpu.enqueue_indirect_dma source(%arg9 : memref<128x128xf32, #tpu.memory_space<vmem>>) target(%dma_start3A_62 : memref<10240x128xf32, #tpu.memory_space<vmem_shared>>) offsets(%dma_start3A_59 : memref<128xi32, #tpu.memory_space<vmem>>) semaphore(%run_scoped3A : memref<!tpu.dma_semaphore, #tpu.memory_space<semaphore_mem>>) {add = true}
          %dma_wait3A_63 = arith.constant 0 : i32
          %dma_wait3A_64 = tpu.memref_slice %arg8[%add3A_29, %dma_wait3A_63] : memref<16x128xi32, #tpu.memory_space<vmem>> -> memref<1x128xi32, #tpu.memory_space<vmem>>
          %dma_wait3A_65 = tpu.memref_squeeze %dma_wait3A_64 : memref<1x128xi32, #tpu.memory_space<vmem>> -> memref<128xi32, #tpu.memory_space<vmem>>
          %dma_wait3A_66 = arith.constant 0 : i32
          %dma_wait3A_67 = arith.constant 0 : i32
          %dma_wait3A_68 = tpu.memref_slice %arg11[%dma_wait3A_66, %dma_wait3A_67] : memref<10240x128xf32, #tpu.memory_space<vmem_shared>> -> memref<10240x128xf32, #tpu.memory_space<vmem_shared>>
          tpu.wait_indirect_dma semaphore(%run_scoped3A : memref<!tpu.dma_semaphore, #tpu.memory_space<semaphore_mem>>) src(%arg9 : memref<128x128xf32, #tpu.memory_space<vmem>>) dst(%dma_wait3A_68 : memref<10240x128xf32, #tpu.memory_space<vmem_shared>>)
          tpu.yield
        }) : () -> ()
        %add3A_43 = arith.constant 1 : i32
        %add3A_44 = arith.addi %add3A_29, %add3A_43 : i32
        %dma_wait3A_45 = arith.constant 0 : i32
        %dma_wait3A_46 = tpu.memref_slice %arg7[%add3A_44, %dma_wait3A_45] : memref<16x128xi32, #tpu.memory_space<vmem>> -> memref<1x128xi32, #tpu.memory_space<vmem>>
        %dma_wait3A_47 = tpu.memref_squeeze %dma_wait3A_46 : memref<1x128xi32, #tpu.memory_space<vmem>> -> memref<128xi32, #tpu.memory_space<vmem>>
        %dma_wait3A_48 = arith.constant 0 : i32
        %dma_wait3A_49 = arith.constant 0 : i32
        %dma_wait3A_50 = tpu.memref_slice %arg2[%dma_wait3A_48, %dma_wait3A_49] : memref<81920x128xf32, #tpu.memory_space<hbm>> -> memref<81920x128xf32, #tpu.memory_space<hbm>>
        tpu.wait_indirect_dma semaphore(%arg13 : memref<!tpu.dma_semaphore, #tpu.memory_space<semaphore_mem>>) src(%dma_wait3A_50 : memref<81920x128xf32, #tpu.memory_space<hbm>>) dst(%arg10 : memref<128x128xf32, #tpu.memory_space<vmem>>)
        %add3A_51 = arith.constant 2 : i32
        %add3A_52 = arith.addi %add3A_29, %add3A_51 : i32
        %lt3A = arith.constant 16 : i32
        %lt3A_53 = arith.cmpi slt, %add3A_52, %lt3A : i32
        %convert_element_type3A = arith.extui %lt3A_53 : i1 to i32
        %cond3A = arith.constant 0 : i32
        %cond3A_54 = arith.cmpi ne, %convert_element_type3A, %cond3A : i32
        scf.if %cond3A_54 {
          %add3A_57 = arith.constant 2 : i32
          %add3A_58 = arith.addi %add3A_29, %add3A_57 : i32
          %dma_start3A_59 = arith.constant 0 : i32
          %dma_start3A_60 = tpu.memref_slice %arg7[%add3A_58, %dma_start3A_59] : memref<16x128xi32, #tpu.memory_space<vmem>> -> memref<1x128xi32, #tpu.memory_space<vmem>>
          %dma_start3A_61 = tpu.memref_squeeze %dma_start3A_60 : memref<1x128xi32, #tpu.memory_space<vmem>> -> memref<128xi32, #tpu.memory_space<vmem>>
          %dma_start3A_62 = arith.constant 0 : i32
          %dma_start3A_63 = arith.constant 0 : i32
          %dma_start3A_64 = tpu.memref_slice %arg2[%dma_start3A_62, %dma_start3A_63] : memref<81920x128xf32, #tpu.memory_space<hbm>> -> memref<81920x128xf32, #tpu.memory_space<hbm>>
          tpu.enqueue_indirect_dma source(%dma_start3A_64 : memref<81920x128xf32, #tpu.memory_space<hbm>>) target(%arg9 : memref<128x128xf32, #tpu.memory_space<vmem>>) offsets(%dma_start3A_61 : memref<128xi32, #tpu.memory_space<vmem>>) semaphore(%arg12 : memref<!tpu.dma_semaphore, #tpu.memory_space<semaphore_mem>>)
        } else {
        }
        %add3A_55 = arith.constant 1 : i32
        %add3A_56 = arith.addi %add3A_29, %add3A_55 : i32
        "tpu.region"() ({
          %run_scoped3A = tpu.sem_alloc : memref<!tpu.dma_semaphore, #tpu.memory_space<semaphore_mem>>
          %dma_start3A_57 = arith.constant 0 : i32
          %dma_start3A_58 = tpu.memref_slice %arg8[%add3A_56, %dma_start3A_57] : memref<16x128xi32, #tpu.memory_space<vmem>> -> memref<1x128xi32, #tpu.memory_space<vmem>>
          %dma_start3A_59 = tpu.memref_squeeze %dma_start3A_58 : memref<1x128xi32, #tpu.memory_space<vmem>> -> memref<128xi32, #tpu.memory_space<vmem>>
          %dma_start3A_60 = arith.constant 0 : i32
          %dma_start3A_61 = arith.constant 0 : i32
          %dma_start3A_62 = tpu.memref_slice %arg11[%dma_start3A_60, %dma_start3A_61] : memref<10240x128xf32, #tpu.memory_space<vmem_shared>> -> memref<10240x128xf32, #tpu.memory_space<vmem_shared>>
          tpu.enqueue_indirect_dma source(%arg10 : memref<128x128xf32, #tpu.memory_space<vmem>>) target(%dma_start3A_62 : memref<10240x128xf32, #tpu.memory_space<vmem_shared>>) offsets(%dma_start3A_59 : memref<128xi32, #tpu.memory_space<vmem>>) semaphore(%run_scoped3A : memref<!tpu.dma_semaphore, #tpu.memory_space<semaphore_mem>>) {add = true}
          %dma_wait3A_63 = arith.constant 0 : i32
          %dma_wait3A_64 = tpu.memref_slice %arg8[%add3A_56, %dma_wait3A_63] : memref<16x128xi32, #tpu.memory_space<vmem>> -> memref<1x128xi32, #tpu.memory_space<vmem>>
          %dma_wait3A_65 = tpu.memref_squeeze %dma_wait3A_64 : memref<1x128xi32, #tpu.memory_space<vmem>> -> memref<128xi32, #tpu.memory_space<vmem>>
          %dma_wait3A_66 = arith.constant 0 : i32
          %dma_wait3A_67 = arith.constant 0 : i32
          %dma_wait3A_68 = tpu.memref_slice %arg11[%dma_wait3A_66, %dma_wait3A_67] : memref<10240x128xf32, #tpu.memory_space<vmem_shared>> -> memref<10240x128xf32, #tpu.memory_space<vmem_shared>>
          tpu.wait_indirect_dma semaphore(%run_scoped3A : memref<!tpu.dma_semaphore, #tpu.memory_space<semaphore_mem>>) src(%arg10 : memref<128x128xf32, #tpu.memory_space<vmem>>) dst(%dma_wait3A_68 : memref<10240x128xf32, #tpu.memory_space<vmem_shared>>)
          tpu.yield
        }) : () -> ()
      }
      %scan3A_24 = arith.constant 8 : i32
    }
    %scan3A_4 = arith.constant 5 : i32
    %barrier3A_5 = arith.constant 0 : index
    tpu.barrier barrier_id(%barrier3A_5)
    %mul3A_6 = arith.constant 640 : i32
    %mul3A_7 = arith.muli %arg1, %mul3A_6 : i32
    %mul3A_8 = arith.constant 640 : i32
    %mul3A_9 = arith.muli %arg1, %mul3A_8 : i32
    "tpu.region"() ({
      %run_scoped3A = tpu.sem_alloc : memref<!tpu.dma_semaphore, #tpu.memory_space<semaphore_mem>>
      %dma_start3A = arith.constant 0 : i32
      %dma_start3A_10 = arith.constant 0 : i32
      %dma_start3A_11 = tpu.memref_slice %arg6[%arg0, %dma_start3A, %dma_start3A_10] : memref<2x10240x128xf32, #tpu.memory_space<hbm>> -> memref<1x10240x128xf32, #tpu.memory_space<hbm>>
      %dma_start3A_12 = tpu.memref_squeeze %dma_start3A_11 : memref<1x10240x128xf32, #tpu.memory_space<hbm>> -> memref<10240x128xf32, #tpu.memory_space<hbm>>
      %dma_start3A_13 = arith.constant 0 : i32
      %dma_start3A_14 = tpu.memref_slice %dma_start3A_12[%mul3A_9, %dma_start3A_13] : memref<10240x128xf32, #tpu.memory_space<hbm>> -> memref<640x128xf32, #tpu.memory_space<hbm>>
      %dma_start3A_15 = arith.constant 0 : i32
      %dma_start3A_16 = tpu.memref_slice %arg11[%mul3A_7, %dma_start3A_15] : memref<10240x128xf32, #tpu.memory_space<vmem_shared>> -> memref<640x128xf32, #tpu.memory_space<vmem_shared>>
      tpu.enqueue_dma source(%dma_start3A_16 : memref<640x128xf32, #tpu.memory_space<vmem_shared>>) target(%dma_start3A_14 : memref<640x128xf32, #tpu.memory_space<hbm>>) target_semaphore(%run_scoped3A : memref<!tpu.dma_semaphore, #tpu.memory_space<semaphore_mem>>)
      %dma_wait3A = arith.constant 0 : i32
      %dma_wait3A_17 = arith.constant 0 : i32
      %dma_wait3A_18 = tpu.memref_slice %arg6[%arg0, %dma_wait3A, %dma_wait3A_17] : memref<2x10240x128xf32, #tpu.memory_space<hbm>> -> memref<1x10240x128xf32, #tpu.memory_space<hbm>>
      %dma_wait3A_19 = tpu.memref_squeeze %dma_wait3A_18 : memref<1x10240x128xf32, #tpu.memory_space<hbm>> -> memref<10240x128xf32, #tpu.memory_space<hbm>>
      %dma_wait3A_20 = arith.constant 0 : i32
      %dma_wait3A_21 = tpu.memref_slice %dma_wait3A_19[%mul3A_9, %dma_wait3A_20] : memref<10240x128xf32, #tpu.memory_space<hbm>> -> memref<640x128xf32, #tpu.memory_space<hbm>>
      %dma_wait3A_22 = arith.constant 0 : i32
      %dma_wait3A_23 = tpu.memref_slice %arg11[%mul3A_7, %dma_wait3A_22] : memref<10240x128xf32, #tpu.memory_space<vmem_shared>> -> memref<640x128xf32, #tpu.memory_space<vmem_shared>>
      tpu.wait_dma2 semaphore(%run_scoped3A : memref<!tpu.dma_semaphore, #tpu.memory_space<semaphore_mem>>) src(%dma_wait3A_23 : memref<640x128xf32, #tpu.memory_space<vmem_shared>>) dst(%dma_wait3A_21 : memref<640x128xf32, #tpu.memory_space<hbm>>)
      tpu.yield
    }) : () -> ()
    return
  }
}

module attributes {stable_mosaic.version = 14 : i64} {
  func.func @_trans_body(%arg0: i32, %arg1: i32, %arg2: i32, %arg3: memref<512x256xf32, #tpu.memory_space<vmem>>, %arg4: memref<1x1x128x256xf32, #tpu.memory_space<vmem>>, %arg5: memref<1x1x1x128xf32, #tpu.memory_space<vmem>>, %arg6: memref<512x128xf32, #tpu.memory_space<vmem>>) attributes {dimension_semantics = [#tpu.dimension_semantics<arbitrary>, #tpu.dimension_semantics<arbitrary>, #tpu.dimension_semantics<arbitrary>], iteration_bounds = array<i64: 20, 4, 2>, scalar_prefetch = 0 : i64, scratch_operands = 0 : i64, tpu.core_type = #tpu.core_type<tc>, window_params = [{transform_indices = @transform_0, window_bounds = array<i64: 512, 256>}, {transform_indices = @transform_1, window_bounds = array<i64: 1, 1, 128, 256>}, {transform_indices = @transform_2, window_bounds = array<i64: 1, 1, 1, 128>}, {transform_indices = @transform_3, window_bounds = array<i64: 512, 128>}]} {
    %get3A = arith.constant 0 : index
    %get3A_0 = arith.constant 0 : index
    %get3A_1 = vector.load %arg3[%get3A, %get3A_0] : memref<512x256xf32, #tpu.memory_space<vmem>>, vector<512x256xf32>
    %get3A_2 = arith.constant 0 : index
    %get3A_3 = arith.constant 0 : index
    %get3A_4 = arith.constant 0 : index
    %get3A_5 = arith.constant 0 : index
    %get3A_6 = vector.load %arg4[%get3A_2, %get3A_3, %get3A_4, %get3A_5] : memref<1x1x128x256xf32, #tpu.memory_space<vmem>>, vector<1x1x128x256xf32>
    %get3A_7 = vector.shape_cast %get3A_6 : vector<1x1x128x256xf32> to vector<128x256xf32>
    %dot_general3A = arith.constant dense<0.000000e+00> : vector<512x128xf32>
    %dot_general3A_8 = tpu.matmul %get3A_1, %get3A_7, %dot_general3A {dimension_numbers = #tpu.dot_dimension_numbers<[1], [1], [0], [0], [0, 0, 1, 0], [], []>, transpose_lhs_hint = false} : vector<512x256xf32>, vector<128x256xf32>, vector<512x128xf32> -> vector<512x128xf32>
    %get3A_9 = arith.constant 0 : index
    %get3A_10 = arith.constant 0 : index
    %get3A_11 = arith.constant 0 : index
    %get3A_12 = arith.constant 0 : index
    %get3A_13 = vector.load %arg5[%get3A_9, %get3A_10, %get3A_11, %get3A_12] : memref<1x1x1x128xf32, #tpu.memory_space<vmem>>, vector<1x1x1x128xf32>
    %get3A_14 = vector.shape_cast %get3A_13 : vector<1x1x1x128xf32> to vector<1x128xf32>
    %add3A = vector.broadcast %get3A_14 : vector<1x128xf32> to vector<512x128xf32>
    %add3A_15 = arith.addf %dot_general3A_8, %add3A : vector<512x128xf32>
    %swap3A = arith.constant 0 : index
    %swap3A_16 = arith.constant 0 : index
    %swap3A_17 = vector.load %arg6[%swap3A, %swap3A_16] : memref<512x128xf32, #tpu.memory_space<vmem>>, vector<512x128xf32>
    tpu.vector_store %arg6[%swap3A, %swap3A_16], %add3A_15 {strides = array<i32>} : memref<512x128xf32, #tpu.memory_space<vmem>>, vector<512x128xf32>,
    return
  }
  func.func @transform_0(%arg0: i32, %arg1: i32, %arg2: i32) -> (i32, i32) {
    %c0_i32 = arith.constant 0 : i32
    %c0_i32_0 = arith.constant 0 : i32
    return %arg0, %c0_i32 : i32, i32
  }
  func.func @transform_1(%arg0: i32, %arg1: i32, %arg2: i32) -> (i32, i32, i32, i32) {
    %c0_i32 = arith.constant 0 : i32
    %c0_i32_0 = arith.constant 0 : i32
    %c0_i32_1 = arith.constant 0 : i32
    return %arg1, %arg2, %c0_i32, %c0_i32_0 : i32, i32, i32, i32
  }
  func.func @transform_2(%arg0: i32, %arg1: i32, %arg2: i32) -> (i32, i32, i32, i32) {
    %c0_i32 = arith.constant 0 : i32
    %c0_i32_0 = arith.constant 0 : i32
    %c0_i32_1 = arith.constant 0 : i32
    return %arg1, %arg2, %c0_i32, %c0_i32_0 : i32, i32, i32, i32
  }
  func.func @transform_3(%arg0: i32, %arg1: i32, %arg2: i32) -> (i32, i32) {
    %mul3A = arith.constant 80 : i32
    %mul3A_0 = arith.muli %arg2, %mul3A : i32
    %mul3A_1 = arith.constant 20 : i32
    %mul3A_2 = arith.muli %arg1, %mul3A_1 : i32
    %add3A = arith.addi %mul3A_0, %mul3A_2 : i32
    %add3A_3 = arith.addi %add3A, %arg0 : i32
    %c0_i32 = arith.constant 0 : i32
    %c0_i32_4 = arith.constant 0 : i32
    return %add3A_3, %c0_i32 : i32, i32
  }
}

module attributes {stable_mosaic.version = 14 : i64} {
  func.func @_gru_body(%arg0: i32, %arg1: memref<2x512x128xf32, #tpu.memory_space<vmem>>, %arg2: memref<512x256xf32, #tpu.memory_space<vmem>>, %arg3: memref<768x256xf32, #tpu.memory_space<vmem>>, %arg4: memref<768x256xf32, #tpu.memory_space<vmem>>, %arg5: memref<1x768xf32, #tpu.memory_space<vmem>>, %arg6: memref<1x768xf32, #tpu.memory_space<vmem>>, %arg7: memref<512x256xf32, #tpu.memory_space<vmem>>) attributes {dimension_semantics = [#tpu.dimension_semantics<arbitrary>], iteration_bounds = array<i64: 20>, scalar_prefetch = 0 : i64, scratch_operands = 0 : i64, tpu.core_type = #tpu.core_type<tc>, window_params = [{transform_indices = @transform_0, window_bounds = array<i64: 2, 512, 128>}, {transform_indices = @transform_1, window_bounds = array<i64: 512, 256>}, {pipeline_mode = #tpu.pipeline_mode<synchronous>, transform_indices = @transform_2, window_bounds = array<i64: 768, 256>}, {pipeline_mode = #tpu.pipeline_mode<synchronous>, transform_indices = @transform_3, window_bounds = array<i64: 768, 256>}, {pipeline_mode = #tpu.pipeline_mode<synchronous>, transform_indices = @transform_4, window_bounds = array<i64: 1, 768>}, {pipeline_mode = #tpu.pipeline_mode<synchronous>, transform_indices = @transform_5, window_bounds = array<i64: 1, 768>}, {transform_indices = @transform_6, window_bounds = array<i64: 512, 256>}]} {
    %get3A = arith.constant 0 : index
    %get3A_0 = arith.constant 0 : index
    %get3A_1 = arith.constant 0 : index
    %get3A_2 = vector.load %arg1[%get3A, %get3A_0, %get3A_1] : memref<2x512x128xf32, #tpu.memory_space<vmem>>, vector<1x512x128xf32>
    %get3A_3 = vector.shape_cast %get3A_2 : vector<1x512x128xf32> to vector<512x128xf32>
    %get3A_4 = arith.constant 1 : index
    %get3A_5 = arith.constant 0 : index
    %get3A_6 = arith.constant 0 : index
    %get3A_7 = vector.load %arg1[%get3A_4, %get3A_5, %get3A_6] : memref<2x512x128xf32, #tpu.memory_space<vmem>>, vector<1x512x128xf32>
    %get3A_8 = vector.shape_cast %get3A_7 : vector<1x512x128xf32> to vector<512x128xf32>
    %concatenate3A = tpu.concatenate %get3A_3, %get3A_8 in 1 : vector<512x128xf32>, vector<512x128xf32> -> vector<512x256xf32>
    %get3A_9 = arith.constant 0 : index
    %get3A_10 = arith.constant 0 : index
    %get3A_11 = vector.load %arg2[%get3A_9, %get3A_10] : memref<512x256xf32, #tpu.memory_space<vmem>>, vector<512x256xf32>
    %get3A_12 = arith.constant 0 : index
    %get3A_13 = arith.constant 0 : index
    %get3A_14 = vector.load %arg3[%get3A_12, %get3A_13] : memref<768x256xf32, #tpu.memory_space<vmem>>, vector<768x256xf32>
    %dot_general3A = arith.constant dense<0.000000e+00> : vector<512x768xf32>
    %dot_general3A_15 = tpu.matmul %concatenate3A, %get3A_14, %dot_general3A {dimension_numbers = #tpu.dot_dimension_numbers<[1], [1], [0], [0], [0, 0, 1, 0], [], []>, transpose_lhs_hint = false} : vector<512x256xf32>, vector<768x256xf32>, vector<512x768xf32> -> vector<512x768xf32>
    %get3A_16 = arith.constant 0 : index
    %get3A_17 = arith.constant 0 : index
    %get3A_18 = vector.load %arg5[%get3A_16, %get3A_17] : memref<1x768xf32, #tpu.memory_space<vmem>>, vector<1x768xf32>
    %add3A = vector.broadcast %get3A_18 : vector<1x768xf32> to vector<512x768xf32>
    %add3A_19 = arith.addf %dot_general3A_15, %add3A : vector<512x768xf32>
    %get3A_20 = arith.constant 0 : index
    %get3A_21 = arith.constant 0 : index
    %get3A_22 = vector.load %arg4[%get3A_20, %get3A_21] : memref<768x256xf32, #tpu.memory_space<vmem>>, vector<768x256xf32>
    %dot_general3A_23 = arith.constant dense<0.000000e+00> : vector<512x768xf32>
    %dot_general3A_24 = tpu.matmul %get3A_11, %get3A_22, %dot_general3A_23 {dimension_numbers = #tpu.dot_dimension_numbers<[1], [1], [0], [0], [0, 0, 1, 0], [], []>, transpose_lhs_hint = false} : vector<512x256xf32>, vector<768x256xf32>, vector<512x768xf32> -> vector<512x768xf32>
    %get3A_25 = arith.constant 0 : index
    %get3A_26 = arith.constant 0 : index
    %get3A_27 = vector.load %arg6[%get3A_25, %get3A_26] : memref<1x768xf32, #tpu.memory_space<vmem>>, vector<1x768xf32>
    %add3A_28 = vector.broadcast %get3A_27 : vector<1x768xf32> to vector<512x768xf32>
    %add3A_29 = arith.addf %dot_general3A_24, %add3A_28 : vector<512x768xf32>
    %slice3A = vector.extract_strided_slice %add3A_19 {offsets = [0, 0], sizes = [512, 256], strides = [1, 1]} : vector<512x768xf32> to vector<512x256xf32>
    %slice3A_30 = vector.extract_strided_slice %add3A_29 {offsets = [0, 0], sizes = [512, 256], strides = [1, 1]} : vector<512x768xf32> to vector<512x256xf32>
    %add3A_31 = arith.addf %slice3A, %slice3A_30 : vector<512x256xf32>
    %logistic3A = arith.negf %add3A_31 : vector<512x256xf32>
    %logistic3A_32 = math.exp %logistic3A : vector<512x256xf32>
    %logistic3A_33 = arith.constant 1.000000e+00 : f32
    %logistic3A_34 = vector.broadcast %logistic3A_33 : f32 to vector<512x256xf32>
    %logistic3A_35 = arith.addf %logistic3A_34, %logistic3A_32 : vector<512x256xf32>
    %logistic3A_36 = arith.divf %logistic3A_34, %logistic3A_35 : vector<512x256xf32>
    %slice3A_37 = vector.extract_strided_slice %add3A_19 {offsets = [0, 256], sizes = [512, 256], strides = [1, 1]} : vector<512x768xf32> to vector<512x256xf32>
    %slice3A_38 = vector.extract_strided_slice %add3A_29 {offsets = [0, 256], sizes = [512, 256], strides = [1, 1]} : vector<512x768xf32> to vector<512x256xf32>
    %add3A_39 = arith.addf %slice3A_37, %slice3A_38 : vector<512x256xf32>
    %logistic3A_40 = arith.negf %add3A_39 : vector<512x256xf32>
    %logistic3A_41 = math.exp %logistic3A_40 : vector<512x256xf32>
    %logistic3A_42 = arith.constant 1.000000e+00 : f32
    %logistic3A_43 = vector.broadcast %logistic3A_42 : f32 to vector<512x256xf32>
    %logistic3A_44 = arith.addf %logistic3A_43, %logistic3A_41 : vector<512x256xf32>
    %logistic3A_45 = arith.divf %logistic3A_43, %logistic3A_44 : vector<512x256xf32>
    %slice3A_46 = vector.extract_strided_slice %add3A_19 {offsets = [0, 512], sizes = [512, 256], strides = [1, 1]} : vector<512x768xf32> to vector<512x256xf32>
    %slice3A_47 = vector.extract_strided_slice %add3A_29 {offsets = [0, 512], sizes = [512, 256], strides = [1, 1]} : vector<512x768xf32> to vector<512x256xf32>
    %mul3A = arith.mulf %logistic3A_36, %slice3A_47 : vector<512x256xf32>
    %add3A_48 = arith.addf %slice3A_46, %mul3A : vector<512x256xf32>
    %tanh3A = math.tanh %add3A_48 : vector<512x256xf32>
    %sub3A = arith.constant 1.000000e+00 : f32
    %sub3A_49 = vector.broadcast %sub3A : f32 to vector<512x256xf32>
    %sub3A_50 = arith.subf %sub3A_49, %logistic3A_45 : vector<512x256xf32>
    %mul3A_51 = arith.mulf %sub3A_50, %tanh3A : vector<512x256xf32>
    %mul3A_52 = arith.mulf %logistic3A_45, %get3A_11 : vector<512x256xf32>
    %add3A_53 = arith.addf %mul3A_51, %mul3A_52 : vector<512x256xf32>
    %swap3A = arith.constant 0 : index
    %swap3A_54 = arith.constant 0 : index
    %swap3A_55 = vector.load %arg7[%swap3A, %swap3A_54] : memref<512x256xf32, #tpu.memory_space<vmem>>, vector<512x256xf32>
    tpu.vector_store %arg7[%swap3A, %swap3A_54], %add3A_53 {strides = array<i32>} : memref<512x256xf32, #tpu.memory_space<vmem>>, vector<512x256xf32>,
    return
  }
  func.func @transform_0(%arg0: i32) -> (i32, i32, i32) {
    %c0_i32 = arith.constant 0 : i32
    %c0_i32_0 = arith.constant 0 : i32
    %c0_i32_1 = arith.constant 0 : i32
    return %c0_i32, %arg0, %c0_i32_0 : i32, i32, i32
  }
  func.func @transform_1(%arg0: i32) -> (i32, i32) {
    %c0_i32 = arith.constant 0 : i32
    %c0_i32_0 = arith.constant 0 : i32
    return %arg0, %c0_i32 : i32, i32
  }
  func.func @transform_2(%arg0: i32) -> (i32, i32) {
    %c0_i32 = arith.constant 0 : i32
    %c0_i32_0 = arith.constant 0 : i32
    %c0_i32_1 = arith.constant 0 : i32
    return %c0_i32, %c0_i32_0 : i32, i32
  }
  func.func @transform_3(%arg0: i32) -> (i32, i32) {
    %c0_i32 = arith.constant 0 : i32
    %c0_i32_0 = arith.constant 0 : i32
    %c0_i32_1 = arith.constant 0 : i32
    return %c0_i32, %c0_i32_0 : i32, i32
  }
  func.func @transform_4(%arg0: i32) -> (i32, i32) {
    %c0_i32 = arith.constant 0 : i32
    %c0_i32_0 = arith.constant 0 : i32
    %c0_i32_1 = arith.constant 0 : i32
    return %c0_i32, %c0_i32_0 : i32, i32
  }
  func.func @transform_5(%arg0: i32) -> (i32, i32) {
    %c0_i32 = arith.constant 0 : i32
    %c0_i32_0 = arith.constant 0 : i32
    %c0_i32_1 = arith.constant 0 : i32
    return %c0_i32, %c0_i32_0 : i32, i32
  }
  func.func @transform_6(%arg0: i32) -> (i32, i32) {
    %c0_i32 = arith.constant 0 : i32
    %c0_i32_0 = arith.constant 0 : i32
    return %arg0, %c0_i32 : i32, i32
  }
}

module attributes {stable_mosaic.version = 14 : i64} {
  func.func @_pool_body(%arg0: memref<10000x256xf32, #tpu.memory_space<vmem>>, %arg1: memref<1x10000xi32, #tpu.memory_space<vmem>>, %arg2: memref<256x128xf32, #tpu.memory_space<vmem>>, %arg3: memref<1x128xf32, #tpu.memory_space<vmem>>, %arg4: memref<64x128xf32, #tpu.memory_space<vmem>>) attributes {dimension_semantics = [], scalar_prefetch = 0 : i64, scratch_operands = 0 : i64, tpu.core_type = #tpu.core_type<tc>} {
    %get3A = arith.constant 0 : index
    %get3A_0 = arith.constant 0 : index
    %get3A_1 = vector.load %arg1[%get3A, %get3A_0] : memref<1x10000xi32, #tpu.memory_space<vmem>>, vector<1x10000xi32>
    %iota3A = tpu.iota {dimensions = array<i32: 0>} : vector<64x10000xi32>
    %broadcast_in_dim3A = vector.shape_cast %get3A_1 : vector<1x10000xi32> to vector<1x10000xi32>
    %broadcast_in_dim3A_2 = vector.broadcast %broadcast_in_dim3A : vector<1x10000xi32> to vector<64x10000xi32>
    %eq3A = arith.cmpi eq, %iota3A, %broadcast_in_dim3A_2 : vector<64x10000xi32>
    %convert_element_type3A = arith.extui %eq3A : vector<64x10000xi1> to vector<64x10000xi32>
    %convert_element_type3A_3 = arith.sitofp %convert_element_type3A : vector<64x10000xi32> to vector<64x10000xf32>
    %get3A_4 = arith.constant 0 : index
    %get3A_5 = arith.constant 0 : index
    %get3A_6 = vector.load %arg0[%get3A_4, %get3A_5] : memref<10000x256xf32, #tpu.memory_space<vmem>>, vector<10000x256xf32>
    %dot_general3A = arith.constant dense<0.000000e+00> : vector<64x256xf32>
    %dot_general3A_7 = tpu.matmul %convert_element_type3A_3, %get3A_6, %dot_general3A {dimension_numbers = #tpu.dot_dimension_numbers<[1], [0], [0], [1], [0, 0, 1, 1], [], []>, transpose_lhs_hint = false} : vector<64x10000xf32>, vector<10000x256xf32>, vector<64x256xf32> -> vector<64x256xf32>
    %reduce_sum3A = arith.constant dense<0.000000e+00> : vector<64xf32>
    %reduce_sum3A_8 = vector.multi_reduction <add>, %convert_element_type3A_3, %reduce_sum3A [1] : vector<64x10000xf32> to vector<64xf32>
    %broadcast_in_dim3A_9 = vector.shape_cast %reduce_sum3A_8 : vector<64xf32> to vector<64x1xf32>
    %max3A = arith.constant 1.000000e+00 : f32
    %max3A_10 = vector.broadcast %max3A : f32 to vector<64x1xf32>
    %max3A_11 = arith.maximumf %broadcast_in_dim3A_9, %max3A_10 : vector<64x1xf32>
    %div3A = vector.broadcast %max3A_11 : vector<64x1xf32> to vector<64x256xf32>
    %div3A_12 = arith.divf %dot_general3A_7, %div3A : vector<64x256xf32>
    %get3A_13 = arith.constant 0 : index
    %get3A_14 = arith.constant 0 : index
    %get3A_15 = vector.load %arg2[%get3A_13, %get3A_14] : memref<256x128xf32, #tpu.memory_space<vmem>>, vector<256x128xf32>
    %dot_general3A_16 = arith.constant dense<0.000000e+00> : vector<64x128xf32>
    %dot_general3A_17 = tpu.matmul %div3A_12, %get3A_15, %dot_general3A_16 {dimension_numbers = #tpu.dot_dimension_numbers<[1], [0], [0], [1], [0, 0, 1, 1], [], []>, transpose_lhs_hint = false} : vector<64x256xf32>, vector<256x128xf32>, vector<64x128xf32> -> vector<64x128xf32>
    %get3A_18 = arith.constant 0 : index
    %get3A_19 = arith.constant 0 : index
    %get3A_20 = vector.load %arg3[%get3A_18, %get3A_19] : memref<1x128xf32, #tpu.memory_space<vmem>>, vector<1x128xf32>
    %add3A = vector.broadcast %get3A_20 : vector<1x128xf32> to vector<64x128xf32>
    %add3A_21 = arith.addf %dot_general3A_17, %add3A : vector<64x128xf32>
    %swap3A = arith.constant 0 : index
    %swap3A_22 = arith.constant 0 : index
    %swap3A_23 = vector.load %arg4[%swap3A, %swap3A_22] : memref<64x128xf32, #tpu.memory_space<vmem>>, vector<64x128xf32>
    tpu.vector_store %arg4[%swap3A, %swap3A_22], %add3A_21 {strides = array<i32>} : memref<64x128xf32, #tpu.memory_space<vmem>>, vector<64x128xf32>,
    return
  }
}

</mosaic_0001>

<sc_bundles>
// kernel: kernel.12.cloned.1.call-start
scs
__scs_entry_jumppad:
0x0: {  	(pc) =	sbr.rel $0x88, $3  }
0x1: {  	(tag) =	ssettag $0x0;
	lr =	simm.s32 $0x1  }
0x2: {  	[smem:$0x3F95] =	sst lr;
	_ =	strace $0xD0000000  }
0x3: {  	_ = 	snop  }
0x4: {  	_ = 	snop  }
0x5: {  	_ = 	snop  }
0x6: {  	_ = 	snop  }
0x7: {  	_ = 	snop  }
__scs_overlays_trampoline_lowered:
0x8: {  	[smem:$0x3FA4] =	sst s0  }
0x9: {  	[smem:$0x3FA5] =	sst s1  }
0xa: {  	[smem:$0x3FA6] =	sst s2  }
0xb: {  	[smem:$0x3FA7] =	sst s3  }
0xc: {  	[smem:$0x3FA8] =	sst s4  }
0xd: {  	[smem:$0x3FA9] =	sst s5  }
0xe: {  	[smem:$0x3FAA] =	sst s6  }
0xf: {  	[smem:$0x3FAB] =	sst s7  }
0x10: {  	[smem:$0x3FAC] =	sst s8  }
0x11: {  	[smem:$0x3FAD] =	sst s9;
	s0 =	simm.s32 @!p0 $0x0  }
0x12: {  	s1 =	sld [smem:$0x3F93];
	s0 =	simm.s32 @p0 $0x1  }
0x13: {  	[smem:$0x3FAE] =	sst s0;
	s0 =	simm.s32 @!p1 $0x0  }
0x14: {  	s2 =	sld [smem:$0x3F92];
	s0 =	simm.s32 @p1 $0x1  }
0x15: {  	[smem:$0x3FAF] =	sst s0;
	s0 =	simm.s32 @!p2 $0x0  }
0x16: {  	s3 =	sld [smem:$0x3FDB];
	s0 =	simm.s32 @p2 $0x1  }
0x17: {  	s4 =	simm.s32 $0x1BF5;
	[smem:$0x3FB1] =	sst s0  }
0x18: {  	s0 =	sld [smem:$0x3F94];
	_ =	swait.ge [sflag:s4], $0x0  }
0x19: {  	s7 =	sld [smem:$0x3F95]  }
0x1a: {  	s8 =	sadd.s32 $0xFFFFE003, lr  }
0x1b: {  	s9 =	sadd.s32 $0xFFFFFEF7, lr;
	s5 =	simm.s32 $0xFFFFFFFF;
	p2 =	slt.u32 s8, $0xFFFFF086  }
0x1c: {  	p1 =	slt.u32 s9, $0xF7A;
	s5 =	simm.s32 @!p2 $0x0  }
0x1d: {  	s5 =	simm.s32 @p1 $0x1;
	p0 =	seq.s32 s7, s2  }
0x1e: {  	s7 =	smul.u32 @!p0 $0xF7A, s2;
	p2 =	seq.s32 @!p0 s5, $0x0  }
0x1f: {  	s9 =	smul.u32 $0xF7A, s1;
	s8 =	simm.s32 @!p0 $0x1BF5;
	p2 =	por !p2, p0  }
0x20: {  	[sflag:s8] =	ssyncset.s32 @!p0 $0xFFFFF086;
	s6 =	sadd.s32 @!p0 s3, s7;
	s7 =	simm.s32 @!p0 $0x108  }
0x21: {  	s3 =	sadd.s32 s3, s9;
	s6 =	sadd.s32 @!p0 $0x88, s6;
	s7 =	simm.s32 @p2 $0x1082  }
0x22: {  	[simem:s7], [sflag:s8] =	dma.local @!p0 [hbm:s6], $0xF7A  }
0x23: {  	s9 =	sor.u32 $0xD0000000, s2;
	s6 =	simm.s32 $0x108;
	_ =	swait.ge @!p0 [sflag:s8], $0x0  }
0x24: {  	s3 =	sadd.s32 $0x88, s3;
	s6 =	simm.s32 @!p1 $0x1082;
	[sflag:s4] =	ssyncset.s32 $0xFFFFF086  }
0x25: {  	[simem:s6], [sflag:s4] =	dma.local [hbm:s3], $0xF7A  }
0x26: {  	[smem:$0x3F95] =	sst s1;
	(tag) =	ssettag s2;
	_ =	strace s9  }
0x27: {  	s1 =	sld [smem:$0x3FA5]  }
0x28: {  	s2 =	sld [smem:$0x3FA6]  }
0x29: {  	s4 =	sld [smem:$0x3FA8]  }
0x2a: {  	p0 =	seq.s32 s5, $0x0;
	s5 =	sld [smem:$0x3FA9]  }
0x2b: {  	s6 =	sld [smem:$0x3FAA]  }
0x2c: {  	s7 =	sld [smem:$0x3FAB]  }
0x2d: {  	s3 =	simm.s32 $0x108;
	s8 =	sld [smem:$0x3FAC]  }
0x2e: {  	s3 =	simm.s32 @!p0 $0x1082;
	s9 =	sld [smem:$0x3FAD]  }
0x2f: {  	lr =	sadd.s32 s0, s3;
	s0 =	sld [smem:$0x3FA4]  }
0x30: {  	s3 =	sld [smem:$0x3FA7]  }
0x31: {  	[smem:$0x3FB0] =	sst s10  }
0x32: {  	s10 =	sld [smem:$0x3FAE];
	_ =	sdelay $0x3  }
0x33: {  	p0 =	seq.s32 s10, $0x1;
	s10 =	sld [smem:$0x3FB0];
	_ =	sdelay $0x3  }
0x34: {  	[smem:$0x3FB0] =	sst s10  }
0x35: {  	s10 =	sld [smem:$0x3FAF];
	_ =	sdelay $0x3  }
0x36: {  	p1 =	seq.s32 s10, $0x1;
	s10 =	sld [smem:$0x3FB0];
	_ =	sdelay $0x3  }
0x37: {  	[smem:$0x3FB0] =	sst s10  }
0x38: {  	s10 =	sld [smem:$0x3FB1]  }
0x39: {  	_ = 	snop;
	(pc) =	sbr.ind lr, $3  }
0x3a: {  	_ = 	snop  }
0x3b: {  	_ = 	snop  }
0x3c: {  	p2 =	seq.s32 s10, $0x1;
	s10 =	sld [smem:$0x3FB0]  }
0x3d: {  	_ =	shalt  }
0x3e: {  	_ =	shalt  }
0x3f: {  	_ =	shalt  }
0x40: {  	_ =	shalt  }
0x41: {  	_ =	shalt  }
0x42: {  	_ =	shalt  }
0x43: {  	_ =	shalt  }
0x44: {  	_ =	shalt  }
0x45: {  	_ =	shalt  }
0x46: {  	_ =	shalt  }
0x47: {  	_ =	shalt  }
0x48: {  	_ =	shalt  }
0x49: {  	_ =	shalt  }
0x4a: {  	_ =	shalt  }
0x4b: {  	_ =	shalt  }
0x4c: {  	_ =	shalt  }
0x4d: {  	_ =	shalt  }
0x4e: {  	_ =	shalt  }
0x4f: {  	_ =	shalt  }
0x50: {  	_ =	shalt  }
0x51: {  	_ =	shalt  }
0x52: {  	_ =	shalt  }
0x53: {  	_ =	shalt  }
0x54: {  	_ =	shalt  }
0x55: {  	_ =	shalt  }
0x56: {  	_ =	shalt  }
0x57: {  	_ =	shalt  }
0x58: {  	_ =	shalt  }
0x59: {  	_ =	shalt  }
0x5a: {  	_ =	shalt  }
0x5b: {  	_ =	shalt  }
0x5c: {  	_ =	shalt  }
0x5d: {  	_ =	shalt  }
0x5e: {  	_ =	shalt  }
0x5f: {  	_ =	shalt  }
0x60: {  	_ =	shalt  }
0x61: {  	_ =	shalt  }
0x62: {  	_ =	shalt  }
0x63: {  	_ =	shalt  }
0x64: {  	_ =	shalt  }
0x65: {  	_ =	shalt  }
0x66: {  	_ =	shalt  }
0x67: {  	_ =	shalt  }
0x68: {  	_ =	shalt  }
0x69: {  	_ =	shalt  }
0x6a: {  	_ =	shalt  }
0x6b: {  	_ =	shalt  }
0x6c: {  	_ =	shalt  }
0x6d: {  	_ =	shalt  }
0x6e: {  	_ =	shalt  }
0x6f: {  	_ =	shalt  }
0x70: {  	_ =	shalt  }
0x71: {  	_ =	shalt  }
0x72: {  	_ =	shalt  }
0x73: {  	_ =	shalt  }
0x74: {  	_ =	shalt  }
0x75: {  	_ =	shalt  }
0x76: {  	_ =	shalt  }
0x77: {  	_ =	shalt  }
0x78: {  	_ =	shalt  }
0x79: {  	_ =	shalt  }
0x7a: {  	_ =	shalt  }
0x7b: {  	_ =	shalt  }
0x7c: {  	_ =	shalt  }
0x7d: {  	_ =	shalt  }
0x7e: {  	_ =	shalt  }
0x7f: {  	_ =	shalt  }
0x80: {  	_ =	shalt  }
0x81: {  	_ =	shalt  }
0x82: {  	_ =	shalt  }
0x83: {  	_ =	shalt  }
0x84: {  	_ =	shalt  }
0x85: {  	_ =	shalt  }
0x86: {  	_ =	shalt  }
0x87: {  	_ =	shalt  }
.Lfunc_end0:
.L_simem_size_0:
called_computation_lowered:
.L_overlay_start_0:
0x88: {  	s2 =	sld [smem:$0x3FD9]  }
0x89: {  	s3 =	sld [smem:$0x3FFE];
	_ =	sdelay $0x1  }
0x8a: {  	s1 =	srdreg.scid  }
0x8b: {  	s0 =	sand.u32 $0x1, s1  }
0x8c: {  	s16 =	sshll.u32 s0, $0xA;
	s2 =	sadd.s32 s3, s2  }
0x8d: {  	s2 =	sadd.s32 s2, s16  }
0x8e: {  	[smem:$0x3FBC] =	sst s2  }
0x8f: {  	_ = 	snop  }
0x90: {  	(tm) =	ssettm $0x1  }
0x91: {  	s17 =	sld [smem:$0x3FFB];
	_ =	sdelay $0x3  }
0x92: {  	_ =	strace s17  }
0x93: {  	s2 =	sld [smem:$0x3FFC];
	_ =	sdelay $0x3  }
0x94: {  	_ =	strace s2  }
0x95: {  	s2 =	sld [smem:$0x3FFD];
	_ =	sdelay $0x3  }
0x96: {  	_ =	strace s2  }
0x97: {  	_ =	strace $0x8FFFFFFF  }
0x98: {  	s18 =	sld [smem:$0x3FDB];
	_ =	sdelay $0x1  }
0x99: {  	s19 =	simm.s32 $_scs_section_size  }
0x9a: {  	s4 =	simm.s32 $_size__tile_overlayer_lowered;
	s5 =	simm.s32 $_tile_overlayer_lowered  }
0x9b: {  	s22 =	simm.s32 $0x1BFF;
	s21 =	sshll.u32 s5, $0x1;
	s2 =	sadd.s32 s19, s18  }
0x9c: {  	s6 =	simm.s32 $0x0;
	s20 =	sshll.u32 s4, $0x1;
	s4 =	sadd.s32 s21, s2  }
0x9d: {  	[timem:s6], [sflag:s22] =	dma.local [hbm:s4], s20  }
0x9e: {  	_ =	swait.ge [sflag:s22], s20  }
0x9f: {  	s3 =	ssub.s32 $0x0, s20;
	[sflag:s22] =	ssyncset.done $0x0  }
0xa0: {  	[sflag:s22] =	ssyncadd.s32 s3;
	_ =	sdelay $0x1  }
0xa1: {  	s23 =	simm.s32 $0x1B8B  }
0xa2: {  	_ =	swait.ge [sflag:s23], $0x1  }
0xa3: {  	[sflag:s23] =	ssyncset.done $0x0  }
0xa4: {  	s25 =	simm.s32 $0x1B8E;
	s24 =	sld [smem:$0x3FFE];
	[sflag:s23] =	ssyncadd.s32 $0xFFFFFFFF  }
0xa5: {  	s26 =	simm.s32 $execute0_lowered;
	[smem:$0x3FD2] =	sst s25  }
0xa6: {  	s4 =	sshll.u32 s26, $0x1;
	_ =	strace $0x80000046;
	[dreg:$0x1] =	wrdreg $0xFFFFFFFF  }
0xa7: {  	s28 =	simm.s32 $_size_execute0_lowered;
	s2 =	sadd.s32 s2, s4;
	[dreg:$0x0] =	wrdreg $0x0  }
0xa8: {  	s4 =	sshll.u32 s28, $0x1;
	[dreg:$0x2] =	wrdreg s2  }
0xa9: {  	[dreg:$0x3] =	wrdreg s4  }
0xaa: {  	[dreg:$0x4] =	wrdreg $0xC0  }
0xab: {  	_ =	task [dreg:s6], $0x5FFFF  }
0xac: {  	[dreg:$0x1] =	wrdreg $0xFFFFFFFF  }
0xad: {  	[dreg:$0x0] =	wrdreg $0x60  }
0xae: {  	[dreg:$0x2] =	wrdreg s24  }
0xaf: {  	[dreg:$0x3] =	wrdreg $0x90000  }
0xb0: {  	[dreg:$0x4] =	wrdreg $0x9  }
0xb1: {  	_ =	task.clear_ibuf [dreg:s6], $0x5FFFF;
	_ =	strace $0x90000046  }
0xb2: {  	s29 =	simm.s32 $0x9;
	_ =	strace $0x80000048  }
0xb3: {  	_ =	swait.ge [sflag:s29], $0x1  }
0xb4: {  	[sflag:s29] =	ssyncadd.s32 $0xFFFFFFFF  }
0xb5: {  	_ =	strace $0x90000048  }
0xb6: {  	_ =	sfence  }
0xb7: {  	s30 =	sld [smem:$0x0];
	_ =	sdelay $0x2  }
0xb8: {  	s31 =	sshll.u32 s1, $0xD;
	s1 =	sshrl.u32 s1, $0x2  }
0xb9: {  	s3 =	sand.u32 $0x4000, s31;
	s1 =	sadd.s32 s1, s30  }
0xba: {  	s0 =	sor.u32 s3, s0;
	s1 =	sshll.u32 s1, $0x11  }
0xbb: {  	s0 =	sor.u32 s1, s0  }
0xbc: {  	s0 =	sadd.s32 $0x8F2B, s0  }
0xbd: {  	[sflag:s0] =	ssyncadd.remote.s32 $0x1  }
0xbe: {  	_ =	sfence.sel $0xFFFF  }
0xbf: {  	[dreg:$0x0] =	wrdreg $0xFFFFFFFF;
	(pc) =	sbr.abs _section_cstart, $3  }
0xc0: {  	[dreg:$0x1] =	wrdreg $0xFFFFFFFF  }
0xc1: {  	_ =	task.clear_ibuf [dreg:s6], $0x2FFFF;
	_ =	strace $0x9FFFFFFF  }
0xc2: {  	(tm) =	ssettm $0x7FFFFFFF  }
0xc3: {  	_ =	shalt  }
tec
execute0_lowered:
.L_overlay_start_1:
0x0: {  	(tag) =	ssettag $0x1  }
0x1: {  	s0 =	srdreg.scid;
	s1 =	rddreg [dreg:$0x0]  }
0x2: {  	s11 =	stileid.u32;
	s2 =	rddreg [dreg:$0x1]  }
0x3: {  	s3 =	simm.s32 $0x0;
	s14 =	simm.s32 $0x100;
	s16 =	simm.s32 $0x880  }
0x4: {  	s17 =	simm.s32 $0x180;
	[smem:$0x7FF] =	sst s3;
	s9 =	sadd.s32 $0x1A9400, s1  }
0x5: {  	s18 =	simm.s32 $0x900;
	_ =	strace $0x80000047;
	[dreg:$0x11] =	wrdreg s9  }
0x6: {  	s19 =	simm.s32 $0x200;
	s20 =	simm.s32 $0x980;
	[dreg:$0x5] =	wrdreg s14  }
0x7: {  	s21 =	simm.s32 $0x280;
	s22 =	simm.s32 $0xA00;
	[dreg:$0x6] =	wrdreg s16  }
0x8: {  	s23 =	simm.s32 $0x300;
	s24 =	simm.s32 $0xA80;
	[dreg:$0x7] =	wrdreg s17  }
0x9: {  	s25 =	simm.s32 $0x380;
	s28 =	simm.s32 $0x680;
	[dreg:$0x8] =	wrdreg s18  }
0xa: {  	s29 =	simm.s32 $0xE00;
	s30 =	simm.s32 $0x700;
	[dreg:$0x9] =	wrdreg s19  }
0xb: {  	s5 =	sand.u32 $0x1, s0;
	s0 =	smul.u32 $0x2800, s11;
	[dreg:$0xa] =	wrdreg s20  }
0xc: {  	s31 =	simm.s32 $0xE80;
	s8 =	smul.u32 $0x500, s11;
	[dreg:$0xb] =	wrdreg s21  }
0xd: {  	s4 =	sadd.s32 $0x69400, s1;
	s10 =	smul.u32 $0x50000, s11;
	[dreg:$0xc] =	wrdreg s22  }
0xe: {  	s15 =	sshll.u32 s11, $0x6;
	s11 =	simm.s32 $0x80;
	[dreg:$0xd] =	wrdreg s23  }
0xf: {  	s6 =	smul.u32 $0x28000, s5;
	s5 =	ssub.s32 $0x2, s5;
	[dreg:$0xe] =	wrdreg s24  }
0x10: {  	s14 =	simm.s32 $0x5000;
	[dreg:$0xf] =	wrdreg s25;
	s16 =	simm.s32 $0x400  }
0x11: {  	s17 =	simm.s32 $0xB80;
	s18 =	simm.s32 $0x480;
	s19 =	simm.s32 $0xC00  }
0x12: {  	s20 =	simm.s32 $0x500;
	s21 =	simm.s32 $0xC80;
	s22 =	simm.s32 $0x580  }
0x13: {  	s23 =	simm.s32 $0xD00;
	s25 =	simm.s32 $0x600;
	s24 =	simm.s32 $0x0  }
0x14: {  	s8 =	sadd.s32 s8, s1;
	s26 =	sshrl.u32 s5, $0x1;
	s12 =	sshrl.u32 s10, $0x2  }
0x15: {  	s10 =	simm.s32 $0x800;
	s7 =	sadd.s32 s6, s0;
	s5 =	ssub.s32 s5, s26  }
0x16: {  	s13 =	sadd.s32 $0x64400, s8;
	s8 =	sor.u32 $0x1C03, s15;
	s26 =	simm.s32 $0xB00  }
0x17: {  	s15 =	simm.s32 $0x2;
	s7 =	sshrl.u32 s7, $0x3;
	[dreg:$0x4] =	wrdreg s13  }
0x18: {  	s5 =	smax.u32 s5, $0x1;
	s13 =	simm.s32 $0x1;
	[dreg:$0x10] =	wrdreg s26  }
0x19: {  	s26 =	simm.s32 $0xD80;
	[dreg:$0x12] =	wrdreg s8;
	s7 =	sadd.s32 s7, s1  }
0x1a: {  	s1 =	sadd.s32 s6, s1;
	[dreg:$0x13] =	wrdreg s5;
	s5 =	simm.s32 $0xF80  }
0x1b: {  	s9 =	sadd.s32 $0xA400, s7;
	s7 =	sadd.s32 s12, s2;
	s1 =	sadd.s32 $0x1ABC00, s1  }
0x1c: {  	s12 =	simm.s32 $0x1000;
	[dreg:$0x3] =	wrdreg s9;
	s0 =	sadd.s32 s0, s1  }
0x1d: {  	s7 =	sshrl.u32 s7, $0x3;
	s9 =	simm.s32 $0x3;
	[dreg:$0x15] =	wrdreg s0  }
0x1e: {  	s1 =	simm.s32 $0x780;
	s0 =	simm.s32 $0xF00;
	[dreg:$0x14] =	wrdreg s7  }
.LBB2_1:
0x1f: {  	[dreg:$0x16] =	wrdreg s24  }
0x20: {  	s6 =	rddreg [dreg:$0x11]  }
0x21: {  	[spmem:s7], [sflag:s8] =	dma.local [hbm:s6], $0x2800  }
0x22: {  	_ =	swait.ge [sflag:s9], $0x2800  }
0x23: {  	[sflag:s9] =	ssyncset.done $0x0  }
0x24: {  	[sflag:s9] =	ssyncadd.s32 $0xFFFFD800  }
0x25: {  	[bflag:$0x0] =	sbarrier.arrive $0xFFFF  }
0x26: {  	s7 =	rddreg [dreg:$0x3]  }
0x27: {  	s6 =	sadd.s32 $0x0, s7  }
0x28: {  	[tilespmem:s3], [sflag:$0x3] =	stream.linear.gather [hbm4b:s6+s3], $0x800, $0x38;
	[tilespmem:$0x1D000] =	vst v63  }
0x29: {  	_ =	swait.ge [sflag:s9], $0x800  }
0x2a: {  	s8 =	rddreg [dreg:$0x4];
	[sflag:s9] =	ssyncset.done $0x0  }
0x2b: {  	[sflag:s9] =	ssyncadd.s32 $0xFFFFF800;
	s6 =	sadd.s32 $0x0, s8  }
0x2c: {  	[tilespmem:s10], [sflag:$0x3] =	stream.linear.gather [hbm4b:s6+s3], $0x800, $0x38;
	[tilespmem:$0x1D000] =	vst v63  }
0x2d: {  	_ =	swait.ge [sflag:s9], $0x800  }
0x2e: {  	[sflag:s9] =	ssyncset.done $0x0  }
0x2f: {  	[sflag:s9] =	ssyncadd.s32 $0xFFFFF800  }
0x30: {  	[tilespmem:s12], [sflag:$0x1] =	stream.indirect.gather [hbm4b:s4+s11], $0x80, s3, s11, $0xb8;
	[tilespmem:$0x1D000] =	vst v63  }
0x31: {  	_ =	swait.ge [sflag:s13], $0x4000  }
0x32: {  	[sflag:s13] =	ssyncset.done $0x0  }
0x33: {  	[sflag:s13] =	ssyncadd.s32 $0xFFFFC000  }
0x34: {  	[tilespmem:s14], [sflag:$0x2] =	stream.indirect.gather [hbm4b:s4+s11], $0x80, s11, s11, $0xb8;
	[tilespmem:$0x1D000] =	vst v63  }
0x35: {  	_ = 	snop  }
0x36: {  	[spmem:s2] =	stream.indirect.scatter.add.f32 [tilespmem:s12], [sflag:$0x3], $0x80, s10, s11, $0xb8;
	[tilespmem:$0x1D000] =	vst v63  }
0x37: {  	_ =	swait.ge [sflag:s9], $0x4000  }
0x38: {  	[sflag:s9] =	ssyncset.done $0x0  }
0x39: {  	[sflag:s9] =	ssyncadd.s32 $0xFFFFC000  }
0x3a: {  	_ =	swait.ge [sflag:s15], $0x4000  }
0x3b: {  	[sflag:s15] =	ssyncset.done $0x0  }
0x3c: {  	s24 =	rddreg [dreg:$0x5];
	[sflag:s15] =	ssyncadd.s32 $0xFFFFC000  }
0x3d: {  	[tilespmem:s12], [sflag:$0x1] =	stream.indirect.gather [hbm4b:s4+s11], $0x80, s24, s11, $0xb8;
	[tilespmem:$0x1D000] =	vst v63  }
0x3e: {  	s7 =	rddreg [dreg:$0x6]  }
0x3f: {  	[spmem:s2] =	stream.indirect.scatter.add.f32 [tilespmem:s14], [sflag:$0x3], $0x80, s7, s11, $0xb8;
	[tilespmem:$0x1D000] =	vst v63  }
0x40: {  	_ =	swait.ge [sflag:s9], $0x4000  }
0x41: {  	[sflag:s9] =	ssyncset.done $0x0  }
0x42: {  	[sflag:s9] =	ssyncadd.s32 $0xFFFFC000  }
0x43: {  	_ =	swait.ge [sflag:s13], $0x4000  }
0x44: {  	[sflag:s13] =	ssyncset.done $0x0  }
0x45: {  	s24 =	rddreg [dreg:$0x7];
	[sflag:s13] =	ssyncadd.s32 $0xFFFFC000  }
0x46: {  	[tilespmem:s14], [sflag:$0x2] =	stream.indirect.gather [hbm4b:s4+s11], $0x80, s24, s11, $0xb8;
	[tilespmem:$0x1D000] =	vst v63  }
0x47: {  	s7 =	rddreg [dreg:$0x8]  }
0x48: {  	[spmem:s2] =	stream.indirect.scatter.add.f32 [tilespmem:s12], [sflag:$0x3], $0x80, s7, s11, $0xb8;
	[tilespmem:$0x1D000] =	vst v63  }
0x49: {  	_ =	swait.ge [sflag:s9], $0x4000  }
0x4a: {  	[sflag:s9] =	ssyncset.done $0x0  }
0x4b: {  	[sflag:s9] =	ssyncadd.s32 $0xFFFFC000  }
0x4c: {  	_ =	swait.ge [sflag:s15], $0x4000  }
0x4d: {  	[sflag:s15] =	ssyncset.done $0x0  }
0x4e: {  	s24 =	rddreg [dreg:$0x9];
	[sflag:s15] =	ssyncadd.s32 $0xFFFFC000  }
0x4f: {  	[tilespmem:s12], [sflag:$0x1] =	stream.indirect.gather [hbm4b:s4+s11], $0x80, s24, s11, $0xb8;
	[tilespmem:$0x1D000] =	vst v63  }
0x50: {  	s7 =	rddreg [dreg:$0xa]  }
0x51: {  	[spmem:s2] =	stream.indirect.scatter.add.f32 [tilespmem:s14], [sflag:$0x3], $0x80, s7, s11, $0xb8;
	[tilespmem:$0x1D000] =	vst v63  }
0x52: {  	_ =	swait.ge [sflag:s9], $0x4000  }
0x53: {  	[sflag:s9] =	ssyncset.done $0x0  }
0x54: {  	[sflag:s9] =	ssyncadd.s32 $0xFFFFC000  }
0x55: {  	_ =	swait.ge [sflag:s13], $0x4000  }
0x56: {  	[sflag:s13] =	ssyncset.done $0x0  }
0x57: {  	s24 =	rddreg [dreg:$0xb];
	[sflag:s13] =	ssyncadd.s32 $0xFFFFC000  }
0x58: {  	[tilespmem:s14], [sflag:$0x2] =	stream.indirect.gather [hbm4b:s4+s11], $0x80, s24, s11, $0xb8;
	[tilespmem:$0x1D000] =	vst v63  }
0x59: {  	s7 =	rddreg [dreg:$0xc]  }
0x5a: {  	[spmem:s2] =	stream.indirect.scatter.add.f32 [tilespmem:s12], [sflag:$0x3], $0x80, s7, s11, $0xb8;
	[tilespmem:$0x1D000] =	vst v63  }
0x5b: {  	_ =	swait.ge [sflag:s9], $0x4000  }
0x5c: {  	[sflag:s9] =	ssyncset.done $0x0  }
0x5d: {  	[sflag:s9] =	ssyncadd.s32 $0xFFFFC000  }
0x5e: {  	_ =	swait.ge [sflag:s15], $0x4000  }
0x5f: {  	[sflag:s15] =	ssyncset.done $0x0  }
0x60: {  	s24 =	rddreg [dreg:$0xd];
	[sflag:s15] =	ssyncadd.s32 $0xFFFFC000  }
0x61: {  	[tilespmem:s12], [sflag:$0x1] =	stream.indirect.gather [hbm4b:s4+s11], $0x80, s24, s11, $0xb8;
	[tilespmem:$0x1D000] =	vst v63  }
0x62: {  	s7 =	rddreg [dreg:$0xe]  }
0x63: {  	[spmem:s2] =	stream.indirect.scatter.add.f32 [tilespmem:s14], [sflag:$0x3], $0x80, s7, s11, $0xb8;
	[tilespmem:$0x1D000] =	vst v63  }
0x64: {  	_ =	swait.ge [sflag:s9], $0x4000  }
0x65: {  	[sflag:s9] =	ssyncset.done $0x0  }
0x66: {  	[sflag:s9] =	ssyncadd.s32 $0xFFFFC000  }
0x67: {  	_ =	swait.ge [sflag:s13], $0x4000  }
0x68: {  	[sflag:s13] =	ssyncset.done $0x0  }
0x69: {  	s8 =	rddreg [dreg:$0xf];
	[sflag:s13] =	ssyncadd.s32 $0xFFFFC000  }
0x6a: {  	[tilespmem:s14], [sflag:$0x2] =	stream.indirect.gather [hbm4b:s4+s11], $0x80, s8, s11, $0xb8;
	[tilespmem:$0x1D000] =	vst v63  }
0x6b: {  	s24 =	rddreg [dreg:$0x10]  }
0x6c: {  	[spmem:s2] =	stream.indirect.scatter.add.f32 [tilespmem:s12], [sflag:$0x3], $0x80, s24, s11, $0xb8;
	[tilespmem:$0x1D000] =	vst v63  }
0x6d: {  	_ =	swait.ge [sflag:s9], $0x4000  }
0x6e: {  	[sflag:s9] =	ssyncset.done $0x0  }
0x6f: {  	[sflag:s9] =	ssyncadd.s32 $0xFFFFC000  }
0x70: {  	_ =	swait.ge [sflag:s15], $0x4000  }
0x71: {  	[sflag:s15] =	ssyncset.done $0x0  }
0x72: {  	[sflag:s15] =	ssyncadd.s32 $0xFFFFC000  }
0x73: {  	[tilespmem:s12], [sflag:$0x1] =	stream.indirect.gather [hbm4b:s4+s11], $0x80, s16, s11, $0xb8;
	[tilespmem:$0x1D000] =	vst v63  }
0x74: {  	_ = 	snop  }
0x75: {  	[spmem:s2] =	stream.indirect.scatter.add.f32 [tilespmem:s14], [sflag:$0x3], $0x80, s17, s11, $0xb8;
	[tilespmem:$0x1D000] =	vst v63  }
0x76: {  	_ =	swait.ge [sflag:s9], $0x4000  }
0x77: {  	[sflag:s9] =	ssyncset.done $0x0  }
0x78: {  	[sflag:s9] =	ssyncadd.s32 $0xFFFFC000  }
0x79: {  	_ =	swait.ge [sflag:s13], $0x4000  }
0x7a: {  	[sflag:s13] =	ssyncset.done $0x0  }
0x7b: {  	[sflag:s13] =	ssyncadd.s32 $0xFFFFC000  }
0x7c: {  	[tilespmem:s14], [sflag:$0x2] =	stream.indirect.gather [hbm4b:s4+s11], $0x80, s18, s11, $0xb8;
	[tilespmem:$0x1D000] =	vst v63  }
0x7d: {  	_ = 	snop  }
0x7e: {  	[spmem:s2] =	stream.indirect.scatter.add.f32 [tilespmem:s12], [sflag:$0x3], $0x80, s19, s11, $0xb8;
	[tilespmem:$0x1D000] =	vst v63  }
0x7f: {  	_ =	swait.ge [sflag:s9], $0x4000  }
0x80: {  	[sflag:s9] =	ssyncset.done $0x0  }
0x81: {  	[sflag:s9] =	ssyncadd.s32 $0xFFFFC000  }
0x82: {  	_ =	swait.ge [sflag:s15], $0x4000  }
0x83: {  	[sflag:s15] =	ssyncset.done $0x0  }
0x84: {  	[sflag:s15] =	ssyncadd.s32 $0xFFFFC000  }
0x85: {  	[tilespmem:s12], [sflag:$0x1] =	stream.indirect.gather [hbm4b:s4+s11], $0x80, s20, s11, $0xb8;
	[tilespmem:$0x1D000] =	vst v63  }
0x86: {  	_ = 	snop  }
0x87: {  	[spmem:s2] =	stream.indirect.scatter.add.f32 [tilespmem:s14], [sflag:$0x3], $0x80, s21, s11, $0xb8;
	[tilespmem:$0x1D000] =	vst v63  }
0x88: {  	_ =	swait.ge [sflag:s9], $0x4000  }
0x89: {  	[sflag:s9] =	ssyncset.done $0x0  }
0x8a: {  	[sflag:s9] =	ssyncadd.s32 $0xFFFFC000  }
0x8b: {  	_ =	swait.ge [sflag:s13], $0x4000  }
0x8c: {  	[sflag:s13] =	ssyncset.done $0x0  }
0x8d: {  	[sflag:s13] =	ssyncadd.s32 $0xFFFFC000  }
0x8e: {  	[tilespmem:s14], [sflag:$0x2] =	stream.indirect.gather [hbm4b:s4+s11], $0x80, s22, s11, $0xb8;
	[tilespmem:$0x1D000] =	vst v63  }
0x8f: {  	_ = 	snop  }
0x90: {  	[spmem:s2] =	stream.indirect.scatter.add.f32 [tilespmem:s12], [sflag:$0x3], $0x80, s23, s11, $0xb8;
	[tilespmem:$0x1D000] =	vst v63  }
0x91: {  	_ =	swait.ge [sflag:s9], $0x4000  }
0x92: {  	[sflag:s9] =	ssyncset.done $0x0  }
0x93: {  	[sflag:s9] =	ssyncadd.s32 $0xFFFFC000  }
0x94: {  	_ =	swait.ge [sflag:s15], $0x4000  }
0x95: {  	[sflag:s15] =	ssyncset.done $0x0  }
0x96: {  	[sflag:s15] =	ssyncadd.s32 $0xFFFFC000  }
0x97: {  	[tilespmem:s12], [sflag:$0x1] =	stream.indirect.gather [hbm4b:s4+s11], $0x80, s25, s11, $0xb8;
	[tilespmem:$0x1D000] =	vst v63  }
0x98: {  	_ = 	snop  }
0x99: {  	[spmem:s2] =	stream.indirect.scatter.add.f32 [tilespmem:s14], [sflag:$0x3], $0x80, s26, s11, $0xb8;
	[tilespmem:$0x1D000] =	vst v63  }
0x9a: {  	_ =	swait.ge [sflag:s9], $0x4000  }
0x9b: {  	[sflag:s9] =	ssyncset.done $0x0  }
0x9c: {  	[sflag:s9] =	ssyncadd.s32 $0xFFFFC000  }
0x9d: {  	_ =	swait.ge [sflag:s13], $0x4000  }
0x9e: {  	[sflag:s13] =	ssyncset.done $0x0  }
0x9f: {  	[sflag:s13] =	ssyncadd.s32 $0xFFFFC000  }
0xa0: {  	[tilespmem:s14], [sflag:$0x2] =	stream.indirect.gather [hbm4b:s4+s11], $0x80, s28, s11, $0xb8;
	[tilespmem:$0x1D000] =	vst v63  }
0xa1: {  	_ = 	snop  }
0xa2: {  	[spmem:s2] =	stream.indirect.scatter.add.f32 [tilespmem:s12], [sflag:$0x3], $0x80, s29, s11, $0xb8;
	[tilespmem:$0x1D000] =	vst v63  }
0xa3: {  	_ =	swait.ge [sflag:s9], $0x4000  }
0xa4: {  	[sflag:s9] =	ssyncset.done $0x0  }
0xa5: {  	[sflag:s9] =	ssyncadd.s32 $0xFFFFC000  }
0xa6: {  	_ =	swait.ge [sflag:s15], $0x4000  }
0xa7: {  	[sflag:s15] =	ssyncset.done $0x0  }
0xa8: {  	[sflag:s15] =	ssyncadd.s32 $0xFFFFC000  }
0xa9: {  	[tilespmem:s12], [sflag:$0x1] =	stream.indirect.gather [hbm4b:s4+s11], $0x80, s30, s11, $0xb8;
	[tilespmem:$0x1D000] =	vst v63  }
0xaa: {  	_ = 	snop  }
0xab: {  	[spmem:s2] =	stream.indirect.scatter.add.f32 [tilespmem:s14], [sflag:$0x3], $0x80, s31, s11, $0xb8;
	[tilespmem:$0x1D000] =	vst v63  }
0xac: {  	_ =	swait.ge [sflag:s9], $0x4000  }
0xad: {  	[sflag:s9] =	ssyncset.done $0x0  }
0xae: {  	[sflag:s9] =	ssyncadd.s32 $0xFFFFC000  }
0xaf: {  	_ =	swait.ge [sflag:s13], $0x4000  }
0xb0: {  	[sflag:s13] =	ssyncset.done $0x0  }
0xb1: {  	[sflag:s13] =	ssyncadd.s32 $0xFFFFC000  }
0xb2: {  	[tilespmem:s14], [sflag:$0x2] =	stream.indirect.gather [hbm4b:s4+s11], $0x80, s1, s11, $0xb8;
	[tilespmem:$0x1D000] =	vst v63  }
0xb3: {  	_ = 	snop  }
0xb4: {  	[spmem:s2] =	stream.indirect.scatter.add.f32 [tilespmem:s12], [sflag:$0x3], $0x80, s0, s11, $0xb8;
	[tilespmem:$0x1D000] =	vst v63  }
0xb5: {  	_ =	swait.ge [sflag:s9], $0x4000  }
0xb6: {  	[sflag:s9] =	ssyncset.done $0x0  }
0xb7: {  	[sflag:s9] =	ssyncadd.s32 $0xFFFFC000  }
0xb8: {  	_ =	swait.ge [sflag:s15], $0x4000  }
0xb9: {  	[sflag:s15] =	ssyncset.done $0x0  }
0xba: {  	[sflag:s15] =	ssyncadd.s32 $0xFFFFC000  }
0xbb: {  	[spmem:s2] =	stream.indirect.scatter.add.f32 [tilespmem:s14], [sflag:$0x3], $0x80, s5, s11, $0xb8;
	[tilespmem:$0x1D000] =	vst v63  }
0xbc: {  	s6 =	simm.s32 $0x200;
	_ =	swait.ge [sflag:s9], $0x4000  }
0xbd: {  	s24 =	simm.s32 $0x100;
	s8 =	rddreg [dreg:$0x3];
	[sflag:s9] =	ssyncset.done $0x0  }
.LBB2_2:
0xbe: {  	[sflag:s9] =	ssyncadd.s32 $0xFFFFC000;
	s8 =	sadd.s32 s24, s8  }
0xbf: {  	[tilespmem:s3], [sflag:$0x3] =	stream.linear.gather [hbm4b:s8+s3], $0x800, $0x38;
	[tilespmem:$0x1D000] =	vst v63  }
0xc0: {  	_ =	swait.ge [sflag:s9], $0x800  }
0xc1: {  	s8 =	rddreg [dreg:$0x4];
	[sflag:s9] =	ssyncset.done $0x0  }
0xc2: {  	[sflag:s9] =	ssyncadd.s32 $0xFFFFF800;
	s8 =	sadd.s32 s24, s8  }
0xc3: {  	[tilespmem:s10], [sflag:$0x3] =	stream.linear.gather [hbm4b:s8+s3], $0x800, $0x38;
	[tilespmem:$0x1D000] =	vst v63  }
0xc4: {  	_ =	swait.ge [sflag:s9], $0x800  }
0xc5: {  	[sflag:s9] =	ssyncset.done $0x0  }
0xc6: {  	[sflag:s9] =	ssyncadd.s32 $0xFFFFF800  }
0xc7: {  	[tilespmem:s12], [sflag:$0x1] =	stream.indirect.gather [hbm4b:s4+s11], $0x80, s3, s11, $0xb8;
	[tilespmem:$0x1D000] =	vst v63  }
0xc8: {  	_ =	swait.ge [sflag:s13], $0x4000  }
0xc9: {  	[sflag:s13] =	ssyncset.done $0x0  }
0xca: {  	[sflag:s13] =	ssyncadd.s32 $0xFFFFC000  }
0xcb: {  	[tilespmem:s14], [sflag:$0x2] =	stream.indirect.gather [hbm4b:s4+s11], $0x80, s11, s11, $0xb8;
	[tilespmem:$0x1D000] =	vst v63  }
0xcc: {  	_ = 	snop  }
0xcd: {  	[spmem:s2] =	stream.indirect.scatter.add.f32 [tilespmem:s12], [sflag:$0x3], $0x80, s10, s11, $0xb8;
	[tilespmem:$0x1D000] =	vst v63  }
0xce: {  	_ =	swait.ge [sflag:s9], $0x4000  }
0xcf: {  	[sflag:s9] =	ssyncset.done $0x0  }
0xd0: {  	[sflag:s9] =	ssyncadd.s32 $0xFFFFC000  }
0xd1: {  	_ =	swait.ge [sflag:s15], $0x4000  }
0xd2: {  	s7 =	smov.u32 s6;
	[sflag:s15] =	ssyncset.done $0x0  }
0xd3: {  	s24 =	smov.u32 s7;
	s7 =	rddreg [dreg:$0x5];
	[sflag:s15] =	ssyncadd.s32 $0xFFFFC000  }
0xd4: {  	[tilespmem:s12], [sflag:$0x1] =	stream.indirect.gather [hbm4b:s4+s11], $0x80, s7, s11, $0xb8;
	[tilespmem:$0x1D000] =	vst v63  }
0xd5: {  	s8 =	rddreg [dreg:$0x6]  }
0xd6: {  	[spmem:s2] =	stream.indirect.scatter.add.f32 [tilespmem:s14], [sflag:$0x3], $0x80, s8, s11, $0xb8;
	[tilespmem:$0x1D000] =	vst v63  }
0xd7: {  	_ =	swait.ge [sflag:s9], $0x4000  }
0xd8: {  	[sflag:s9] =	ssyncset.done $0x0  }
0xd9: {  	[sflag:s9] =	ssyncadd.s32 $0xFFFFC000  }
0xda: {  	_ =	swait.ge [sflag:s13], $0x4000  }
0xdb: {  	[sflag:s13] =	ssyncset.done $0x0  }
0xdc: {  	s7 =	rddreg [dreg:$0x7];
	[sflag:s13] =	ssyncadd.s32 $0xFFFFC000  }
0xdd: {  	[tilespmem:s14], [sflag:$0x2] =	stream.indirect.gather [hbm4b:s4+s11], $0x80, s7, s11, $0xb8;
	[tilespmem:$0x1D000] =	vst v63  }
0xde: {  	s8 =	rddreg [dreg:$0x8]  }
0xdf: {  	[spmem:s2] =	stream.indirect.scatter.add.f32 [tilespmem:s12], [sflag:$0x3], $0x80, s8, s11, $0xb8;
	[tilespmem:$0x1D000] =	vst v63  }
0xe0: {  	_ =	swait.ge [sflag:s9], $0x4000  }
0xe1: {  	[sflag:s9] =	ssyncset.done $0x0  }
0xe2: {  	[sflag:s9] =	ssyncadd.s32 $0xFFFFC000  }
0xe3: {  	_ =	swait.ge [sflag:s15], $0x4000  }
0xe4: {  	[sflag:s15] =	ssyncset.done $0x0  }
0xe5: {  	s7 =	rddreg [dreg:$0x9];
	[sflag:s15] =	ssyncadd.s32 $0xFFFFC000  }
0xe6: {  	[tilespmem:s12], [sflag:$0x1] =	stream.indirect.gather [hbm4b:s4+s11], $0x80, s7, s11, $0xb8;
	[tilespmem:$0x1D000] =	vst v63  }
0xe7: {  	s8 =	rddreg [dreg:$0xa]  }
0xe8: {  	[spmem:s2] =	stream.indirect.scatter.add.f32 [tilespmem:s14], [sflag:$0x3], $0x80, s8, s11, $0xb8;
	[tilespmem:$0x1D000] =	vst v63  }
0xe9: {  	_ =	swait.ge [sflag:s9], $0x4000  }
0xea: {  	[sflag:s9] =	ssyncset.done $0x0  }
0xeb: {  	[sflag:s9] =	ssyncadd.s32 $0xFFFFC000  }
0xec: {  	_ =	swait.ge [sflag:s13], $0x4000  }
0xed: {  	[sflag:s13] =	ssyncset.done $0x0  }
0xee: {  	s7 =	rddreg [dreg:$0xb];
	[sflag:s13] =	ssyncadd.s32 $0xFFFFC000  }
0xef: {  	[tilespmem:s14], [sflag:$0x2] =	stream.indirect.gather [hbm4b:s4+s11], $0x80, s7, s11, $0xb8;
	[tilespmem:$0x1D000] =	vst v63  }
0xf0: {  	s8 =	rddreg [dreg:$0xc]  }
0xf1: {  	[spmem:s2] =	stream.indirect.scatter.add.f32 [tilespmem:s12], [sflag:$0x3], $0x80, s8, s11, $0xb8;
	[tilespmem:$0x1D000] =	vst v63  }
0xf2: {  	_ =	swait.ge [sflag:s9], $0x4000  }
0xf3: {  	[sflag:s9] =	ssyncset.done $0x0  }
0xf4: {  	[sflag:s9] =	ssyncadd.s32 $0xFFFFC000  }
0xf5: {  	_ =	swait.ge [sflag:s15], $0x4000  }
0xf6: {  	[sflag:s15] =	ssyncset.done $0x0  }
0xf7: {  	s7 =	rddreg [dreg:$0xd];
	[sflag:s15] =	ssyncadd.s32 $0xFFFFC000  }
0xf8: {  	[tilespmem:s12], [sflag:$0x1] =	stream.indirect.gather [hbm4b:s4+s11], $0x80, s7, s11, $0xb8;
	[tilespmem:$0x1D000] =	vst v63  }
0xf9: {  	s8 =	rddreg [dreg:$0xe]  }
0xfa: {  	[spmem:s2] =	stream.indirect.scatter.add.f32 [tilespmem:s14], [sflag:$0x3], $0x80, s8, s11, $0xb8;
	[tilespmem:$0x1D000] =	vst v63  }
0xfb: {  	_ =	swait.ge [sflag:s9], $0x4000  }
0xfc: {  	[sflag:s9] =	ssyncset.done $0x0  }
0xfd: {  	[sflag:s9] =	ssyncadd.s32 $0xFFFFC000  }
0xfe: {  	_ =	swait.ge [sflag:s13], $0x4000  }
0xff: {  	[sflag:s13] =	ssyncset.done $0x0  }
0x100: {  	s7 =	rddreg [dreg:$0xf];
	[sflag:s13] =	ssyncadd.s32 $0xFFFFC000  }
0x101: {  	[tilespmem:s14], [sflag:$0x2] =	stream.indirect.gather [hbm4b:s4+s11], $0x80, s7, s11, $0xb8;
	[tilespmem:$0x1D000] =	vst v63  }
0x102: {  	s8 =	rddreg [dreg:$0x10]  }
0x103: {  	[spmem:s2] =	stream.indirect.scatter.add.f32 [tilespmem:s12], [sflag:$0x3], $0x80, s8, s11, $0xb8;
	[tilespmem:$0x1D000] =	vst v63  }
0x104: {  	_ =	swait.ge [sflag:s9], $0x4000  }
0x105: {  	[sflag:s9] =	ssyncset.done $0x0  }
0x106: {  	[sflag:s9] =	ssyncadd.s32 $0xFFFFC000  }
0x107: {  	_ =	swait.ge [sflag:s15], $0x4000  }
0x108: {  	[sflag:s15] =	ssyncset.done $0x0  }
0x109: {  	[sflag:s15] =	ssyncadd.s32 $0xFFFFC000  }
0x10a: {  	[tilespmem:s12], [sflag:$0x1] =	stream.indirect.gather [hbm4b:s4+s11], $0x80, s16, s11, $0xb8;
	[tilespmem:$0x1D000] =	vst v63  }
0x10b: {  	_ = 	snop  }
0x10c: {  	[spmem:s2] =	stream.indirect.scatter.add.f32 [tilespmem:s14], [sflag:$0x3], $0x80, s17, s11, $0xb8;
	[tilespmem:$0x1D000] =	vst v63  }
0x10d: {  	_ =	swait.ge [sflag:s9], $0x4000  }
0x10e: {  	[sflag:s9] =	ssyncset.done $0x0  }
0x10f: {  	[sflag:s9] =	ssyncadd.s32 $0xFFFFC000  }
0x110: {  	_ =	swait.ge [sflag:s13], $0x4000  }
0x111: {  	[sflag:s13] =	ssyncset.done $0x0  }
0x112: {  	[sflag:s13] =	ssyncadd.s32 $0xFFFFC000  }
0x113: {  	[tilespmem:s14], [sflag:$0x2] =	stream.indirect.gather [hbm4b:s4+s11], $0x80, s18, s11, $0xb8;
	[tilespmem:$0x1D000] =	vst v63  }
0x114: {  	_ = 	snop  }
0x115: {  	[spmem:s2] =	stream.indirect.scatter.add.f32 [tilespmem:s12], [sflag:$0x3], $0x80, s19, s11, $0xb8;
	[tilespmem:$0x1D000] =	vst v63  }
0x116: {  	_ =	swait.ge [sflag:s9], $0x4000  }
0x117: {  	[sflag:s9] =	ssyncset.done $0x0  }
0x118: {  	[sflag:s9] =	ssyncadd.s32 $0xFFFFC000  }
0x119: {  	_ =	swait.ge [sflag:s15], $0x4000  }
0x11a: {  	[sflag:s15] =	ssyncset.done $0x0  }
0x11b: {  	[sflag:s15] =	ssyncadd.s32 $0xFFFFC000  }
0x11c: {  	[tilespmem:s12], [sflag:$0x1] =	stream.indirect.gather [hbm4b:s4+s11], $0x80, s20, s11, $0xb8;
	[tilespmem:$0x1D000] =	vst v63  }
0x11d: {  	_ = 	snop  }
0x11e: {  	[spmem:s2] =	stream.indirect.scatter.add.f32 [tilespmem:s14], [sflag:$0x3], $0x80, s21, s11, $0xb8;
	[tilespmem:$0x1D000] =	vst v63  }
0x11f: {  	_ =	swait.ge [sflag:s9], $0x4000  }
0x120: {  	[sflag:s9] =	ssyncset.done $0x0  }
0x121: {  	[sflag:s9] =	ssyncadd.s32 $0xFFFFC000  }
0x122: {  	_ =	swait.ge [sflag:s13], $0x4000  }
0x123: {  	[sflag:s13] =	ssyncset.done $0x0  }
0x124: {  	[sflag:s13] =	ssyncadd.s32 $0xFFFFC000  }
0x125: {  	[tilespmem:s14], [sflag:$0x2] =	stream.indirect.gather [hbm4b:s4+s11], $0x80, s22, s11, $0xb8;
	[tilespmem:$0x1D000] =	vst v63  }
0x126: {  	_ = 	snop  }
0x127: {  	[spmem:s2] =	stream.indirect.scatter.add.f32 [tilespmem:s12], [sflag:$0x3], $0x80, s23, s11, $0xb8;
	[tilespmem:$0x1D000] =	vst v63  }
0x128: {  	_ =	swait.ge [sflag:s9], $0x4000  }
0x129: {  	[sflag:s9] =	ssyncset.done $0x0  }
0x12a: {  	[sflag:s9] =	ssyncadd.s32 $0xFFFFC000  }
0x12b: {  	_ =	swait.ge [sflag:s15], $0x4000  }
0x12c: {  	[sflag:s15] =	ssyncset.done $0x0  }
0x12d: {  	[sflag:s15] =	ssyncadd.s32 $0xFFFFC000  }
0x12e: {  	[tilespmem:s12], [sflag:$0x1] =	stream.indirect.gather [hbm4b:s4+s11], $0x80, s25, s11, $0xb8;
	[tilespmem:$0x1D000] =	vst v63  }
0x12f: {  	_ = 	snop  }
0x130: {  	[spmem:s2] =	stream.indirect.scatter.add.f32 [tilespmem:s14], [sflag:$0x3], $0x80, s26, s11, $0xb8;
	[tilespmem:$0x1D000] =	vst v63  }
0x131: {  	_ =	swait.ge [sflag:s9], $0x4000  }
0x132: {  	[sflag:s9] =	ssyncset.done $0x0  }
0x133: {  	[sflag:s9] =	ssyncadd.s32 $0xFFFFC000  }
0x134: {  	_ =	swait.ge [sflag:s13], $0x4000  }
0x135: {  	[sflag:s13] =	ssyncset.done $0x0  }
0x136: {  	[sflag:s13] =	ssyncadd.s32 $0xFFFFC000  }
0x137: {  	[tilespmem:s14], [sflag:$0x2] =	stream.indirect.gather [hbm4b:s4+s11], $0x80, s28, s11, $0xb8;
	[tilespmem:$0x1D000] =	vst v63  }
0x138: {  	_ = 	snop  }
0x139: {  	[spmem:s2] =	stream.indirect.scatter.add.f32 [tilespmem:s12], [sflag:$0x3], $0x80, s29, s11, $0xb8;
	[tilespmem:$0x1D000] =	vst v63  }
0x13a: {  	_ =	swait.ge [sflag:s9], $0x4000  }
0x13b: {  	[sflag:s9] =	ssyncset.done $0x0  }
0x13c: {  	[sflag:s9] =	ssyncadd.s32 $0xFFFFC000  }
0x13d: {  	_ =	swait.ge [sflag:s15], $0x4000  }
0x13e: {  	[sflag:s15] =	ssyncset.done $0x0  }
0x13f: {  	[sflag:s15] =	ssyncadd.s32 $0xFFFFC000  }
0x140: {  	[tilespmem:s12], [sflag:$0x1] =	stream.indirect.gather [hbm4b:s4+s11], $0x80, s30, s11, $0xb8;
	[tilespmem:$0x1D000] =	vst v63  }
0x141: {  	_ = 	snop  }
0x142: {  	[spmem:s2] =	stream.indirect.scatter.add.f32 [tilespmem:s14], [sflag:$0x3], $0x80, s31, s11, $0xb8;
	[tilespmem:$0x1D000] =	vst v63  }
0x143: {  	_ =	swait.ge [sflag:s9], $0x4000  }
0x144: {  	[sflag:s9] =	ssyncset.done $0x0  }
0x145: {  	[sflag:s9] =	ssyncadd.s32 $0xFFFFC000  }
0x146: {  	_ =	swait.ge [sflag:s13], $0x4000  }
0x147: {  	[sflag:s13] =	ssyncset.done $0x0  }
0x148: {  	[sflag:s13] =	ssyncadd.s32 $0xFFFFC000  }
0x149: {  	[tilespmem:s14], [sflag:$0x2] =	stream.indirect.gather [hbm4b:s4+s11], $0x80, s1, s11, $0xb8;
	[tilespmem:$0x1D000] =	vst v63  }
0x14a: {  	_ = 	snop  }
0x14b: {  	[spmem:s2] =	stream.indirect.scatter.add.f32 [tilespmem:s12], [sflag:$0x3], $0x80, s0, s11, $0xb8;
	[tilespmem:$0x1D000] =	vst v63  }
0x14c: {  	_ =	swait.ge [sflag:s9], $0x4000  }
0x14d: {  	[sflag:s9] =	ssyncset.done $0x0  }
0x14e: {  	[sflag:s9] =	ssyncadd.s32 $0xFFFFC000  }
0x14f: {  	p0 =	sne.s32 s6, $0x400;
	_ =	swait.ge [sflag:s15], $0x4000  }
.Ltmp0:
0x150: {  	[sflag:s15] =	ssyncset.done $0x0;
	(pc) =	sbr.rel @p0 .LBB2_2-.Ltmp0, $4  }
0x151: {  	[sflag:s15] =	ssyncadd.s32 $0xFFFFC000  }
0x152: {  	[spmem:s2] =	stream.indirect.scatter.add.f32 [tilespmem:s14], [sflag:$0x3], $0x80, s5, s11, $0xb8;
	[tilespmem:$0x1D000] =	vst v63  }
0x153: {  	_ =	swait.ge [sflag:s9], $0x4000  }
0x154: {  	s6 =	sadd.s32 $0x100, s6;
	s8 =	rddreg [dreg:$0x3];
	[sflag:s9] =	ssyncset.done $0x0  }
0x155: {  	[sflag:s9] =	ssyncadd.s32 $0xFFFFC000;
	s6 =	sadd.s32 s24, s8  }
0x156: {  	[tilespmem:s3], [sflag:$0x3] =	stream.linear.gather [hbm4b:s6+s3], $0x800, $0x38;
	[tilespmem:$0x1D000] =	vst v63  }
0x157: {  	_ =	swait.ge [sflag:s9], $0x800  }
0x158: {  	s8 =	rddreg [dreg:$0x4];
	[sflag:s9] =	ssyncset.done $0x0  }
0x159: {  	[sflag:s9] =	ssyncadd.s32 $0xFFFFF800;
	s6 =	sadd.s32 s24, s8  }
0x15a: {  	[tilespmem:s10], [sflag:$0x3] =	stream.linear.gather [hbm4b:s6+s3], $0x800, $0x38;
	[tilespmem:$0x1D000] =	vst v63  }
0x15b: {  	_ =	swait.ge [sflag:s9], $0x800  }
0x15c: {  	[sflag:s9] =	ssyncset.done $0x0  }
0x15d: {  	[sflag:s9] =	ssyncadd.s32 $0xFFFFF800  }
0x15e: {  	[tilespmem:s12], [sflag:$0x1] =	stream.indirect.gather [hbm4b:s4+s11], $0x80, s3, s11, $0xb8;
	[tilespmem:$0x1D000] =	vst v63  }
0x15f: {  	_ =	swait.ge [sflag:s13], $0x4000  }
0x160: {  	[sflag:s13] =	ssyncset.done $0x0  }
0x161: {  	[sflag:s13] =	ssyncadd.s32 $0xFFFFC000  }
0x162: {  	[tilespmem:s14], [sflag:$0x2] =	stream.indirect.gather [hbm4b:s4+s11], $0x80, s11, s11, $0xb8;
	[tilespmem:$0x1D000] =	vst v63  }
0x163: {  	_ = 	snop  }
0x164: {  	[spmem:s2] =	stream.indirect.scatter.add.f32 [tilespmem:s12], [sflag:$0x3], $0x80, s10, s11, $0xb8;
	[tilespmem:$0x1D000] =	vst v63  }
0x165: {  	_ =	swait.ge [sflag:s9], $0x4000  }
0x166: {  	[sflag:s9] =	ssyncset.done $0x0  }
0x167: {  	[sflag:s9] =	ssyncadd.s32 $0xFFFFC000  }
0x168: {  	_ =	swait.ge [sflag:s15], $0x4000  }
0x169: {  	[sflag:s15] =	ssyncset.done $0x0  }
0x16a: {  	s24 =	rddreg [dreg:$0x5];
	[sflag:s15] =	ssyncadd.s32 $0xFFFFC000  }
0x16b: {  	[tilespmem:s12], [sflag:$0x1] =	stream.indirect.gather [hbm4b:s4+s11], $0x80, s24, s11, $0xb8;
	[tilespmem:$0x1D000] =	vst v63  }
0x16c: {  	s7 =	rddreg [dreg:$0x6]  }
0x16d: {  	[spmem:s2] =	stream.indirect.scatter.add.f32 [tilespmem:s14], [sflag:$0x3], $0x80, s7, s11, $0xb8;
	[tilespmem:$0x1D000] =	vst v63  }
0x16e: {  	_ =	swait.ge [sflag:s9], $0x4000  }
0x16f: {  	[sflag:s9] =	ssyncset.done $0x0  }
0x170: {  	[sflag:s9] =	ssyncadd.s32 $0xFFFFC000  }
0x171: {  	_ =	swait.ge [sflag:s13], $0x4000  }
0x172: {  	[sflag:s13] =	ssyncset.done $0x0  }
0x173: {  	s8 =	rddreg [dreg:$0x7];
	[sflag:s13] =	ssyncadd.s32 $0xFFFFC000  }
0x174: {  	[tilespmem:s14], [sflag:$0x2] =	stream.indirect.gather [hbm4b:s4+s11], $0x80, s8, s11, $0xb8;
	[tilespmem:$0x1D000] =	vst v63  }
0x175: {  	s24 =	rddreg [dreg:$0x8]  }
0x176: {  	[spmem:s2] =	stream.indirect.scatter.add.f32 [tilespmem:s12], [sflag:$0x3], $0x80, s24, s11, $0xb8;
	[tilespmem:$0x1D000] =	vst v63  }
0x177: {  	_ =	swait.ge [sflag:s9], $0x4000  }
0x178: {  	[sflag:s9] =	ssyncset.done $0x0  }
0x179: {  	[sflag:s9] =	ssyncadd.s32 $0xFFFFC000  }
0x17a: {  	_ =	swait.ge [sflag:s15], $0x4000  }
0x17b: {  	[sflag:s15] =	ssyncset.done $0x0  }
0x17c: {  	s8 =	rddreg [dreg:$0x9];
	[sflag:s15] =	ssyncadd.s32 $0xFFFFC000  }
0x17d: {  	[tilespmem:s12], [sflag:$0x1] =	stream.indirect.gather [hbm4b:s4+s11], $0x80, s8, s11, $0xb8;
	[tilespmem:$0x1D000] =	vst v63  }
0x17e: {  	s24 =	rddreg [dreg:$0xa]  }
0x17f: {  	[spmem:s2] =	stream.indirect.scatter.add.f32 [tilespmem:s14], [sflag:$0x3], $0x80, s24, s11, $0xb8;
	[tilespmem:$0x1D000] =	vst v63  }
0x180: {  	_ =	swait.ge [sflag:s9], $0x4000  }
0x181: {  	[sflag:s9] =	ssyncset.done $0x0  }
0x182: {  	[sflag:s9] =	ssyncadd.s32 $0xFFFFC000  }
0x183: {  	_ =	swait.ge [sflag:s13], $0x4000  }
0x184: {  	[sflag:s13] =	ssyncset.done $0x0  }
0x185: {  	s8 =	rddreg [dreg:$0xb];
	[sflag:s13] =	ssyncadd.s32 $0xFFFFC000  }
0x186: {  	[tilespmem:s14], [sflag:$0x2] =	stream.indirect.gather [hbm4b:s4+s11], $0x80, s8, s11, $0xb8;
	[tilespmem:$0x1D000] =	vst v63  }
0x187: {  	s24 =	rddreg [dreg:$0xc]  }
0x188: {  	[spmem:s2] =	stream.indirect.scatter.add.f32 [tilespmem:s12], [sflag:$0x3], $0x80, s24, s11, $0xb8;
	[tilespmem:$0x1D000] =	vst v63  }
0x189: {  	_ =	swait.ge [sflag:s9], $0x4000  }
0x18a: {  	[sflag:s9] =	ssyncset.done $0x0  }
0x18b: {  	[sflag:s9] =	ssyncadd.s32 $0xFFFFC000  }
0x18c: {  	_ =	swait.ge [sflag:s15], $0x4000  }
0x18d: {  	[sflag:s15] =	ssyncset.done $0x0  }
0x18e: {  	s8 =	rddreg [dreg:$0xd];
	[sflag:s15] =	ssyncadd.s32 $0xFFFFC000  }
0x18f: {  	[tilespmem:s12], [sflag:$0x1] =	stream.indirect.gather [hbm4b:s4+s11], $0x80, s8, s11, $0xb8;
	[tilespmem:$0x1D000] =	vst v63  }
0x190: {  	s24 =	rddreg [dreg:$0xe]  }
0x191: {  	[spmem:s2] =	stream.indirect.scatter.add.f32 [tilespmem:s14], [sflag:$0x3], $0x80, s24, s11, $0xb8;
	[tilespmem:$0x1D000] =	vst v63  }
0x192: {  	_ =	swait.ge [sflag:s9], $0x4000  }
0x193: {  	[sflag:s9] =	ssyncset.done $0x0  }
0x194: {  	[sflag:s9] =	ssyncadd.s32 $0xFFFFC000  }
0x195: {  	_ =	swait.ge [sflag:s13], $0x4000  }
0x196: {  	[sflag:s13] =	ssyncset.done $0x0  }
0x197: {  	s7 =	rddreg [dreg:$0xf];
	[sflag:s13] =	ssyncadd.s32 $0xFFFFC000  }
0x198: {  	[tilespmem:s14], [sflag:$0x2] =	stream.indirect.gather [hbm4b:s4+s11], $0x80, s7, s11, $0xb8;
	[tilespmem:$0x1D000] =	vst v63  }
0x199: {  	s8 =	rddreg [dreg:$0x10]  }
0x19a: {  	[spmem:s2] =	stream.indirect.scatter.add.f32 [tilespmem:s12], [sflag:$0x3], $0x80, s8, s11, $0xb8;
	[tilespmem:$0x1D000] =	vst v63  }
0x19b: {  	_ =	swait.ge [sflag:s9], $0x4000  }
0x19c: {  	[sflag:s9] =	ssyncset.done $0x0  }
0x19d: {  	[sflag:s9] =	ssyncadd.s32 $0xFFFFC000  }
0x19e: {  	_ =	swait.ge [sflag:s15], $0x4000  }
0x19f: {  	[sflag:s15] =	ssyncset.done $0x0  }
0x1a0: {  	[sflag:s15] =	ssyncadd.s32 $0xFFFFC000  }
0x1a1: {  	[tilespmem:s12], [sflag:$0x1] =	stream.indirect.gather [hbm4b:s4+s11], $0x80, s16, s11, $0xb8;
	[tilespmem:$0x1D000] =	vst v63  }
0x1a2: {  	_ = 	snop  }
0x1a3: {  	[spmem:s2] =	stream.indirect.scatter.add.f32 [tilespmem:s14], [sflag:$0x3], $0x80, s17, s11, $0xb8;
	[tilespmem:$0x1D000] =	vst v63  }
0x1a4: {  	_ =	swait.ge [sflag:s9], $0x4000  }
0x1a5: {  	[sflag:s9] =	ssyncset.done $0x0  }
0x1a6: {  	[sflag:s9] =	ssyncadd.s32 $0xFFFFC000  }
0x1a7: {  	_ =	swait.ge [sflag:s13], $0x4000  }
0x1a8: {  	[sflag:s13] =	ssyncset.done $0x0  }
0x1a9: {  	[sflag:s13] =	ssyncadd.s32 $0xFFFFC000  }
0x1aa: {  	[tilespmem:s14], [sflag:$0x2] =	stream.indirect.gather [hbm4b:s4+s11], $0x80, s18, s11, $0xb8;
	[tilespmem:$0x1D000] =	vst v63  }
0x1ab: {  	_ = 	snop  }
0x1ac: {  	[spmem:s2] =	stream.indirect.scatter.add.f32 [tilespmem:s12], [sflag:$0x3], $0x80, s19, s11, $0xb8;
	[tilespmem:$0x1D000] =	vst v63  }
0x1ad: {  	_ =	swait.ge [sflag:s9], $0x4000  }
0x1ae: {  	[sflag:s9] =	ssyncset.done $0x0  }
0x1af: {  	[sflag:s9] =	ssyncadd.s32 $0xFFFFC000  }
0x1b0: {  	_ =	swait.ge [sflag:s15], $0x4000  }
0x1b1: {  	[sflag:s15] =	ssyncset.done $0x0  }
0x1b2: {  	[sflag:s15] =	ssyncadd.s32 $0xFFFFC000  }
0x1b3: {  	[tilespmem:s12], [sflag:$0x1] =	stream.indirect.gather [hbm4b:s4+s11], $0x80, s20, s11, $0xb8;
	[tilespmem:$0x1D000] =	vst v63  }
0x1b4: {  	_ = 	snop  }
0x1b5: {  	[spmem:s2] =	stream.indirect.scatter.add.f32 [tilespmem:s14], [sflag:$0x3], $0x80, s21, s11, $0xb8;
	[tilespmem:$0x1D000] =	vst v63  }
0x1b6: {  	_ =	swait.ge [sflag:s9], $0x4000  }
0x1b7: {  	[sflag:s9] =	ssyncset.done $0x0  }
0x1b8: {  	[sflag:s9] =	ssyncadd.s32 $0xFFFFC000  }
0x1b9: {  	_ =	swait.ge [sflag:s13], $0x4000  }
0x1ba: {  	[sflag:s13] =	ssyncset.done $0x0  }
0x1bb: {  	[sflag:s13] =	ssyncadd.s32 $0xFFFFC000  }
0x1bc: {  	[tilespmem:s14], [sflag:$0x2] =	stream.indirect.gather [hbm4b:s4+s11], $0x80, s22, s11, $0xb8;
	[tilespmem:$0x1D000] =	vst v63  }
0x1bd: {  	_ = 	snop  }
0x1be: {  	[spmem:s2] =	stream.indirect.scatter.add.f32 [tilespmem:s12], [sflag:$0x3], $0x80, s23, s11, $0xb8;
	[tilespmem:$0x1D000] =	vst v63  }
0x1bf: {  	_ =	swait.ge [sflag:s9], $0x4000  }
0x1c0: {  	[sflag:s9] =	ssyncset.done $0x0  }
0x1c1: {  	[sflag:s9] =	ssyncadd.s32 $0xFFFFC000  }
0x1c2: {  	_ =	swait.ge [sflag:s15], $0x4000  }
0x1c3: {  	[sflag:s15] =	ssyncset.done $0x0  }
0x1c4: {  	[sflag:s15] =	ssyncadd.s32 $0xFFFFC000  }
0x1c5: {  	[tilespmem:s12], [sflag:$0x1] =	stream.indirect.gather [hbm4b:s4+s11], $0x80, s25, s11, $0xb8;
	[tilespmem:$0x1D000] =	vst v63  }
0x1c6: {  	_ = 	snop  }
0x1c7: {  	[spmem:s2] =	stream.indirect.scatter.add.f32 [tilespmem:s14], [sflag:$0x3], $0x80, s26, s11, $0xb8;
	[tilespmem:$0x1D000] =	vst v63  }
0x1c8: {  	_ =	swait.ge [sflag:s9], $0x4000  }
0x1c9: {  	[sflag:s9] =	ssyncset.done $0x0  }
0x1ca: {  	[sflag:s9] =	ssyncadd.s32 $0xFFFFC000  }
0x1cb: {  	_ =	swait.ge [sflag:s13], $0x4000  }
0x1cc: {  	[sflag:s13] =	ssyncset.done $0x0  }
0x1cd: {  	[sflag:s13] =	ssyncadd.s32 $0xFFFFC000  }
0x1ce: {  	[tilespmem:s14], [sflag:$0x2] =	stream.indirect.gather [hbm4b:s4+s11], $0x80, s28, s11, $0xb8;
	[tilespmem:$0x1D000] =	vst v63  }
0x1cf: {  	_ = 	snop  }
0x1d0: {  	[spmem:s2] =	stream.indirect.scatter.add.f32 [tilespmem:s12], [sflag:$0x3], $0x80, s29, s11, $0xb8;
	[tilespmem:$0x1D000] =	vst v63  }
0x1d1: {  	_ =	swait.ge [sflag:s9], $0x4000  }
0x1d2: {  	[sflag:s9] =	ssyncset.done $0x0  }
0x1d3: {  	[sflag:s9] =	ssyncadd.s32 $0xFFFFC000  }
0x1d4: {  	_ =	swait.ge [sflag:s15], $0x4000  }
0x1d5: {  	[sflag:s15] =	ssyncset.done $0x0  }
0x1d6: {  	[sflag:s15] =	ssyncadd.s32 $0xFFFFC000  }
0x1d7: {  	[tilespmem:s12], [sflag:$0x1] =	stream.indirect.gather [hbm4b:s4+s11], $0x80, s30, s11, $0xb8;
	[tilespmem:$0x1D000] =	vst v63  }
0x1d8: {  	_ = 	snop  }
0x1d9: {  	[spmem:s2] =	stream.indirect.scatter.add.f32 [tilespmem:s14], [sflag:$0x3], $0x80, s31, s11, $0xb8;
	[tilespmem:$0x1D000] =	vst v63  }
0x1da: {  	_ =	swait.ge [sflag:s9], $0x4000  }
0x1db: {  	[sflag:s9] =	ssyncset.done $0x0  }
0x1dc: {  	[sflag:s9] =	ssyncadd.s32 $0xFFFFC000  }
0x1dd: {  	_ =	swait.ge [sflag:s13], $0x4000  }
0x1de: {  	[sflag:s13] =	ssyncset.done $0x0  }
0x1df: {  	[sflag:s13] =	ssyncadd.s32 $0xFFFFC000  }
0x1e0: {  	[tilespmem:s14], [sflag:$0x2] =	stream.indirect.gather [hbm4b:s4+s11], $0x80, s1, s11, $0xb8;
	[tilespmem:$0x1D000] =	vst v63  }
0x1e1: {  	_ = 	snop  }
0x1e2: {  	[spmem:s2] =	stream.indirect.scatter.add.f32 [tilespmem:s12], [sflag:$0x3], $0x80, s0, s11, $0xb8;
	[tilespmem:$0x1D000] =	vst v63  }
0x1e3: {  	_ =	swait.ge [sflag:s9], $0x4000  }
0x1e4: {  	[sflag:s9] =	ssyncset.done $0x0  }
0x1e5: {  	[sflag:s9] =	ssyncadd.s32 $0xFFFFC000  }
0x1e6: {  	_ =	swait.ge [sflag:s15], $0x4000  }
0x1e7: {  	[sflag:s15] =	ssyncset.done $0x0  }
0x1e8: {  	[sflag:s15] =	ssyncadd.s32 $0xFFFFC000  }
0x1e9: {  	[spmem:s2] =	stream.indirect.scatter.add.f32 [tilespmem:s14], [sflag:$0x3], $0x80, s5, s11, $0xb8;
	[tilespmem:$0x1D000] =	vst v63  }
0x1ea: {  	_ =	swait.ge [sflag:s9], $0x4000  }
0x1eb: {  	[sflag:s9] =	ssyncset.done $0x0  }
0x1ec: {  	[sflag:s9] =	ssyncadd.s32 $0xFFFFC000  }
0x1ed: {  	[bflag:$0x0] =	sbarrier.arrive $0xFFFF  }
0x1ee: {  	s8 =	rddreg [dreg:$0x12]  }
0x1ef: {  	s7 =	rddreg [dreg:$0x14]  }
0x1f0: {  	s24 =	rddreg [dreg:$0x15]  }
0x1f1: {  	[hbm:s24], [sflag:s8] =	dma.local [spmem:s7], $0x2800  }
0x1f2: {  	_ =	swait.ge [sflag:s9], $0x2800  }
0x1f3: {  	s6 =	rddreg [dreg:$0x16]  }
0x1f4: {  	s24 =	sadd.s32 $0x1, s6;
	s6 =	rddreg [dreg:$0x13]  }
0x1f5: {  	p0 =	sne.s32 s24, s6  }
.Ltmp1:
0x1f6: {  	_ = 	snop;
	(pc) =	sbr.rel @p0 .LBB2_1-.Ltmp1, $3  }
0x1f7: {  	_ =	sdelay $0x1  }
0x1f8: {  	[sflag:s9] =	ssyncset.done $0x0  }
0x1f9: {  	[sflag:s9] =	ssyncadd.s32 $0xFFFFD800  }
0x1fa: {  	_ =	sfence.sel $0x180000  }
0x1fb: {  	[bflag:$0x0] =	sbarrier.arrive $0xFFFF  }
0x1fc: {  	_ =	strace $0x90000047  }
0x1fd: {  	s0 =	stileid.u32;
	[bflag:$0x2] =	sbarrier.arrive $0xFFFF  }
0x1fe: {  	p0 =	sne.s32 s0, $0x0;
	s0 =	rddreg [dreg:$0x2]  }
0x1ff: {  	s0 =	sadd.s32 @!p0 $0x100000, s0  }
0x200: {  	[sflag:s0] =	ssyncadd.tile.s32 @!p0 $0x1;
	_ =	shalt  }
.Lfunc_end2:
_tile_overlayer_lowered:
.L_overlay_start_2:
0x201: {  	(tag) =	ssettag $0x2  }
0x202: {  	s0 =	rddreg [dreg:$0x0];
	s2 =	stileid.u32  }
0x203: {  	s1 =	rddreg [dreg:$0x1];
	p0 =	sne.s32 s2, $0x0  }
0x204: {  	s3 =	rddreg [dreg:$0x2];
	[bflag:$0x3] =	sbarrier.arrive $0xFFFF;
	s2 =	simm.s32 @!p0 $0x1C03  }
0x205: {  	[timem:s3], [sflag:s2] =	dma.local @!p0 [hbm:s0], s1  }
0x206: {  	s0 =	simm.s32 @!p0 $0x3  }
0x207: {  	_ =	swait.ge @!p0 [sflag:s0], s1  }
0x208: {  	s1 =	ssub.s32 @!p0 $0x0, s1;
	[sflag:s0] =	ssyncset.done @!p0 $0x0  }
0x209: {  	[sflag:s0] =	ssyncadd.s32 @!p0 s1  }
0x20a: {  	[bflag:$0x3] =	sbarrier.arrive $0xFFFF  }
0x20b: {  	_ =	shalt  }

// kernel: kernel.15.cloned.1.call-start
scs
__scs_entry_jumppad:
0x0: {  	(pc) =	sbr.rel $0x88, $3  }
0x1: {  	(tag) =	ssettag $0x0;
	lr =	simm.s32 $0x1  }
0x2: {  	[smem:$0x3F95] =	sst lr;
	_ =	strace $0xD0000000  }
0x3: {  	_ = 	snop  }
0x4: {  	_ = 	snop  }
0x5: {  	_ = 	snop  }
0x6: {  	_ = 	snop  }
0x7: {  	_ = 	snop  }
__scs_overlays_trampoline_lowered:
0x8: {  	[smem:$0x3FA4] =	sst s0  }
0x9: {  	[smem:$0x3FA5] =	sst s1  }
0xa: {  	[smem:$0x3FA6] =	sst s2  }
0xb: {  	[smem:$0x3FA7] =	sst s3  }
0xc: {  	[smem:$0x3FA8] =	sst s4  }
0xd: {  	[smem:$0x3FA9] =	sst s5  }
0xe: {  	[smem:$0x3FAA] =	sst s6  }
0xf: {  	[smem:$0x3FAB] =	sst s7  }
0x10: {  	[smem:$0x3FAC] =	sst s8  }
0x11: {  	[smem:$0x3FAD] =	sst s9;
	s0 =	simm.s32 @!p0 $0x0  }
0x12: {  	s1 =	sld [smem:$0x3F93];
	s0 =	simm.s32 @p0 $0x1  }
0x13: {  	[smem:$0x3FAE] =	sst s0;
	s0 =	simm.s32 @!p1 $0x0  }
0x14: {  	s2 =	sld [smem:$0x3F92];
	s0 =	simm.s32 @p1 $0x1  }
0x15: {  	[smem:$0x3FAF] =	sst s0;
	s0 =	simm.s32 @!p2 $0x0  }
0x16: {  	s3 =	sld [smem:$0x3FDB];
	s0 =	simm.s32 @p2 $0x1  }
0x17: {  	s4 =	simm.s32 $0x1BF5;
	[smem:$0x3FB1] =	sst s0  }
0x18: {  	s0 =	sld [smem:$0x3F94];
	_ =	swait.ge [sflag:s4], $0x0  }
0x19: {  	s7 =	sld [smem:$0x3F95]  }
0x1a: {  	s8 =	sadd.s32 $0xFFFFE003, lr  }
0x1b: {  	s9 =	sadd.s32 $0xFFFFFEF7, lr;
	s5 =	simm.s32 $0xFFFFFFFF;
	p2 =	slt.u32 s8, $0xFFFFF086  }
0x1c: {  	p1 =	slt.u32 s9, $0xF7A;
	s5 =	simm.s32 @!p2 $0x0  }
0x1d: {  	s5 =	simm.s32 @p1 $0x1;
	p0 =	seq.s32 s7, s2  }
0x1e: {  	s7 =	smul.u32 @!p0 $0xF7A, s2;
	p2 =	seq.s32 @!p0 s5, $0x0  }
0x1f: {  	s9 =	smul.u32 $0xF7A, s1;
	s8 =	simm.s32 @!p0 $0x1BF5;
	p2 =	por !p2, p0  }
0x20: {  	[sflag:s8] =	ssyncset.s32 @!p0 $0xFFFFF086;
	s6 =	sadd.s32 @!p0 s3, s7;
	s7 =	simm.s32 @!p0 $0x108  }
0x21: {  	s3 =	sadd.s32 s3, s9;
	s6 =	sadd.s32 @!p0 $0x88, s6;
	s7 =	simm.s32 @p2 $0x1082  }
0x22: {  	[simem:s7], [sflag:s8] =	dma.local @!p0 [hbm:s6], $0xF7A  }
0x23: {  	s9 =	sor.u32 $0xD0000000, s2;
	s6 =	simm.s32 $0x108;
	_ =	swait.ge @!p0 [sflag:s8], $0x0  }
0x24: {  	s3 =	sadd.s32 $0x88, s3;
	s6 =	simm.s32 @!p1 $0x1082;
	[sflag:s4] =	ssyncset.s32 $0xFFFFF086  }
0x25: {  	[simem:s6], [sflag:s4] =	dma.local [hbm:s3], $0xF7A  }
0x26: {  	[smem:$0x3F95] =	sst s1;
	(tag) =	ssettag s2;
	_ =	strace s9  }
0x27: {  	s1 =	sld [smem:$0x3FA5]  }
0x28: {  	s2 =	sld [smem:$0x3FA6]  }
0x29: {  	s4 =	sld [smem:$0x3FA8]  }
0x2a: {  	p0 =	seq.s32 s5, $0x0;
	s5 =	sld [smem:$0x3FA9]  }
0x2b: {  	s6 =	sld [smem:$0x3FAA]  }
0x2c: {  	s7 =	sld [smem:$0x3FAB]  }
0x2d: {  	s3 =	simm.s32 $0x108;
	s8 =	sld [smem:$0x3FAC]  }
0x2e: {  	s3 =	simm.s32 @!p0 $0x1082;
	s9 =	sld [smem:$0x3FAD]  }
0x2f: {  	lr =	sadd.s32 s0, s3;
	s0 =	sld [smem:$0x3FA4]  }
0x30: {  	s3 =	sld [smem:$0x3FA7]  }
0x31: {  	[smem:$0x3FB0] =	sst s10  }
0x32: {  	s10 =	sld [smem:$0x3FAE];
	_ =	sdelay $0x3  }
0x33: {  	p0 =	seq.s32 s10, $0x1;
	s10 =	sld [smem:$0x3FB0];
	_ =	sdelay $0x3  }
0x34: {  	[smem:$0x3FB0] =	sst s10  }
0x35: {  	s10 =	sld [smem:$0x3FAF];
	_ =	sdelay $0x3  }
0x36: {  	p1 =	seq.s32 s10, $0x1;
	s10 =	sld [smem:$0x3FB0];
	_ =	sdelay $0x3  }
0x37: {  	[smem:$0x3FB0] =	sst s10  }
0x38: {  	s10 =	sld [smem:$0x3FB1]  }
0x39: {  	_ = 	snop;
	(pc) =	sbr.ind lr, $3  }
0x3a: {  	_ = 	snop  }
0x3b: {  	_ = 	snop  }
0x3c: {  	p2 =	seq.s32 s10, $0x1;
	s10 =	sld [smem:$0x3FB0]  }
0x3d: {  	_ =	shalt  }
0x3e: {  	_ =	shalt  }
0x3f: {  	_ =	shalt  }
0x40: {  	_ =	shalt  }
0x41: {  	_ =	shalt  }
0x42: {  	_ =	shalt  }
0x43: {  	_ =	shalt  }
0x44: {  	_ =	shalt  }
0x45: {  	_ =	shalt  }
0x46: {  	_ =	shalt  }
0x47: {  	_ =	shalt  }
0x48: {  	_ =	shalt  }
0x49: {  	_ =	shalt  }
0x4a: {  	_ =	shalt  }
0x4b: {  	_ =	shalt  }
0x4c: {  	_ =	shalt  }
0x4d: {  	_ =	shalt  }
0x4e: {  	_ =	shalt  }
0x4f: {  	_ =	shalt  }
0x50: {  	_ =	shalt  }
0x51: {  	_ =	shalt  }
0x52: {  	_ =	shalt  }
0x53: {  	_ =	shalt  }
0x54: {  	_ =	shalt  }
0x55: {  	_ =	shalt  }
0x56: {  	_ =	shalt  }
0x57: {  	_ =	shalt  }
0x58: {  	_ =	shalt  }
0x59: {  	_ =	shalt  }
0x5a: {  	_ =	shalt  }
0x5b: {  	_ =	shalt  }
0x5c: {  	_ =	shalt  }
0x5d: {  	_ =	shalt  }
0x5e: {  	_ =	shalt  }
0x5f: {  	_ =	shalt  }
0x60: {  	_ =	shalt  }
0x61: {  	_ =	shalt  }
0x62: {  	_ =	shalt  }
0x63: {  	_ =	shalt  }
0x64: {  	_ =	shalt  }
0x65: {  	_ =	shalt  }
0x66: {  	_ =	shalt  }
0x67: {  	_ =	shalt  }
0x68: {  	_ =	shalt  }
0x69: {  	_ =	shalt  }
0x6a: {  	_ =	shalt  }
0x6b: {  	_ =	shalt  }
0x6c: {  	_ =	shalt  }
0x6d: {  	_ =	shalt  }
0x6e: {  	_ =	shalt  }
0x6f: {  	_ =	shalt  }
0x70: {  	_ =	shalt  }
0x71: {  	_ =	shalt  }
0x72: {  	_ =	shalt  }
0x73: {  	_ =	shalt  }
0x74: {  	_ =	shalt  }
0x75: {  	_ =	shalt  }
0x76: {  	_ =	shalt  }
0x77: {  	_ =	shalt  }
0x78: {  	_ =	shalt  }
0x79: {  	_ =	shalt  }
0x7a: {  	_ =	shalt  }
0x7b: {  	_ =	shalt  }
0x7c: {  	_ =	shalt  }
0x7d: {  	_ =	shalt  }
0x7e: {  	_ =	shalt  }
0x7f: {  	_ =	shalt  }
0x80: {  	_ =	shalt  }
0x81: {  	_ =	shalt  }
0x82: {  	_ =	shalt  }
0x83: {  	_ =	shalt  }
0x84: {  	_ =	shalt  }
0x85: {  	_ =	shalt  }
0x86: {  	_ =	shalt  }
0x87: {  	_ =	shalt  }
.Lfunc_end0:
.L_simem_size_0:
called_computation.1_lowered:
.L_overlay_start_0:
0x88: {  	s2 =	sld [smem:$0x3FD9]  }
0x89: {  	s3 =	sld [smem:$0x3FFE];
	_ =	sdelay $0x1  }
0x8a: {  	s1 =	srdreg.scid  }
0x8b: {  	s0 =	sand.u32 $0x1, s1  }
0x8c: {  	s16 =	sshll.u32 s0, $0xA;
	s2 =	sadd.s32 s3, s2  }
0x8d: {  	s2 =	sadd.s32 s2, s16  }
0x8e: {  	[smem:$0x3FBC] =	sst s2  }
0x8f: {  	_ = 	snop  }
0x90: {  	(tm) =	ssettm $0x1  }
0x91: {  	s17 =	sld [smem:$0x3FFB];
	_ =	sdelay $0x3  }
0x92: {  	_ =	strace s17  }
0x93: {  	s2 =	sld [smem:$0x3FFC];
	_ =	sdelay $0x3  }
0x94: {  	_ =	strace s2  }
0x95: {  	s2 =	sld [smem:$0x3FFD];
	_ =	sdelay $0x3  }
0x96: {  	_ =	strace s2  }
0x97: {  	_ =	strace $0x8FFFFFFF  }
0x98: {  	s18 =	sld [smem:$0x3FDB];
	_ =	sdelay $0x1  }
0x99: {  	s19 =	simm.s32 $_scs_section_size  }
0x9a: {  	s4 =	simm.s32 $_size__tile_overlayer_lowered;
	s5 =	simm.s32 $_tile_overlayer_lowered  }
0x9b: {  	s22 =	simm.s32 $0x1BFF;
	s21 =	sshll.u32 s5, $0x1;
	s2 =	sadd.s32 s19, s18  }
0x9c: {  	s6 =	simm.s32 $0x0;
	s20 =	sshll.u32 s4, $0x1;
	s4 =	sadd.s32 s21, s2  }
0x9d: {  	[timem:s6], [sflag:s22] =	dma.local [hbm:s4], s20  }
0x9e: {  	_ =	swait.ge [sflag:s22], s20  }
0x9f: {  	s3 =	ssub.s32 $0x0, s20;
	[sflag:s22] =	ssyncset.done $0x0  }
0xa0: {  	[sflag:s22] =	ssyncadd.s32 s3;
	_ =	sdelay $0x1  }
0xa1: {  	s23 =	simm.s32 $0x1B8B  }
0xa2: {  	_ =	swait.ge [sflag:s23], $0x1  }
0xa3: {  	[sflag:s23] =	ssyncset.done $0x0  }
0xa4: {  	s25 =	simm.s32 $0x1B8E;
	s24 =	sld [smem:$0x3FFE];
	[sflag:s23] =	ssyncadd.s32 $0xFFFFFFFF  }
0xa5: {  	s26 =	simm.s32 $execute0_lowered;
	[smem:$0x3FD2] =	sst s25  }
0xa6: {  	s4 =	sshll.u32 s26, $0x1;
	_ =	strace $0x80000049;
	[dreg:$0x1] =	wrdreg $0xFFFFFFFF  }
0xa7: {  	s28 =	simm.s32 $_size_execute0_lowered;
	s2 =	sadd.s32 s2, s4;
	[dreg:$0x0] =	wrdreg $0x0  }
0xa8: {  	s4 =	sshll.u32 s28, $0x1;
	[dreg:$0x2] =	wrdreg s2  }
0xa9: {  	[dreg:$0x3] =	wrdreg s4  }
0xaa: {  	[dreg:$0x4] =	wrdreg $0xC0  }
0xab: {  	_ =	task [dreg:s6], $0x5FFFF  }
0xac: {  	[dreg:$0x1] =	wrdreg $0xFFFFFFFF  }
0xad: {  	[dreg:$0x0] =	wrdreg $0x60  }
0xae: {  	[dreg:$0x2] =	wrdreg s24  }
0xaf: {  	[dreg:$0x3] =	wrdreg $0x90000  }
0xb0: {  	[dreg:$0x4] =	wrdreg $0x9  }
0xb1: {  	_ =	task.clear_ibuf [dreg:s6], $0x5FFFF;
	_ =	strace $0x90000049  }
0xb2: {  	s29 =	simm.s32 $0x9;
	_ =	strace $0x8000004B  }
0xb3: {  	_ =	swait.ge [sflag:s29], $0x1  }
0xb4: {  	[sflag:s29] =	ssyncadd.s32 $0xFFFFFFFF  }
0xb5: {  	_ =	strace $0x9000004B  }
0xb6: {  	_ =	sfence  }
0xb7: {  	s30 =	sld [smem:$0x0];
	_ =	sdelay $0x2  }
0xb8: {  	s31 =	sshll.u32 s1, $0xD;
	s1 =	sshrl.u32 s1, $0x2  }
0xb9: {  	s3 =	sand.u32 $0x4000, s31;
	s1 =	sadd.s32 s1, s30  }
0xba: {  	s0 =	sor.u32 s3, s0;
	s1 =	sshll.u32 s1, $0x11  }
0xbb: {  	s0 =	sor.u32 s1, s0  }
0xbc: {  	s0 =	sadd.s32 $0x8F2B, s0  }
0xbd: {  	[sflag:s0] =	ssyncadd.remote.s32 $0x1  }
0xbe: {  	_ =	sfence.sel $0xFFFF  }
0xbf: {  	[dreg:$0x0] =	wrdreg $0xFFFFFFFF;
	(pc) =	sbr.abs _section_cstart, $3  }
0xc0: {  	[dreg:$0x1] =	wrdreg $0xFFFFFFFF  }
0xc1: {  	_ =	task.clear_ibuf [dreg:s6], $0x2FFFF;
	_ =	strace $0x9FFFFFFF  }
0xc2: {  	(tm) =	ssettm $0x7FFFFFFF  }
0xc3: {  	_ =	shalt  }
tec
execute0_lowered:
.L_overlay_start_1:
0x0: {  	(tag) =	ssettag $0x1  }
0x1: {  	s0 =	srdreg.scid;
	s1 =	rddreg [dreg:$0x0]  }
0x2: {  	s11 =	stileid.u32;
	s2 =	rddreg [dreg:$0x1]  }
0x3: {  	s3 =	simm.s32 $0x0;
	s14 =	simm.s32 $0x100;
	s16 =	simm.s32 $0x880  }
0x4: {  	s17 =	simm.s32 $0x180;
	[smem:$0x7FF] =	sst s3;
	s9 =	sadd.s32 $0x1A9400, s1  }
0x5: {  	s18 =	simm.s32 $0x900;
	_ =	strace $0x8000004A;
	[dreg:$0x11] =	wrdreg s9  }
0x6: {  	s19 =	simm.s32 $0x200;
	s20 =	simm.s32 $0x980;
	[dreg:$0x5] =	wrdreg s14  }
0x7: {  	s21 =	simm.s32 $0x280;
	s22 =	simm.s32 $0xA00;
	[dreg:$0x6] =	wrdreg s16  }
0x8: {  	s23 =	simm.s32 $0x300;
	s24 =	simm.s32 $0xA80;
	[dreg:$0x7] =	wrdreg s17  }
0x9: {  	s25 =	simm.s32 $0x380;
	s28 =	simm.s32 $0x680;
	[dreg:$0x8] =	wrdreg s18  }
0xa: {  	s29 =	simm.s32 $0xE00;
	s30 =	simm.s32 $0x700;
	[dreg:$0x9] =	wrdreg s19  }
0xb: {  	s5 =	sand.u32 $0x1, s0;
	s0 =	smul.u32 $0x2800, s11;
	[dreg:$0xa] =	wrdreg s20  }
0xc: {  	s31 =	simm.s32 $0xE80;
	s8 =	smul.u32 $0x500, s11;
	[dreg:$0xb] =	wrdreg s21  }
0xd: {  	s4 =	sadd.s32 $0x69400, s1;
	s10 =	smul.u32 $0x50000, s11;
	[dreg:$0xc] =	wrdreg s22  }
0xe: {  	s15 =	sshll.u32 s11, $0x6;
	s11 =	simm.s32 $0x80;
	[dreg:$0xd] =	wrdreg s23  }
0xf: {  	s6 =	smul.u32 $0x28000, s5;
	s5 =	ssub.s32 $0x2, s5;
	[dreg:$0xe] =	wrdreg s24  }
0x10: {  	s14 =	simm.s32 $0x5000;
	[dreg:$0xf] =	wrdreg s25;
	s16 =	simm.s32 $0x400  }
0x11: {  	s17 =	simm.s32 $0xB80;
	s18 =	simm.s32 $0x480;
	s19 =	simm.s32 $0xC00  }
0x12: {  	s20 =	simm.s32 $0x500;
	s21 =	simm.s32 $0xC80;
	s22 =	simm.s32 $0x580  }
0x13: {  	s23 =	simm.s32 $0xD00;
	s25 =	simm.s32 $0x600;
	s24 =	simm.s32 $0x0  }
0x14: {  	s8 =	sadd.s32 s8, s1;
	s26 =	sshrl.u32 s5, $0x1;
	s12 =	sshrl.u32 s10, $0x2  }
0x15: {  	s10 =	simm.s32 $0x800;
	s7 =	sadd.s32 s6, s0;
	s5 =	ssub.s32 s5, s26  }
0x16: {  	s13 =	sadd.s32 $0x64400, s8;
	s8 =	sor.u32 $0x1C03, s15;
	s26 =	simm.s32 $0xB00  }
0x17: {  	s15 =	simm.s32 $0x2;
	s7 =	sshrl.u32 s7, $0x3;
	[dreg:$0x4] =	wrdreg s13  }
0x18: {  	s5 =	smax.u32 s5, $0x1;
	s13 =	simm.s32 $0x1;
	[dreg:$0x10] =	wrdreg s26  }
0x19: {  	s26 =	simm.s32 $0xD80;
	[dreg:$0x12] =	wrdreg s8;
	s7 =	sadd.s32 s7, s1  }
0x1a: {  	s1 =	sadd.s32 s6, s1;
	[dreg:$0x13] =	wrdreg s5;
	s5 =	simm.s32 $0xF80  }
0x1b: {  	s9 =	sadd.s32 $0xA400, s7;
	s7 =	sadd.s32 s12, s2;
	s1 =	sadd.s32 $0x1ABC00, s1  }
0x1c: {  	s12 =	simm.s32 $0x1000;
	[dreg:$0x3] =	wrdreg s9;
	s0 =	sadd.s32 s0, s1  }
0x1d: {  	s7 =	sshrl.u32 s7, $0x3;
	s9 =	simm.s32 $0x3;
	[dreg:$0x15] =	wrdreg s0  }
0x1e: {  	s1 =	simm.s32 $0x780;
	s0 =	simm.s32 $0xF00;
	[dreg:$0x14] =	wrdreg s7  }
.LBB2_1:
0x1f: {  	[dreg:$0x16] =	wrdreg s24  }
0x20: {  	s6 =	rddreg [dreg:$0x11]  }
0x21: {  	[spmem:s7], [sflag:s8] =	dma.local [hbm:s6], $0x2800  }
0x22: {  	_ =	swait.ge [sflag:s9], $0x2800  }
0x23: {  	[sflag:s9] =	ssyncset.done $0x0  }
0x24: {  	[sflag:s9] =	ssyncadd.s32 $0xFFFFD800  }
0x25: {  	[bflag:$0x0] =	sbarrier.arrive $0xFFFF  }
0x26: {  	s7 =	rddreg [dreg:$0x3]  }
0x27: {  	s6 =	sadd.s32 $0x0, s7  }
0x28: {  	[tilespmem:s3], [sflag:$0x3] =	stream.linear.gather [hbm4b:s6+s3], $0x800, $0x38;
	[tilespmem:$0x1D000] =	vst v63  }
0x29: {  	_ =	swait.ge [sflag:s9], $0x800  }
0x2a: {  	s8 =	rddreg [dreg:$0x4];
	[sflag:s9] =	ssyncset.done $0x0  }
0x2b: {  	[sflag:s9] =	ssyncadd.s32 $0xFFFFF800;
	s6 =	sadd.s32 $0x0, s8  }
0x2c: {  	[tilespmem:s10], [sflag:$0x3] =	stream.linear.gather [hbm4b:s6+s3], $0x800, $0x38;
	[tilespmem:$0x1D000] =	vst v63  }
0x2d: {  	_ =	swait.ge [sflag:s9], $0x800  }
0x2e: {  	[sflag:s9] =	ssyncset.done $0x0  }
0x2f: {  	[sflag:s9] =	ssyncadd.s32 $0xFFFFF800  }
0x30: {  	[tilespmem:s12], [sflag:$0x1] =	stream.indirect.gather [hbm4b:s4+s11], $0x80, s3, s11, $0xb8;
	[tilespmem:$0x1D000] =	vst v63  }
0x31: {  	_ =	swait.ge [sflag:s13], $0x4000  }
0x32: {  	[sflag:s13] =	ssyncset.done $0x0  }
0x33: {  	[sflag:s13] =	ssyncadd.s32 $0xFFFFC000  }
0x34: {  	[tilespmem:s14], [sflag:$0x2] =	stream.indirect.gather [hbm4b:s4+s11], $0x80, s11, s11, $0xb8;
	[tilespmem:$0x1D000] =	vst v63  }
0x35: {  	_ = 	snop  }
0x36: {  	[spmem:s2] =	stream.indirect.scatter.add.f32 [tilespmem:s12], [sflag:$0x3], $0x80, s10, s11, $0xb8;
	[tilespmem:$0x1D000] =	vst v63  }
0x37: {  	_ =	swait.ge [sflag:s9], $0x4000  }
0x38: {  	[sflag:s9] =	ssyncset.done $0x0  }
0x39: {  	[sflag:s9] =	ssyncadd.s32 $0xFFFFC000  }
0x3a: {  	_ =	swait.ge [sflag:s15], $0x4000  }
0x3b: {  	[sflag:s15] =	ssyncset.done $0x0  }
0x3c: {  	s24 =	rddreg [dreg:$0x5];
	[sflag:s15] =	ssyncadd.s32 $0xFFFFC000  }
0x3d: {  	[tilespmem:s12], [sflag:$0x1] =	stream.indirect.gather [hbm4b:s4+s11], $0x80, s24, s11, $0xb8;
	[tilespmem:$0x1D000] =	vst v63  }
0x3e: {  	s7 =	rddreg [dreg:$0x6]  }
0x3f: {  	[spmem:s2] =	stream.indirect.scatter.add.f32 [tilespmem:s14], [sflag:$0x3], $0x80, s7, s11, $0xb8;
	[tilespmem:$0x1D000] =	vst v63  }
0x40: {  	_ =	swait.ge [sflag:s9], $0x4000  }
0x41: {  	[sflag:s9] =	ssyncset.done $0x0  }
0x42: {  	[sflag:s9] =	ssyncadd.s32 $0xFFFFC000  }
0x43: {  	_ =	swait.ge [sflag:s13], $0x4000  }
0x44: {  	[sflag:s13] =	ssyncset.done $0x0  }
0x45: {  	s24 =	rddreg [dreg:$0x7];
	[sflag:s13] =	ssyncadd.s32 $0xFFFFC000  }
0x46: {  	[tilespmem:s14], [sflag:$0x2] =	stream.indirect.gather [hbm4b:s4+s11], $0x80, s24, s11, $0xb8;
	[tilespmem:$0x1D000] =	vst v63  }
0x47: {  	s7 =	rddreg [dreg:$0x8]  }
0x48: {  	[spmem:s2] =	stream.indirect.scatter.add.f32 [tilespmem:s12], [sflag:$0x3], $0x80, s7, s11, $0xb8;
	[tilespmem:$0x1D000] =	vst v63  }
0x49: {  	_ =	swait.ge [sflag:s9], $0x4000  }
0x4a: {  	[sflag:s9] =	ssyncset.done $0x0  }
0x4b: {  	[sflag:s9] =	ssyncadd.s32 $0xFFFFC000  }
0x4c: {  	_ =	swait.ge [sflag:s15], $0x4000  }
0x4d: {  	[sflag:s15] =	ssyncset.done $0x0  }
0x4e: {  	s24 =	rddreg [dreg:$0x9];
	[sflag:s15] =	ssyncadd.s32 $0xFFFFC000  }
0x4f: {  	[tilespmem:s12], [sflag:$0x1] =	stream.indirect.gather [hbm4b:s4+s11], $0x80, s24, s11, $0xb8;
	[tilespmem:$0x1D000] =	vst v63  }
0x50: {  	s7 =	rddreg [dreg:$0xa]  }
0x51: {  	[spmem:s2] =	stream.indirect.scatter.add.f32 [tilespmem:s14], [sflag:$0x3], $0x80, s7, s11, $0xb8;
	[tilespmem:$0x1D000] =	vst v63  }
0x52: {  	_ =	swait.ge [sflag:s9], $0x4000  }
0x53: {  	[sflag:s9] =	ssyncset.done $0x0  }
0x54: {  	[sflag:s9] =	ssyncadd.s32 $0xFFFFC000  }
0x55: {  	_ =	swait.ge [sflag:s13], $0x4000  }
0x56: {  	[sflag:s13] =	ssyncset.done $0x0  }
0x57: {  	s24 =	rddreg [dreg:$0xb];
	[sflag:s13] =	ssyncadd.s32 $0xFFFFC000  }
0x58: {  	[tilespmem:s14], [sflag:$0x2] =	stream.indirect.gather [hbm4b:s4+s11], $0x80, s24, s11, $0xb8;
	[tilespmem:$0x1D000] =	vst v63  }
0x59: {  	s7 =	rddreg [dreg:$0xc]  }
0x5a: {  	[spmem:s2] =	stream.indirect.scatter.add.f32 [tilespmem:s12], [sflag:$0x3], $0x80, s7, s11, $0xb8;
	[tilespmem:$0x1D000] =	vst v63  }
0x5b: {  	_ =	swait.ge [sflag:s9], $0x4000  }
0x5c: {  	[sflag:s9] =	ssyncset.done $0x0  }
0x5d: {  	[sflag:s9] =	ssyncadd.s32 $0xFFFFC000  }
0x5e: {  	_ =	swait.ge [sflag:s15], $0x4000  }
0x5f: {  	[sflag:s15] =	ssyncset.done $0x0  }
0x60: {  	s24 =	rddreg [dreg:$0xd];
	[sflag:s15] =	ssyncadd.s32 $0xFFFFC000  }
0x61: {  	[tilespmem:s12], [sflag:$0x1] =	stream.indirect.gather [hbm4b:s4+s11], $0x80, s24, s11, $0xb8;
	[tilespmem:$0x1D000] =	vst v63  }
0x62: {  	s7 =	rddreg [dreg:$0xe]  }
0x63: {  	[spmem:s2] =	stream.indirect.scatter.add.f32 [tilespmem:s14], [sflag:$0x3], $0x80, s7, s11, $0xb8;
	[tilespmem:$0x1D000] =	vst v63  }
0x64: {  	_ =	swait.ge [sflag:s9], $0x4000  }
0x65: {  	[sflag:s9] =	ssyncset.done $0x0  }
0x66: {  	[sflag:s9] =	ssyncadd.s32 $0xFFFFC000  }
0x67: {  	_ =	swait.ge [sflag:s13], $0x4000  }
0x68: {  	[sflag:s13] =	ssyncset.done $0x0  }
0x69: {  	s8 =	rddreg [dreg:$0xf];
	[sflag:s13] =	ssyncadd.s32 $0xFFFFC000  }
0x6a: {  	[tilespmem:s14], [sflag:$0x2] =	stream.indirect.gather [hbm4b:s4+s11], $0x80, s8, s11, $0xb8;
	[tilespmem:$0x1D000] =	vst v63  }
0x6b: {  	s24 =	rddreg [dreg:$0x10]  }
0x6c: {  	[spmem:s2] =	stream.indirect.scatter.add.f32 [tilespmem:s12], [sflag:$0x3], $0x80, s24, s11, $0xb8;
	[tilespmem:$0x1D000] =	vst v63  }
0x6d: {  	_ =	swait.ge [sflag:s9], $0x4000  }
0x6e: {  	[sflag:s9] =	ssyncset.done $0x0  }
0x6f: {  	[sflag:s9] =	ssyncadd.s32 $0xFFFFC000  }
0x70: {  	_ =	swait.ge [sflag:s15], $0x4000  }
0x71: {  	[sflag:s15] =	ssyncset.done $0x0  }
0x72: {  	[sflag:s15] =	ssyncadd.s32 $0xFFFFC000  }
0x73: {  	[tilespmem:s12], [sflag:$0x1] =	stream.indirect.gather [hbm4b:s4+s11], $0x80, s16, s11, $0xb8;
	[tilespmem:$0x1D000] =	vst v63  }
0x74: {  	_ = 	snop  }
0x75: {  	[spmem:s2] =	stream.indirect.scatter.add.f32 [tilespmem:s14], [sflag:$0x3], $0x80, s17, s11, $0xb8;
	[tilespmem:$0x1D000] =	vst v63  }
0x76: {  	_ =	swait.ge [sflag:s9], $0x4000  }
0x77: {  	[sflag:s9] =	ssyncset.done $0x0  }
0x78: {  	[sflag:s9] =	ssyncadd.s32 $0xFFFFC000  }
0x79: {  	_ =	swait.ge [sflag:s13], $0x4000  }
0x7a: {  	[sflag:s13] =	ssyncset.done $0x0  }
0x7b: {  	[sflag:s13] =	ssyncadd.s32 $0xFFFFC000  }
0x7c: {  	[tilespmem:s14], [sflag:$0x2] =	stream.indirect.gather [hbm4b:s4+s11], $0x80, s18, s11, $0xb8;
	[tilespmem:$0x1D000] =	vst v63  }
0x7d: {  	_ = 	snop  }
0x7e: {  	[spmem:s2] =	stream.indirect.scatter.add.f32 [tilespmem:s12], [sflag:$0x3], $0x80, s19, s11, $0xb8;
	[tilespmem:$0x1D000] =	vst v63  }
0x7f: {  	_ =	swait.ge [sflag:s9], $0x4000  }
0x80: {  	[sflag:s9] =	ssyncset.done $0x0  }
0x81: {  	[sflag:s9] =	ssyncadd.s32 $0xFFFFC000  }
0x82: {  	_ =	swait.ge [sflag:s15], $0x4000  }
0x83: {  	[sflag:s15] =	ssyncset.done $0x0  }
0x84: {  	[sflag:s15] =	ssyncadd.s32 $0xFFFFC000  }
0x85: {  	[tilespmem:s12], [sflag:$0x1] =	stream.indirect.gather [hbm4b:s4+s11], $0x80, s20, s11, $0xb8;
	[tilespmem:$0x1D000] =	vst v63  }
0x86: {  	_ = 	snop  }
0x87: {  	[spmem:s2] =	stream.indirect.scatter.add.f32 [tilespmem:s14], [sflag:$0x3], $0x80, s21, s11, $0xb8;
	[tilespmem:$0x1D000] =	vst v63  }
0x88: {  	_ =	swait.ge [sflag:s9], $0x4000  }
0x89: {  	[sflag:s9] =	ssyncset.done $0x0  }
0x8a: {  	[sflag:s9] =	ssyncadd.s32 $0xFFFFC000  }
0x8b: {  	_ =	swait.ge [sflag:s13], $0x4000  }
0x8c: {  	[sflag:s13] =	ssyncset.done $0x0  }
0x8d: {  	[sflag:s13] =	ssyncadd.s32 $0xFFFFC000  }
0x8e: {  	[tilespmem:s14], [sflag:$0x2] =	stream.indirect.gather [hbm4b:s4+s11], $0x80, s22, s11, $0xb8;
	[tilespmem:$0x1D000] =	vst v63  }
0x8f: {  	_ = 	snop  }
0x90: {  	[spmem:s2] =	stream.indirect.scatter.add.f32 [tilespmem:s12], [sflag:$0x3], $0x80, s23, s11, $0xb8;
	[tilespmem:$0x1D000] =	vst v63  }
0x91: {  	_ =	swait.ge [sflag:s9], $0x4000  }
0x92: {  	[sflag:s9] =	ssyncset.done $0x0  }
0x93: {  	[sflag:s9] =	ssyncadd.s32 $0xFFFFC000  }
0x94: {  	_ =	swait.ge [sflag:s15], $0x4000  }
0x95: {  	[sflag:s15] =	ssyncset.done $0x0  }
0x96: {  	[sflag:s15] =	ssyncadd.s32 $0xFFFFC000  }
0x97: {  	[tilespmem:s12], [sflag:$0x1] =	stream.indirect.gather [hbm4b:s4+s11], $0x80, s25, s11, $0xb8;
	[tilespmem:$0x1D000] =	vst v63  }
0x98: {  	_ = 	snop  }
0x99: {  	[spmem:s2] =	stream.indirect.scatter.add.f32 [tilespmem:s14], [sflag:$0x3], $0x80, s26, s11, $0xb8;
	[tilespmem:$0x1D000] =	vst v63  }
0x9a: {  	_ =	swait.ge [sflag:s9], $0x4000  }
0x9b: {  	[sflag:s9] =	ssyncset.done $0x0  }
0x9c: {  	[sflag:s9] =	ssyncadd.s32 $0xFFFFC000  }
0x9d: {  	_ =	swait.ge [sflag:s13], $0x4000  }
0x9e: {  	[sflag:s13] =	ssyncset.done $0x0  }
0x9f: {  	[sflag:s13] =	ssyncadd.s32 $0xFFFFC000  }
0xa0: {  	[tilespmem:s14], [sflag:$0x2] =	stream.indirect.gather [hbm4b:s4+s11], $0x80, s28, s11, $0xb8;
	[tilespmem:$0x1D000] =	vst v63  }
0xa1: {  	_ = 	snop  }
0xa2: {  	[spmem:s2] =	stream.indirect.scatter.add.f32 [tilespmem:s12], [sflag:$0x3], $0x80, s29, s11, $0xb8;
	[tilespmem:$0x1D000] =	vst v63  }
0xa3: {  	_ =	swait.ge [sflag:s9], $0x4000  }
0xa4: {  	[sflag:s9] =	ssyncset.done $0x0  }
0xa5: {  	[sflag:s9] =	ssyncadd.s32 $0xFFFFC000  }
0xa6: {  	_ =	swait.ge [sflag:s15], $0x4000  }
0xa7: {  	[sflag:s15] =	ssyncset.done $0x0  }
0xa8: {  	[sflag:s15] =	ssyncadd.s32 $0xFFFFC000  }
0xa9: {  	[tilespmem:s12], [sflag:$0x1] =	stream.indirect.gather [hbm4b:s4+s11], $0x80, s30, s11, $0xb8;
	[tilespmem:$0x1D000] =	vst v63  }
0xaa: {  	_ = 	snop  }
0xab: {  	[spmem:s2] =	stream.indirect.scatter.add.f32 [tilespmem:s14], [sflag:$0x3], $0x80, s31, s11, $0xb8;
	[tilespmem:$0x1D000] =	vst v63  }
0xac: {  	_ =	swait.ge [sflag:s9], $0x4000  }
0xad: {  	[sflag:s9] =	ssyncset.done $0x0  }
0xae: {  	[sflag:s9] =	ssyncadd.s32 $0xFFFFC000  }
0xaf: {  	_ =	swait.ge [sflag:s13], $0x4000  }
0xb0: {  	[sflag:s13] =	ssyncset.done $0x0  }
0xb1: {  	[sflag:s13] =	ssyncadd.s32 $0xFFFFC000  }
0xb2: {  	[tilespmem:s14], [sflag:$0x2] =	stream.indirect.gather [hbm4b:s4+s11], $0x80, s1, s11, $0xb8;
	[tilespmem:$0x1D000] =	vst v63  }
0xb3: {  	_ = 	snop  }
0xb4: {  	[spmem:s2] =	stream.indirect.scatter.add.f32 [tilespmem:s12], [sflag:$0x3], $0x80, s0, s11, $0xb8;
	[tilespmem:$0x1D000] =	vst v63  }
0xb5: {  	_ =	swait.ge [sflag:s9], $0x4000  }
0xb6: {  	[sflag:s9] =	ssyncset.done $0x0  }
0xb7: {  	[sflag:s9] =	ssyncadd.s32 $0xFFFFC000  }
0xb8: {  	_ =	swait.ge [sflag:s15], $0x4000  }
0xb9: {  	[sflag:s15] =	ssyncset.done $0x0  }
0xba: {  	[sflag:s15] =	ssyncadd.s32 $0xFFFFC000  }
0xbb: {  	[spmem:s2] =	stream.indirect.scatter.add.f32 [tilespmem:s14], [sflag:$0x3], $0x80, s5, s11, $0xb8;
	[tilespmem:$0x1D000] =	vst v63  }
0xbc: {  	s6 =	simm.s32 $0x200;
	_ =	swait.ge [sflag:s9], $0x4000  }
0xbd: {  	s24 =	simm.s32 $0x100;
	s8 =	rddreg [dreg:$0x3];
	[sflag:s9] =	ssyncset.done $0x0  }
.LBB2_2:
0xbe: {  	[sflag:s9] =	ssyncadd.s32 $0xFFFFC000;
	s8 =	sadd.s32 s24, s8  }
0xbf: {  	[tilespmem:s3], [sflag:$0x3] =	stream.linear.gather [hbm4b:s8+s3], $0x800, $0x38;
	[tilespmem:$0x1D000] =	vst v63  }
0xc0: {  	_ =	swait.ge [sflag:s9], $0x800  }
0xc1: {  	s8 =	rddreg [dreg:$0x4];
	[sflag:s9] =	ssyncset.done $0x0  }
0xc2: {  	[sflag:s9] =	ssyncadd.s32 $0xFFFFF800;
	s8 =	sadd.s32 s24, s8  }
0xc3: {  	[tilespmem:s10], [sflag:$0x3] =	stream.linear.gather [hbm4b:s8+s3], $0x800, $0x38;
	[tilespmem:$0x1D000] =	vst v63  }
0xc4: {  	_ =	swait.ge [sflag:s9], $0x800  }
0xc5: {  	[sflag:s9] =	ssyncset.done $0x0  }
0xc6: {  	[sflag:s9] =	ssyncadd.s32 $0xFFFFF800  }
0xc7: {  	[tilespmem:s12], [sflag:$0x1] =	stream.indirect.gather [hbm4b:s4+s11], $0x80, s3, s11, $0xb8;
	[tilespmem:$0x1D000] =	vst v63  }
0xc8: {  	_ =	swait.ge [sflag:s13], $0x4000  }
0xc9: {  	[sflag:s13] =	ssyncset.done $0x0  }
0xca: {  	[sflag:s13] =	ssyncadd.s32 $0xFFFFC000  }
0xcb: {  	[tilespmem:s14], [sflag:$0x2] =	stream.indirect.gather [hbm4b:s4+s11], $0x80, s11, s11, $0xb8;
	[tilespmem:$0x1D000] =	vst v63  }
0xcc: {  	_ = 	snop  }
0xcd: {  	[spmem:s2] =	stream.indirect.scatter.add.f32 [tilespmem:s12], [sflag:$0x3], $0x80, s10, s11, $0xb8;
	[tilespmem:$0x1D000] =	vst v63  }
0xce: {  	_ =	swait.ge [sflag:s9], $0x4000  }
0xcf: {  	[sflag:s9] =	ssyncset.done $0x0  }
0xd0: {  	[sflag:s9] =	ssyncadd.s32 $0xFFFFC000  }
0xd1: {  	_ =	swait.ge [sflag:s15], $0x4000  }
0xd2: {  	s7 =	smov.u32 s6;
	[sflag:s15] =	ssyncset.done $0x0  }
0xd3: {  	s24 =	smov.u32 s7;
	s7 =	rddreg [dreg:$0x5];
	[sflag:s15] =	ssyncadd.s32 $0xFFFFC000  }
0xd4: {  	[tilespmem:s12], [sflag:$0x1] =	stream.indirect.gather [hbm4b:s4+s11], $0x80, s7, s11, $0xb8;
	[tilespmem:$0x1D000] =	vst v63  }
0xd5: {  	s8 =	rddreg [dreg:$0x6]  }
0xd6: {  	[spmem:s2] =	stream.indirect.scatter.add.f32 [tilespmem:s14], [sflag:$0x3], $0x80, s8, s11, $0xb8;
	[tilespmem:$0x1D000] =	vst v63  }
0xd7: {  	_ =	swait.ge [sflag:s9], $0x4000  }
0xd8: {  	[sflag:s9] =	ssyncset.done $0x0  }
0xd9: {  	[sflag:s9] =	ssyncadd.s32 $0xFFFFC000  }
0xda: {  	_ =	swait.ge [sflag:s13], $0x4000  }
0xdb: {  	[sflag:s13] =	ssyncset.done $0x0  }
0xdc: {  	s7 =	rddreg [dreg:$0x7];
	[sflag:s13] =	ssyncadd.s32 $0xFFFFC000  }
0xdd: {  	[tilespmem:s14], [sflag:$0x2] =	stream.indirect.gather [hbm4b:s4+s11], $0x80, s7, s11, $0xb8;
	[tilespmem:$0x1D000] =	vst v63  }
0xde: {  	s8 =	rddreg [dreg:$0x8]  }
0xdf: {  	[spmem:s2] =	stream.indirect.scatter.add.f32 [tilespmem:s12], [sflag:$0x3], $0x80, s8, s11, $0xb8;
	[tilespmem:$0x1D000] =	vst v63  }
0xe0: {  	_ =	swait.ge [sflag:s9], $0x4000  }
0xe1: {  	[sflag:s9] =	ssyncset.done $0x0  }
0xe2: {  	[sflag:s9] =	ssyncadd.s32 $0xFFFFC000  }
0xe3: {  	_ =	swait.ge [sflag:s15], $0x4000  }
0xe4: {  	[sflag:s15] =	ssyncset.done $0x0  }
0xe5: {  	s7 =	rddreg [dreg:$0x9];
	[sflag:s15] =	ssyncadd.s32 $0xFFFFC000  }
0xe6: {  	[tilespmem:s12], [sflag:$0x1] =	stream.indirect.gather [hbm4b:s4+s11], $0x80, s7, s11, $0xb8;
	[tilespmem:$0x1D000] =	vst v63  }
0xe7: {  	s8 =	rddreg [dreg:$0xa]  }
0xe8: {  	[spmem:s2] =	stream.indirect.scatter.add.f32 [tilespmem:s14], [sflag:$0x3], $0x80, s8, s11, $0xb8;
	[tilespmem:$0x1D000] =	vst v63  }
0xe9: {  	_ =	swait.ge [sflag:s9], $0x4000  }
0xea: {  	[sflag:s9] =	ssyncset.done $0x0  }
0xeb: {  	[sflag:s9] =	ssyncadd.s32 $0xFFFFC000  }
0xec: {  	_ =	swait.ge [sflag:s13], $0x4000  }
0xed: {  	[sflag:s13] =	ssyncset.done $0x0  }
0xee: {  	s7 =	rddreg [dreg:$0xb];
	[sflag:s13] =	ssyncadd.s32 $0xFFFFC000  }
0xef: {  	[tilespmem:s14], [sflag:$0x2] =	stream.indirect.gather [hbm4b:s4+s11], $0x80, s7, s11, $0xb8;
	[tilespmem:$0x1D000] =	vst v63  }
0xf0: {  	s8 =	rddreg [dreg:$0xc]  }
0xf1: {  	[spmem:s2] =	stream.indirect.scatter.add.f32 [tilespmem:s12], [sflag:$0x3], $0x80, s8, s11, $0xb8;
	[tilespmem:$0x1D000] =	vst v63  }
0xf2: {  	_ =	swait.ge [sflag:s9], $0x4000  }
0xf3: {  	[sflag:s9] =	ssyncset.done $0x0  }
0xf4: {  	[sflag:s9] =	ssyncadd.s32 $0xFFFFC000  }
0xf5: {  	_ =	swait.ge [sflag:s15], $0x4000  }
0xf6: {  	[sflag:s15] =	ssyncset.done $0x0  }
0xf7: {  	s7 =	rddreg [dreg:$0xd];
	[sflag:s15] =	ssyncadd.s32 $0xFFFFC000  }
0xf8: {  	[tilespmem:s12], [sflag:$0x1] =	stream.indirect.gather [hbm4b:s4+s11], $0x80, s7, s11, $0xb8;
	[tilespmem:$0x1D000] =	vst v63  }
0xf9: {  	s8 =	rddreg [dreg:$0xe]  }
0xfa: {  	[spmem:s2] =	stream.indirect.scatter.add.f32 [tilespmem:s14], [sflag:$0x3], $0x80, s8, s11, $0xb8;
	[tilespmem:$0x1D000] =	vst v63  }
0xfb: {  	_ =	swait.ge [sflag:s9], $0x4000  }
0xfc: {  	[sflag:s9] =	ssyncset.done $0x0  }
0xfd: {  	[sflag:s9] =	ssyncadd.s32 $0xFFFFC000  }
0xfe: {  	_ =	swait.ge [sflag:s13], $0x4000  }
0xff: {  	[sflag:s13] =	ssyncset.done $0x0  }
0x100: {  	s7 =	rddreg [dreg:$0xf];
	[sflag:s13] =	ssyncadd.s32 $0xFFFFC000  }
0x101: {  	[tilespmem:s14], [sflag:$0x2] =	stream.indirect.gather [hbm4b:s4+s11], $0x80, s7, s11, $0xb8;
	[tilespmem:$0x1D000] =	vst v63  }
0x102: {  	s8 =	rddreg [dreg:$0x10]  }
0x103: {  	[spmem:s2] =	stream.indirect.scatter.add.f32 [tilespmem:s12], [sflag:$0x3], $0x80, s8, s11, $0xb8;
	[tilespmem:$0x1D000] =	vst v63  }
0x104: {  	_ =	swait.ge [sflag:s9], $0x4000  }
0x105: {  	[sflag:s9] =	ssyncset.done $0x0  }
0x106: {  	[sflag:s9] =	ssyncadd.s32 $0xFFFFC000  }
0x107: {  	_ =	swait.ge [sflag:s15], $0x4000  }
0x108: {  	[sflag:s15] =	ssyncset.done $0x0  }
0x109: {  	[sflag:s15] =	ssyncadd.s32 $0xFFFFC000  }
0x10a: {  	[tilespmem:s12], [sflag:$0x1] =	stream.indirect.gather [hbm4b:s4+s11], $0x80, s16, s11, $0xb8;
	[tilespmem:$0x1D000] =	vst v63  }
0x10b: {  	_ = 	snop  }
0x10c: {  	[spmem:s2] =	stream.indirect.scatter.add.f32 [tilespmem:s14], [sflag:$0x3], $0x80, s17, s11, $0xb8;
	[tilespmem:$0x1D000] =	vst v63  }
0x10d: {  	_ =	swait.ge [sflag:s9], $0x4000  }
0x10e: {  	[sflag:s9] =	ssyncset.done $0x0  }
0x10f: {  	[sflag:s9] =	ssyncadd.s32 $0xFFFFC000  }
0x110: {  	_ =	swait.ge [sflag:s13], $0x4000  }
0x111: {  	[sflag:s13] =	ssyncset.done $0x0  }
0x112: {  	[sflag:s13] =	ssyncadd.s32 $0xFFFFC000  }
0x113: {  	[tilespmem:s14], [sflag:$0x2] =	stream.indirect.gather [hbm4b:s4+s11], $0x80, s18, s11, $0xb8;
	[tilespmem:$0x1D000] =	vst v63  }
0x114: {  	_ = 	snop  }
0x115: {  	[spmem:s2] =	stream.indirect.scatter.add.f32 [tilespmem:s12], [sflag:$0x3], $0x80, s19, s11, $0xb8;
	[tilespmem:$0x1D000] =	vst v63  }
0x116: {  	_ =	swait.ge [sflag:s9], $0x4000  }
0x117: {  	[sflag:s9] =	ssyncset.done $0x0  }
0x118: {  	[sflag:s9] =	ssyncadd.s32 $0xFFFFC000  }
0x119: {  	_ =	swait.ge [sflag:s15], $0x4000  }
0x11a: {  	[sflag:s15] =	ssyncset.done $0x0  }
0x11b: {  	[sflag:s15] =	ssyncadd.s32 $0xFFFFC000  }
0x11c: {  	[tilespmem:s12], [sflag:$0x1] =	stream.indirect.gather [hbm4b:s4+s11], $0x80, s20, s11, $0xb8;
	[tilespmem:$0x1D000] =	vst v63  }
0x11d: {  	_ = 	snop  }
0x11e: {  	[spmem:s2] =	stream.indirect.scatter.add.f32 [tilespmem:s14], [sflag:$0x3], $0x80, s21, s11, $0xb8;
	[tilespmem:$0x1D000] =	vst v63  }
0x11f: {  	_ =	swait.ge [sflag:s9], $0x4000  }
0x120: {  	[sflag:s9] =	ssyncset.done $0x0  }
0x121: {  	[sflag:s9] =	ssyncadd.s32 $0xFFFFC000  }
0x122: {  	_ =	swait.ge [sflag:s13], $0x4000  }
0x123: {  	[sflag:s13] =	ssyncset.done $0x0  }
0x124: {  	[sflag:s13] =	ssyncadd.s32 $0xFFFFC000  }
0x125: {  	[tilespmem:s14], [sflag:$0x2] =	stream.indirect.gather [hbm4b:s4+s11], $0x80, s22, s11, $0xb8;
	[tilespmem:$0x1D000] =	vst v63  }
0x126: {  	_ = 	snop  }
0x127: {  	[spmem:s2] =	stream.indirect.scatter.add.f32 [tilespmem:s12], [sflag:$0x3], $0x80, s23, s11, $0xb8;
	[tilespmem:$0x1D000] =	vst v63  }
0x128: {  	_ =	swait.ge [sflag:s9], $0x4000  }
0x129: {  	[sflag:s9] =	ssyncset.done $0x0  }
0x12a: {  	[sflag:s9] =	ssyncadd.s32 $0xFFFFC000  }
0x12b: {  	_ =	swait.ge [sflag:s15], $0x4000  }
0x12c: {  	[sflag:s15] =	ssyncset.done $0x0  }
0x12d: {  	[sflag:s15] =	ssyncadd.s32 $0xFFFFC000  }
0x12e: {  	[tilespmem:s12], [sflag:$0x1] =	stream.indirect.gather [hbm4b:s4+s11], $0x80, s25, s11, $0xb8;
	[tilespmem:$0x1D000] =	vst v63  }
0x12f: {  	_ = 	snop  }
0x130: {  	[spmem:s2] =	stream.indirect.scatter.add.f32 [tilespmem:s14], [sflag:$0x3], $0x80, s26, s11, $0xb8;
	[tilespmem:$0x1D000] =	vst v63  }
0x131: {  	_ =	swait.ge [sflag:s9], $0x4000  }
0x132: {  	[sflag:s9] =	ssyncset.done $0x0  }
0x133: {  	[sflag:s9] =	ssyncadd.s32 $0xFFFFC000  }
0x134: {  	_ =	swait.ge [sflag:s13], $0x4000  }
0x135: {  	[sflag:s13] =	ssyncset.done $0x0  }
0x136: {  	[sflag:s13] =	ssyncadd.s32 $0xFFFFC000  }
0x137: {  	[tilespmem:s14], [sflag:$0x2] =	stream.indirect.gather [hbm4b:s4+s11], $0x80, s28, s11, $0xb8;
	[tilespmem:$0x1D000] =	vst v63  }
0x138: {  	_ = 	snop  }
0x139: {  	[spmem:s2] =	stream.indirect.scatter.add.f32 [tilespmem:s12], [sflag:$0x3], $0x80, s29, s11, $0xb8;
	[tilespmem:$0x1D000] =	vst v63  }
0x13a: {  	_ =	swait.ge [sflag:s9], $0x4000  }
0x13b: {  	[sflag:s9] =	ssyncset.done $0x0  }
0x13c: {  	[sflag:s9] =	ssyncadd.s32 $0xFFFFC000  }
0x13d: {  	_ =	swait.ge [sflag:s15], $0x4000  }
0x13e: {  	[sflag:s15] =	ssyncset.done $0x0  }
0x13f: {  	[sflag:s15] =	ssyncadd.s32 $0xFFFFC000  }
0x140: {  	[tilespmem:s12], [sflag:$0x1] =	stream.indirect.gather [hbm4b:s4+s11], $0x80, s30, s11, $0xb8;
	[tilespmem:$0x1D000] =	vst v63  }
0x141: {  	_ = 	snop  }
0x142: {  	[spmem:s2] =	stream.indirect.scatter.add.f32 [tilespmem:s14], [sflag:$0x3], $0x80, s31, s11, $0xb8;
	[tilespmem:$0x1D000] =	vst v63  }
0x143: {  	_ =	swait.ge [sflag:s9], $0x4000  }
0x144: {  	[sflag:s9] =	ssyncset.done $0x0  }
0x145: {  	[sflag:s9] =	ssyncadd.s32 $0xFFFFC000  }
0x146: {  	_ =	swait.ge [sflag:s13], $0x4000  }
0x147: {  	[sflag:s13] =	ssyncset.done $0x0  }
0x148: {  	[sflag:s13] =	ssyncadd.s32 $0xFFFFC000  }
0x149: {  	[tilespmem:s14], [sflag:$0x2] =	stream.indirect.gather [hbm4b:s4+s11], $0x80, s1, s11, $0xb8;
	[tilespmem:$0x1D000] =	vst v63  }
0x14a: {  	_ = 	snop  }
0x14b: {  	[spmem:s2] =	stream.indirect.scatter.add.f32 [tilespmem:s12], [sflag:$0x3], $0x80, s0, s11, $0xb8;
	[tilespmem:$0x1D000] =	vst v63  }
0x14c: {  	_ =	swait.ge [sflag:s9], $0x4000  }
0x14d: {  	[sflag:s9] =	ssyncset.done $0x0  }
0x14e: {  	[sflag:s9] =	ssyncadd.s32 $0xFFFFC000  }
0x14f: {  	p0 =	sne.s32 s6, $0x400;
	_ =	swait.ge [sflag:s15], $0x4000  }
.Ltmp0:
0x150: {  	[sflag:s15] =	ssyncset.done $0x0;
	(pc) =	sbr.rel @p0 .LBB2_2-.Ltmp0, $4  }
0x151: {  	[sflag:s15] =	ssyncadd.s32 $0xFFFFC000  }
0x152: {  	[spmem:s2] =	stream.indirect.scatter.add.f32 [tilespmem:s14], [sflag:$0x3], $0x80, s5, s11, $0xb8;
	[tilespmem:$0x1D000] =	vst v63  }
0x153: {  	_ =	swait.ge [sflag:s9], $0x4000  }
0x154: {  	s6 =	sadd.s32 $0x100, s6;
	s8 =	rddreg [dreg:$0x3];
	[sflag:s9] =	ssyncset.done $0x0  }
0x155: {  	[sflag:s9] =	ssyncadd.s32 $0xFFFFC000;
	s6 =	sadd.s32 s24, s8  }
0x156: {  	[tilespmem:s3], [sflag:$0x3] =	stream.linear.gather [hbm4b:s6+s3], $0x800, $0x38;
	[tilespmem:$0x1D000] =	vst v63  }
0x157: {  	_ =	swait.ge [sflag:s9], $0x800  }
0x158: {  	s8 =	rddreg [dreg:$0x4];
	[sflag:s9] =	ssyncset.done $0x0  }
0x159: {  	[sflag:s9] =	ssyncadd.s32 $0xFFFFF800;
	s6 =	sadd.s32 s24, s8  }
0x15a: {  	[tilespmem:s10], [sflag:$0x3] =	stream.linear.gather [hbm4b:s6+s3], $0x800, $0x38;
	[tilespmem:$0x1D000] =	vst v63  }
0x15b: {  	_ =	swait.ge [sflag:s9], $0x800  }
0x15c: {  	[sflag:s9] =	ssyncset.done $0x0  }
0x15d: {  	[sflag:s9] =	ssyncadd.s32 $0xFFFFF800  }
0x15e: {  	[tilespmem:s12], [sflag:$0x1] =	stream.indirect.gather [hbm4b:s4+s11], $0x80, s3, s11, $0xb8;
	[tilespmem:$0x1D000] =	vst v63  }
0x15f: {  	_ =	swait.ge [sflag:s13], $0x4000  }
0x160: {  	[sflag:s13] =	ssyncset.done $0x0  }
0x161: {  	[sflag:s13] =	ssyncadd.s32 $0xFFFFC000  }
0x162: {  	[tilespmem:s14], [sflag:$0x2] =	stream.indirect.gather [hbm4b:s4+s11], $0x80, s11, s11, $0xb8;
	[tilespmem:$0x1D000] =	vst v63  }
0x163: {  	_ = 	snop  }
0x164: {  	[spmem:s2] =	stream.indirect.scatter.add.f32 [tilespmem:s12], [sflag:$0x3], $0x80, s10, s11, $0xb8;
	[tilespmem:$0x1D000] =	vst v63  }
0x165: {  	_ =	swait.ge [sflag:s9], $0x4000  }
0x166: {  	[sflag:s9] =	ssyncset.done $0x0  }
0x167: {  	[sflag:s9] =	ssyncadd.s32 $0xFFFFC000  }
0x168: {  	_ =	swait.ge [sflag:s15], $0x4000  }
0x169: {  	[sflag:s15] =	ssyncset.done $0x0  }
0x16a: {  	s24 =	rddreg [dreg:$0x5];
	[sflag:s15] =	ssyncadd.s32 $0xFFFFC000  }
0x16b: {  	[tilespmem:s12], [sflag:$0x1] =	stream.indirect.gather [hbm4b:s4+s11], $0x80, s24, s11, $0xb8;
	[tilespmem:$0x1D000] =	vst v63  }
0x16c: {  	s7 =	rddreg [dreg:$0x6]  }
0x16d: {  	[spmem:s2] =	stream.indirect.scatter.add.f32 [tilespmem:s14], [sflag:$0x3], $0x80, s7, s11, $0xb8;
	[tilespmem:$0x1D000] =	vst v63  }
0x16e: {  	_ =	swait.ge [sflag:s9], $0x4000  }
0x16f: {  	[sflag:s9] =	ssyncset.done $0x0  }
0x170: {  	[sflag:s9] =	ssyncadd.s32 $0xFFFFC000  }
0x171: {  	_ =	swait.ge [sflag:s13], $0x4000  }
0x172: {  	[sflag:s13] =	ssyncset.done $0x0  }
0x173: {  	s8 =	rddreg [dreg:$0x7];
	[sflag:s13] =	ssyncadd.s32 $0xFFFFC000  }
0x174: {  	[tilespmem:s14], [sflag:$0x2] =	stream.indirect.gather [hbm4b:s4+s11], $0x80, s8, s11, $0xb8;
	[tilespmem:$0x1D000] =	vst v63  }
0x175: {  	s24 =	rddreg [dreg:$0x8]  }
0x176: {  	[spmem:s2] =	stream.indirect.scatter.add.f32 [tilespmem:s12], [sflag:$0x3], $0x80, s24, s11, $0xb8;
	[tilespmem:$0x1D000] =	vst v63  }
0x177: {  	_ =	swait.ge [sflag:s9], $0x4000  }
0x178: {  	[sflag:s9] =	ssyncset.done $0x0  }
0x179: {  	[sflag:s9] =	ssyncadd.s32 $0xFFFFC000  }
0x17a: {  	_ =	swait.ge [sflag:s15], $0x4000  }
0x17b: {  	[sflag:s15] =	ssyncset.done $0x0  }
0x17c: {  	s8 =	rddreg [dreg:$0x9];
	[sflag:s15] =	ssyncadd.s32 $0xFFFFC000  }
0x17d: {  	[tilespmem:s12], [sflag:$0x1] =	stream.indirect.gather [hbm4b:s4+s11], $0x80, s8, s11, $0xb8;
	[tilespmem:$0x1D000] =	vst v63  }
0x17e: {  	s24 =	rddreg [dreg:$0xa]  }
0x17f: {  	[spmem:s2] =	stream.indirect.scatter.add.f32 [tilespmem:s14], [sflag:$0x3], $0x80, s24, s11, $0xb8;
	[tilespmem:$0x1D000] =	vst v63  }
0x180: {  	_ =	swait.ge [sflag:s9], $0x4000  }
0x181: {  	[sflag:s9] =	ssyncset.done $0x0  }
0x182: {  	[sflag:s9] =	ssyncadd.s32 $0xFFFFC000  }
0x183: {  	_ =	swait.ge [sflag:s13], $0x4000  }
0x184: {  	[sflag:s13] =	ssyncset.done $0x0  }
0x185: {  	s8 =	rddreg [dreg:$0xb];
	[sflag:s13] =	ssyncadd.s32 $0xFFFFC000  }
0x186: {  	[tilespmem:s14], [sflag:$0x2] =	stream.indirect.gather [hbm4b:s4+s11], $0x80, s8, s11, $0xb8;
	[tilespmem:$0x1D000] =	vst v63  }
0x187: {  	s24 =	rddreg [dreg:$0xc]  }
0x188: {  	[spmem:s2] =	stream.indirect.scatter.add.f32 [tilespmem:s12], [sflag:$0x3], $0x80, s24, s11, $0xb8;
	[tilespmem:$0x1D000] =	vst v63  }
0x189: {  	_ =	swait.ge [sflag:s9], $0x4000  }
0x18a: {  	[sflag:s9] =	ssyncset.done $0x0  }
0x18b: {  	[sflag:s9] =	ssyncadd.s32 $0xFFFFC000  }
0x18c: {  	_ =	swait.ge [sflag:s15], $0x4000  }
0x18d: {  	[sflag:s15] =	ssyncset.done $0x0  }
0x18e: {  	s8 =	rddreg [dreg:$0xd];
	[sflag:s15] =	ssyncadd.s32 $0xFFFFC000  }
0x18f: {  	[tilespmem:s12], [sflag:$0x1] =	stream.indirect.gather [hbm4b:s4+s11], $0x80, s8, s11, $0xb8;
	[tilespmem:$0x1D000] =	vst v63  }
0x190: {  	s24 =	rddreg [dreg:$0xe]  }
0x191: {  	[spmem:s2] =	stream.indirect.scatter.add.f32 [tilespmem:s14], [sflag:$0x3], $0x80, s24, s11, $0xb8;
	[tilespmem:$0x1D000] =	vst v63  }
0x192: {  	_ =	swait.ge [sflag:s9], $0x4000  }
0x193: {  	[sflag:s9] =	ssyncset.done $0x0  }
0x194: {  	[sflag:s9] =	ssyncadd.s32 $0xFFFFC000  }
0x195: {  	_ =	swait.ge [sflag:s13], $0x4000  }
0x196: {  	[sflag:s13] =	ssyncset.done $0x0  }
0x197: {  	s7 =	rddreg [dreg:$0xf];
	[sflag:s13] =	ssyncadd.s32 $0xFFFFC000  }
0x198: {  	[tilespmem:s14], [sflag:$0x2] =	stream.indirect.gather [hbm4b:s4+s11], $0x80, s7, s11, $0xb8;
	[tilespmem:$0x1D000] =	vst v63  }
0x199: {  	s8 =	rddreg [dreg:$0x10]  }
0x19a: {  	[spmem:s2] =	stream.indirect.scatter.add.f32 [tilespmem:s12], [sflag:$0x3], $0x80, s8, s11, $0xb8;
	[tilespmem:$0x1D000] =	vst v63  }
0x19b: {  	_ =	swait.ge [sflag:s9], $0x4000  }
0x19c: {  	[sflag:s9] =	ssyncset.done $0x0  }
0x19d: {  	[sflag:s9] =	ssyncadd.s32 $0xFFFFC000  }
0x19e: {  	_ =	swait.ge [sflag:s15], $0x4000  }
0x19f: {  	[sflag:s15] =	ssyncset.done $0x0  }
0x1a0: {  	[sflag:s15] =	ssyncadd.s32 $0xFFFFC000  }
0x1a1: {  	[tilespmem:s12], [sflag:$0x1] =	stream.indirect.gather [hbm4b:s4+s11], $0x80, s16, s11, $0xb8;
	[tilespmem:$0x1D000] =	vst v63  }
0x1a2: {  	_ = 	snop  }
0x1a3: {  	[spmem:s2] =	stream.indirect.scatter.add.f32 [tilespmem:s14], [sflag:$0x3], $0x80, s17, s11, $0xb8;
	[tilespmem:$0x1D000] =	vst v63  }
0x1a4: {  	_ =	swait.ge [sflag:s9], $0x4000  }
0x1a5: {  	[sflag:s9] =	ssyncset.done $0x0  }
0x1a6: {  	[sflag:s9] =	ssyncadd.s32 $0xFFFFC000  }
0x1a7: {  	_ =	swait.ge [sflag:s13], $0x4000  }
0x1a8: {  	[sflag:s13] =	ssyncset.done $0x0  }
0x1a9: {  	[sflag:s13] =	ssyncadd.s32 $0xFFFFC000  }
0x1aa: {  	[tilespmem:s14], [sflag:$0x2] =	stream.indirect.gather [hbm4b:s4+s11], $0x80, s18, s11, $0xb8;
	[tilespmem:$0x1D000] =	vst v63  }
0x1ab: {  	_ = 	snop  }
0x1ac: {  	[spmem:s2] =	stream.indirect.scatter.add.f32 [tilespmem:s12], [sflag:$0x3], $0x80, s19, s11, $0xb8;
	[tilespmem:$0x1D000] =	vst v63  }
0x1ad: {  	_ =	swait.ge [sflag:s9], $0x4000  }
0x1ae: {  	[sflag:s9] =	ssyncset.done $0x0  }
0x1af: {  	[sflag:s9] =	ssyncadd.s32 $0xFFFFC000  }
0x1b0: {  	_ =	swait.ge [sflag:s15], $0x4000  }
0x1b1: {  	[sflag:s15] =	ssyncset.done $0x0  }
0x1b2: {  	[sflag:s15] =	ssyncadd.s32 $0xFFFFC000  }
0x1b3: {  	[tilespmem:s12], [sflag:$0x1] =	stream.indirect.gather [hbm4b:s4+s11], $0x80, s20, s11, $0xb8;
	[tilespmem:$0x1D000] =	vst v63  }
0x1b4: {  	_ = 	snop  }
0x1b5: {  	[spmem:s2] =	stream.indirect.scatter.add.f32 [tilespmem:s14], [sflag:$0x3], $0x80, s21, s11, $0xb8;
	[tilespmem:$0x1D000] =	vst v63  }
0x1b6: {  	_ =	swait.ge [sflag:s9], $0x4000  }
0x1b7: {  	[sflag:s9] =	ssyncset.done $0x0  }
0x1b8: {  	[sflag:s9] =	ssyncadd.s32 $0xFFFFC000  }
0x1b9: {  	_ =	swait.ge [sflag:s13], $0x4000  }
0x1ba: {  	[sflag:s13] =	ssyncset.done $0x0  }
0x1bb: {  	[sflag:s13] =	ssyncadd.s32 $0xFFFFC000  }
0x1bc: {  	[tilespmem:s14], [sflag:$0x2] =	stream.indirect.gather [hbm4b:s4+s11], $0x80, s22, s11, $0xb8;
	[tilespmem:$0x1D000] =	vst v63  }
0x1bd: {  	_ = 	snop  }
0x1be: {  	[spmem:s2] =	stream.indirect.scatter.add.f32 [tilespmem:s12], [sflag:$0x3], $0x80, s23, s11, $0xb8;
	[tilespmem:$0x1D000] =	vst v63  }
0x1bf: {  	_ =	swait.ge [sflag:s9], $0x4000  }
0x1c0: {  	[sflag:s9] =	ssyncset.done $0x0  }
0x1c1: {  	[sflag:s9] =	ssyncadd.s32 $0xFFFFC000  }
0x1c2: {  	_ =	swait.ge [sflag:s15], $0x4000  }
0x1c3: {  	[sflag:s15] =	ssyncset.done $0x0  }
0x1c4: {  	[sflag:s15] =	ssyncadd.s32 $0xFFFFC000  }
0x1c5: {  	[tilespmem:s12], [sflag:$0x1] =	stream.indirect.gather [hbm4b:s4+s11], $0x80, s25, s11, $0xb8;
	[tilespmem:$0x1D000] =	vst v63  }
0x1c6: {  	_ = 	snop  }
0x1c7: {  	[spmem:s2] =	stream.indirect.scatter.add.f32 [tilespmem:s14], [sflag:$0x3], $0x80, s26, s11, $0xb8;
	[tilespmem:$0x1D000] =	vst v63  }
0x1c8: {  	_ =	swait.ge [sflag:s9], $0x4000  }
0x1c9: {  	[sflag:s9] =	ssyncset.done $0x0  }
0x1ca: {  	[sflag:s9] =	ssyncadd.s32 $0xFFFFC000  }
0x1cb: {  	_ =	swait.ge [sflag:s13], $0x4000  }
0x1cc: {  	[sflag:s13] =	ssyncset.done $0x0  }
0x1cd: {  	[sflag:s13] =	ssyncadd.s32 $0xFFFFC000  }
0x1ce: {  	[tilespmem:s14], [sflag:$0x2] =	stream.indirect.gather [hbm4b:s4+s11], $0x80, s28, s11, $0xb8;
	[tilespmem:$0x1D000] =	vst v63  }
0x1cf: {  	_ = 	snop  }
0x1d0: {  	[spmem:s2] =	stream.indirect.scatter.add.f32 [tilespmem:s12], [sflag:$0x3], $0x80, s29, s11, $0xb8;
	[tilespmem:$0x1D000] =	vst v63  }
0x1d1: {  	_ =	swait.ge [sflag:s9], $0x4000  }
0x1d2: {  	[sflag:s9] =	ssyncset.done $0x0  }
0x1d3: {  	[sflag:s9] =	ssyncadd.s32 $0xFFFFC000  }
0x1d4: {  	_ =	swait.ge [sflag:s15], $0x4000  }
0x1d5: {  	[sflag:s15] =	ssyncset.done $0x0  }
0x1d6: {  	[sflag:s15] =	ssyncadd.s32 $0xFFFFC000  }
0x1d7: {  	[tilespmem:s12], [sflag:$0x1] =	stream.indirect.gather [hbm4b:s4+s11], $0x80, s30, s11, $0xb8;
	[tilespmem:$0x1D000] =	vst v63  }
0x1d8: {  	_ = 	snop  }
0x1d9: {  	[spmem:s2] =	stream.indirect.scatter.add.f32 [tilespmem:s14], [sflag:$0x3], $0x80, s31, s11, $0xb8;
	[tilespmem:$0x1D000] =	vst v63  }
0x1da: {  	_ =	swait.ge [sflag:s9], $0x4000  }
0x1db: {  	[sflag:s9] =	ssyncset.done $0x0  }
0x1dc: {  	[sflag:s9] =	ssyncadd.s32 $0xFFFFC000  }
0x1dd: {  	_ =	swait.ge [sflag:s13], $0x4000  }
0x1de: {  	[sflag:s13] =	ssyncset.done $0x0  }
0x1df: {  	[sflag:s13] =	ssyncadd.s32 $0xFFFFC000  }
0x1e0: {  	[tilespmem:s14], [sflag:$0x2] =	stream.indirect.gather [hbm4b:s4+s11], $0x80, s1, s11, $0xb8;
	[tilespmem:$0x1D000] =	vst v63  }
0x1e1: {  	_ = 	snop  }
0x1e2: {  	[spmem:s2] =	stream.indirect.scatter.add.f32 [tilespmem:s12], [sflag:$0x3], $0x80, s0, s11, $0xb8;
	[tilespmem:$0x1D000] =	vst v63  }
0x1e3: {  	_ =	swait.ge [sflag:s9], $0x4000  }
0x1e4: {  	[sflag:s9] =	ssyncset.done $0x0  }
0x1e5: {  	[sflag:s9] =	ssyncadd.s32 $0xFFFFC000  }
0x1e6: {  	_ =	swait.ge [sflag:s15], $0x4000  }
0x1e7: {  	[sflag:s15] =	ssyncset.done $0x0  }
0x1e8: {  	[sflag:s15] =	ssyncadd.s32 $0xFFFFC000  }
0x1e9: {  	[spmem:s2] =	stream.indirect.scatter.add.f32 [tilespmem:s14], [sflag:$0x3], $0x80, s5, s11, $0xb8;
	[tilespmem:$0x1D000] =	vst v63  }
0x1ea: {  	_ =	swait.ge [sflag:s9], $0x4000  }
0x1eb: {  	[sflag:s9] =	ssyncset.done $0x0  }
0x1ec: {  	[sflag:s9] =	ssyncadd.s32 $0xFFFFC000  }
0x1ed: {  	[bflag:$0x0] =	sbarrier.arrive $0xFFFF  }
0x1ee: {  	s8 =	rddreg [dreg:$0x12]  }
0x1ef: {  	s7 =	rddreg [dreg:$0x14]  }
0x1f0: {  	s24 =	rddreg [dreg:$0x15]  }
0x1f1: {  	[hbm:s24], [sflag:s8] =	dma.local [spmem:s7], $0x2800  }
0x1f2: {  	_ =	swait.ge [sflag:s9], $0x2800  }
0x1f3: {  	s6 =	rddreg [dreg:$0x16]  }
0x1f4: {  	s24 =	sadd.s32 $0x1, s6;
	s6 =	rddreg [dreg:$0x13]  }
0x1f5: {  	p0 =	sne.s32 s24, s6  }
.Ltmp1:
0x1f6: {  	_ = 	snop;
	(pc) =	sbr.rel @p0 .LBB2_1-.Ltmp1, $3  }
0x1f7: {  	_ =	sdelay $0x1  }
0x1f8: {  	[sflag:s9] =	ssyncset.done $0x0  }
0x1f9: {  	[sflag:s9] =	ssyncadd.s32 $0xFFFFD800  }
0x1fa: {  	_ =	sfence.sel $0x180000  }
0x1fb: {  	[bflag:$0x0] =	sbarrier.arrive $0xFFFF  }
0x1fc: {  	_ =	strace $0x9000004A  }
0x1fd: {  	s0 =	stileid.u32;
	[bflag:$0x2] =	sbarrier.arrive $0xFFFF  }
0x1fe: {  	p0 =	sne.s32 s0, $0x0;
	s0 =	rddreg [dreg:$0x2]  }
0x1ff: {  	s0 =	sadd.s32 @!p0 $0x100000, s0  }
0x200: {  	[sflag:s0] =	ssyncadd.tile.s32 @!p0 $0x1;
	_ =	shalt  }
.Lfunc_end2:
_tile_overlayer_lowered:
.L_overlay_start_2:
0x201: {  	(tag) =	ssettag $0x2  }
0x202: {  	s0 =	rddreg [dreg:$0x0];
	s2 =	stileid.u32  }
0x203: {  	s1 =	rddreg [dreg:$0x1];
	p0 =	sne.s32 s2, $0x0  }
0x204: {  	s3 =	rddreg [dreg:$0x2];
	[bflag:$0x3] =	sbarrier.arrive $0xFFFF;
	s2 =	simm.s32 @!p0 $0x1C03  }
0x205: {  	[timem:s3], [sflag:s2] =	dma.local @!p0 [hbm:s0], s1  }
0x206: {  	s0 =	simm.s32 @!p0 $0x3  }
0x207: {  	_ =	swait.ge @!p0 [sflag:s0], s1  }
0x208: {  	s1 =	ssub.s32 @!p0 $0x0, s1;
	[sflag:s0] =	ssyncset.done @!p0 $0x0  }
0x209: {  	[sflag:s0] =	ssyncadd.s32 @!p0 s1  }
0x20a: {  	[bflag:$0x3] =	sbarrier.arrive $0xFFFF  }
0x20b: {  	_ =	shalt  }

// kernel: kernel.18.cloned.1.call-start
scs
__scs_entry_jumppad:
0x0: {  	(pc) =	sbr.rel $0x88, $3  }
0x1: {  	(tag) =	ssettag $0x0;
	lr =	simm.s32 $0x1  }
0x2: {  	[smem:$0x3F95] =	sst lr;
	_ =	strace $0xD0000000  }
0x3: {  	_ = 	snop  }
0x4: {  	_ = 	snop  }
0x5: {  	_ = 	snop  }
0x6: {  	_ = 	snop  }
0x7: {  	_ = 	snop  }
__scs_overlays_trampoline_lowered:
0x8: {  	[smem:$0x3FA4] =	sst s0  }
0x9: {  	[smem:$0x3FA5] =	sst s1  }
0xa: {  	[smem:$0x3FA6] =	sst s2  }
0xb: {  	[smem:$0x3FA7] =	sst s3  }
0xc: {  	[smem:$0x3FA8] =	sst s4  }
0xd: {  	[smem:$0x3FA9] =	sst s5  }
0xe: {  	[smem:$0x3FAA] =	sst s6  }
0xf: {  	[smem:$0x3FAB] =	sst s7  }
0x10: {  	[smem:$0x3FAC] =	sst s8  }
0x11: {  	[smem:$0x3FAD] =	sst s9;
	s0 =	simm.s32 @!p0 $0x0  }
0x12: {  	s1 =	sld [smem:$0x3F93];
	s0 =	simm.s32 @p0 $0x1  }
0x13: {  	[smem:$0x3FAE] =	sst s0;
	s0 =	simm.s32 @!p1 $0x0  }
0x14: {  	s2 =	sld [smem:$0x3F92];
	s0 =	simm.s32 @p1 $0x1  }
0x15: {  	[smem:$0x3FAF] =	sst s0;
	s0 =	simm.s32 @!p2 $0x0  }
0x16: {  	s3 =	sld [smem:$0x3FDB];
	s0 =	simm.s32 @p2 $0x1  }
0x17: {  	s4 =	simm.s32 $0x1BF5;
	[smem:$0x3FB1] =	sst s0  }
0x18: {  	s0 =	sld [smem:$0x3F94];
	_ =	swait.ge [sflag:s4], $0x0  }
0x19: {  	s7 =	sld [smem:$0x3F95]  }
0x1a: {  	s8 =	sadd.s32 $0xFFFFE003, lr  }
0x1b: {  	s9 =	sadd.s32 $0xFFFFFEF7, lr;
	s5 =	simm.s32 $0xFFFFFFFF;
	p2 =	slt.u32 s8, $0xFFFFF086  }
0x1c: {  	p1 =	slt.u32 s9, $0xF7A;
	s5 =	simm.s32 @!p2 $0x0  }
0x1d: {  	s5 =	simm.s32 @p1 $0x1;
	p0 =	seq.s32 s7, s2  }
0x1e: {  	s7 =	smul.u32 @!p0 $0xF7A, s2;
	p2 =	seq.s32 @!p0 s5, $0x0  }
0x1f: {  	s9 =	smul.u32 $0xF7A, s1;
	s8 =	simm.s32 @!p0 $0x1BF5;
	p2 =	por !p2, p0  }
0x20: {  	[sflag:s8] =	ssyncset.s32 @!p0 $0xFFFFF086;
	s6 =	sadd.s32 @!p0 s3, s7;
	s7 =	simm.s32 @!p0 $0x108  }
0x21: {  	s3 =	sadd.s32 s3, s9;
	s6 =	sadd.s32 @!p0 $0x88, s6;
	s7 =	simm.s32 @p2 $0x1082  }
0x22: {  	[simem:s7], [sflag:s8] =	dma.local @!p0 [hbm:s6], $0xF7A  }
0x23: {  	s9 =	sor.u32 $0xD0000000, s2;
	s6 =	simm.s32 $0x108;
	_ =	swait.ge @!p0 [sflag:s8], $0x0  }
0x24: {  	s3 =	sadd.s32 $0x88, s3;
	s6 =	simm.s32 @!p1 $0x1082;
	[sflag:s4] =	ssyncset.s32 $0xFFFFF086  }
0x25: {  	[simem:s6], [sflag:s4] =	dma.local [hbm:s3], $0xF7A  }
0x26: {  	[smem:$0x3F95] =	sst s1;
	(tag) =	ssettag s2;
	_ =	strace s9  }
0x27: {  	s1 =	sld [smem:$0x3FA5]  }
0x28: {  	s2 =	sld [smem:$0x3FA6]  }
0x29: {  	s4 =	sld [smem:$0x3FA8]  }
0x2a: {  	p0 =	seq.s32 s5, $0x0;
	s5 =	sld [smem:$0x3FA9]  }
0x2b: {  	s6 =	sld [smem:$0x3FAA]  }
0x2c: {  	s7 =	sld [smem:$0x3FAB]  }
0x2d: {  	s3 =	simm.s32 $0x108;
	s8 =	sld [smem:$0x3FAC]  }
0x2e: {  	s3 =	simm.s32 @!p0 $0x1082;
	s9 =	sld [smem:$0x3FAD]  }
0x2f: {  	lr =	sadd.s32 s0, s3;
	s0 =	sld [smem:$0x3FA4]  }
0x30: {  	s3 =	sld [smem:$0x3FA7]  }
0x31: {  	[smem:$0x3FB0] =	sst s10  }
0x32: {  	s10 =	sld [smem:$0x3FAE];
	_ =	sdelay $0x3  }
0x33: {  	p0 =	seq.s32 s10, $0x1;
	s10 =	sld [smem:$0x3FB0];
	_ =	sdelay $0x3  }
0x34: {  	[smem:$0x3FB0] =	sst s10  }
0x35: {  	s10 =	sld [smem:$0x3FAF];
	_ =	sdelay $0x3  }
0x36: {  	p1 =	seq.s32 s10, $0x1;
	s10 =	sld [smem:$0x3FB0];
	_ =	sdelay $0x3  }
0x37: {  	[smem:$0x3FB0] =	sst s10  }
0x38: {  	s10 =	sld [smem:$0x3FB1]  }
0x39: {  	_ = 	snop;
	(pc) =	sbr.ind lr, $3  }
0x3a: {  	_ = 	snop  }
0x3b: {  	_ = 	snop  }
0x3c: {  	p2 =	seq.s32 s10, $0x1;
	s10 =	sld [smem:$0x3FB0]  }
0x3d: {  	_ =	shalt  }
0x3e: {  	_ =	shalt  }
0x3f: {  	_ =	shalt  }
0x40: {  	_ =	shalt  }
0x41: {  	_ =	shalt  }
0x42: {  	_ =	shalt  }
0x43: {  	_ =	shalt  }
0x44: {  	_ =	shalt  }
0x45: {  	_ =	shalt  }
0x46: {  	_ =	shalt  }
0x47: {  	_ =	shalt  }
0x48: {  	_ =	shalt  }
0x49: {  	_ =	shalt  }
0x4a: {  	_ =	shalt  }
0x4b: {  	_ =	shalt  }
0x4c: {  	_ =	shalt  }
0x4d: {  	_ =	shalt  }
0x4e: {  	_ =	shalt  }
0x4f: {  	_ =	shalt  }
0x50: {  	_ =	shalt  }
0x51: {  	_ =	shalt  }
0x52: {  	_ =	shalt  }
0x53: {  	_ =	shalt  }
0x54: {  	_ =	shalt  }
0x55: {  	_ =	shalt  }
0x56: {  	_ =	shalt  }
0x57: {  	_ =	shalt  }
0x58: {  	_ =	shalt  }
0x59: {  	_ =	shalt  }
0x5a: {  	_ =	shalt  }
0x5b: {  	_ =	shalt  }
0x5c: {  	_ =	shalt  }
0x5d: {  	_ =	shalt  }
0x5e: {  	_ =	shalt  }
0x5f: {  	_ =	shalt  }
0x60: {  	_ =	shalt  }
0x61: {  	_ =	shalt  }
0x62: {  	_ =	shalt  }
0x63: {  	_ =	shalt  }
0x64: {  	_ =	shalt  }
0x65: {  	_ =	shalt  }
0x66: {  	_ =	shalt  }
0x67: {  	_ =	shalt  }
0x68: {  	_ =	shalt  }
0x69: {  	_ =	shalt  }
0x6a: {  	_ =	shalt  }
0x6b: {  	_ =	shalt  }
0x6c: {  	_ =	shalt  }
0x6d: {  	_ =	shalt  }
0x6e: {  	_ =	shalt  }
0x6f: {  	_ =	shalt  }
0x70: {  	_ =	shalt  }
0x71: {  	_ =	shalt  }
0x72: {  	_ =	shalt  }
0x73: {  	_ =	shalt  }
0x74: {  	_ =	shalt  }
0x75: {  	_ =	shalt  }
0x76: {  	_ =	shalt  }
0x77: {  	_ =	shalt  }
0x78: {  	_ =	shalt  }
0x79: {  	_ =	shalt  }
0x7a: {  	_ =	shalt  }
0x7b: {  	_ =	shalt  }
0x7c: {  	_ =	shalt  }
0x7d: {  	_ =	shalt  }
0x7e: {  	_ =	shalt  }
0x7f: {  	_ =	shalt  }
0x80: {  	_ =	shalt  }
0x81: {  	_ =	shalt  }
0x82: {  	_ =	shalt  }
0x83: {  	_ =	shalt  }
0x84: {  	_ =	shalt  }
0x85: {  	_ =	shalt  }
0x86: {  	_ =	shalt  }
0x87: {  	_ =	shalt  }
.Lfunc_end0:
.L_simem_size_0:
called_computation.2_lowered:
.L_overlay_start_0:
0x88: {  	s2 =	sld [smem:$0x3FD9]  }
0x89: {  	s3 =	sld [smem:$0x3FFE];
	_ =	sdelay $0x1  }
0x8a: {  	s1 =	srdreg.scid  }
0x8b: {  	s0 =	sand.u32 $0x1, s1  }
0x8c: {  	s16 =	sshll.u32 s0, $0xA;
	s2 =	sadd.s32 s3, s2  }
0x8d: {  	s2 =	sadd.s32 s2, s16  }
0x8e: {  	[smem:$0x3FBC] =	sst s2  }
0x8f: {  	_ = 	snop  }
0x90: {  	(tm) =	ssettm $0x1  }
0x91: {  	s17 =	sld [smem:$0x3FFB];
	_ =	sdelay $0x3  }
0x92: {  	_ =	strace s17  }
0x93: {  	s2 =	sld [smem:$0x3FFC];
	_ =	sdelay $0x3  }
0x94: {  	_ =	strace s2  }
0x95: {  	s2 =	sld [smem:$0x3FFD];
	_ =	sdelay $0x3  }
0x96: {  	_ =	strace s2  }
0x97: {  	_ =	strace $0x8FFFFFFF  }
0x98: {  	s18 =	sld [smem:$0x3FDB];
	_ =	sdelay $0x1  }
0x99: {  	s19 =	simm.s32 $_scs_section_size  }
0x9a: {  	s4 =	simm.s32 $_size__tile_overlayer_lowered;
	s5 =	simm.s32 $_tile_overlayer_lowered  }
0x9b: {  	s22 =	simm.s32 $0x1BFF;
	s21 =	sshll.u32 s5, $0x1;
	s2 =	sadd.s32 s19, s18  }
0x9c: {  	s6 =	simm.s32 $0x0;
	s20 =	sshll.u32 s4, $0x1;
	s4 =	sadd.s32 s21, s2  }
0x9d: {  	[timem:s6], [sflag:s22] =	dma.local [hbm:s4], s20  }
0x9e: {  	_ =	swait.ge [sflag:s22], s20  }
0x9f: {  	s3 =	ssub.s32 $0x0, s20;
	[sflag:s22] =	ssyncset.done $0x0  }
0xa0: {  	[sflag:s22] =	ssyncadd.s32 s3;
	_ =	sdelay $0x1  }
0xa1: {  	s23 =	simm.s32 $0x1B8B  }
0xa2: {  	_ =	swait.ge [sflag:s23], $0x1  }
0xa3: {  	[sflag:s23] =	ssyncset.done $0x0  }
0xa4: {  	s25 =	simm.s32 $0x1B8E;
	s24 =	sld [smem:$0x3FFE];
	[sflag:s23] =	ssyncadd.s32 $0xFFFFFFFF  }
0xa5: {  	s26 =	simm.s32 $execute0_lowered;
	[smem:$0x3FD2] =	sst s25  }
0xa6: {  	s4 =	sshll.u32 s26, $0x1;
	_ =	strace $0x8000004C;
	[dreg:$0x1] =	wrdreg $0xFFFFFFFF  }
0xa7: {  	s28 =	simm.s32 $_size_execute0_lowered;
	s2 =	sadd.s32 s2, s4;
	[dreg:$0x0] =	wrdreg $0x0  }
0xa8: {  	s4 =	sshll.u32 s28, $0x1;
	[dreg:$0x2] =	wrdreg s2  }
0xa9: {  	[dreg:$0x3] =	wrdreg s4  }
0xaa: {  	[dreg:$0x4] =	wrdreg $0xC0  }
0xab: {  	_ =	task [dreg:s6], $0x5FFFF  }
0xac: {  	[dreg:$0x1] =	wrdreg $0xFFFFFFFF  }
0xad: {  	[dreg:$0x0] =	wrdreg $0x60  }
0xae: {  	[dreg:$0x2] =	wrdreg s24  }
0xaf: {  	[dreg:$0x3] =	wrdreg $0x90000  }
0xb0: {  	[dreg:$0x4] =	wrdreg $0x9  }
0xb1: {  	_ =	task.clear_ibuf [dreg:s6], $0x5FFFF;
	_ =	strace $0x9000004C  }
0xb2: {  	s29 =	simm.s32 $0x9;
	_ =	strace $0x8000004E  }
0xb3: {  	_ =	swait.ge [sflag:s29], $0x1  }
0xb4: {  	[sflag:s29] =	ssyncadd.s32 $0xFFFFFFFF  }
0xb5: {  	_ =	strace $0x9000004E  }
0xb6: {  	_ =	sfence  }
0xb7: {  	s30 =	sld [smem:$0x0];
	_ =	sdelay $0x2  }
0xb8: {  	s31 =	sshll.u32 s1, $0xD;
	s1 =	sshrl.u32 s1, $0x2  }
0xb9: {  	s3 =	sand.u32 $0x4000, s31;
	s1 =	sadd.s32 s1, s30  }
0xba: {  	s0 =	sor.u32 s3, s0;
	s1 =	sshll.u32 s1, $0x11  }
0xbb: {  	s0 =	sor.u32 s1, s0  }
0xbc: {  	s0 =	sadd.s32 $0x8F2B, s0  }
0xbd: {  	[sflag:s0] =	ssyncadd.remote.s32 $0x1  }
0xbe: {  	_ =	sfence.sel $0xFFFF  }
0xbf: {  	[dreg:$0x0] =	wrdreg $0xFFFFFFFF;
	(pc) =	sbr.abs _section_cstart, $3  }
0xc0: {  	[dreg:$0x1] =	wrdreg $0xFFFFFFFF  }
0xc1: {  	_ =	task.clear_ibuf [dreg:s6], $0x2FFFF;
	_ =	strace $0x9FFFFFFF  }
0xc2: {  	(tm) =	ssettm $0x7FFFFFFF  }
0xc3: {  	_ =	shalt  }
tec
execute0_lowered:
.L_overlay_start_1:
0x0: {  	(tag) =	ssettag $0x1  }
0x1: {  	s0 =	srdreg.scid;
	s1 =	rddreg [dreg:$0x0]  }
0x2: {  	s11 =	stileid.u32;
	s2 =	rddreg [dreg:$0x1]  }
0x3: {  	s3 =	simm.s32 $0x0;
	s14 =	simm.s32 $0x100;
	s16 =	simm.s32 $0x880  }
0x4: {  	s17 =	simm.s32 $0x180;
	[smem:$0x7FF] =	sst s3;
	s9 =	sadd.s32 $0x1A9400, s1  }
0x5: {  	s18 =	simm.s32 $0x900;
	_ =	strace $0x8000004D;
	[dreg:$0x11] =	wrdreg s9  }
0x6: {  	s19 =	simm.s32 $0x200;
	s20 =	simm.s32 $0x980;
	[dreg:$0x5] =	wrdreg s14  }
0x7: {  	s21 =	simm.s32 $0x280;
	s22 =	simm.s32 $0xA00;
	[dreg:$0x6] =	wrdreg s16  }
0x8: {  	s23 =	simm.s32 $0x300;
	s24 =	simm.s32 $0xA80;
	[dreg:$0x7] =	wrdreg s17  }
0x9: {  	s25 =	simm.s32 $0x380;
	s28 =	simm.s32 $0x680;
	[dreg:$0x8] =	wrdreg s18  }
0xa: {  	s29 =	simm.s32 $0xE00;
	s30 =	simm.s32 $0x700;
	[dreg:$0x9] =	wrdreg s19  }
0xb: {  	s5 =	sand.u32 $0x1, s0;
	s0 =	smul.u32 $0x2800, s11;
	[dreg:$0xa] =	wrdreg s20  }
0xc: {  	s31 =	simm.s32 $0xE80;
	s8 =	smul.u32 $0x500, s11;
	[dreg:$0xb] =	wrdreg s21  }
0xd: {  	s4 =	sadd.s32 $0x69400, s1;
	s10 =	smul.u32 $0x50000, s11;
	[dreg:$0xc] =	wrdreg s22  }
0xe: {  	s15 =	sshll.u32 s11, $0x6;
	s11 =	simm.s32 $0x80;
	[dreg:$0xd] =	wrdreg s23  }
0xf: {  	s6 =	smul.u32 $0x28000, s5;
	s5 =	ssub.s32 $0x2, s5;
	[dreg:$0xe] =	wrdreg s24  }
0x10: {  	s14 =	simm.s32 $0x5000;
	[dreg:$0xf] =	wrdreg s25;
	s16 =	simm.s32 $0x400  }
0x11: {  	s17 =	simm.s32 $0xB80;
	s18 =	simm.s32 $0x480;
	s19 =	simm.s32 $0xC00  }
0x12: {  	s20 =	simm.s32 $0x500;
	s21 =	simm.s32 $0xC80;
	s22 =	simm.s32 $0x580  }
0x13: {  	s23 =	simm.s32 $0xD00;
	s25 =	simm.s32 $0x600;
	s24 =	simm.s32 $0x0  }
0x14: {  	s8 =	sadd.s32 s8, s1;
	s26 =	sshrl.u32 s5, $0x1;
	s12 =	sshrl.u32 s10, $0x2  }
0x15: {  	s10 =	simm.s32 $0x800;
	s7 =	sadd.s32 s6, s0;
	s5 =	ssub.s32 s5, s26  }
0x16: {  	s13 =	sadd.s32 $0x64400, s8;
	s8 =	sor.u32 $0x1C03, s15;
	s26 =	simm.s32 $0xB00  }
0x17: {  	s15 =	simm.s32 $0x2;
	s7 =	sshrl.u32 s7, $0x3;
	[dreg:$0x4] =	wrdreg s13  }
0x18: {  	s5 =	smax.u32 s5, $0x1;
	s13 =	simm.s32 $0x1;
	[dreg:$0x10] =	wrdreg s26  }
0x19: {  	s26 =	simm.s32 $0xD80;
	[dreg:$0x12] =	wrdreg s8;
	s7 =	sadd.s32 s7, s1  }
0x1a: {  	s1 =	sadd.s32 s6, s1;
	[dreg:$0x13] =	wrdreg s5;
	s5 =	simm.s32 $0xF80  }
0x1b: {  	s9 =	sadd.s32 $0xA400, s7;
	s7 =	sadd.s32 s12, s2;
	s1 =	sadd.s32 $0x1ABC00, s1  }
0x1c: {  	s12 =	simm.s32 $0x1000;
	[dreg:$0x3] =	wrdreg s9;
	s0 =	sadd.s32 s0, s1  }
0x1d: {  	s7 =	sshrl.u32 s7, $0x3;
	s9 =	simm.s32 $0x3;
	[dreg:$0x15] =	wrdreg s0  }
0x1e: {  	s1 =	simm.s32 $0x780;
	s0 =	simm.s32 $0xF00;
	[dreg:$0x14] =	wrdreg s7  }
.LBB2_1:
0x1f: {  	[dreg:$0x16] =	wrdreg s24  }
0x20: {  	s6 =	rddreg [dreg:$0x11]  }
0x21: {  	[spmem:s7], [sflag:s8] =	dma.local [hbm:s6], $0x2800  }
0x22: {  	_ =	swait.ge [sflag:s9], $0x2800  }
0x23: {  	[sflag:s9] =	ssyncset.done $0x0  }
0x24: {  	[sflag:s9] =	ssyncadd.s32 $0xFFFFD800  }
0x25: {  	[bflag:$0x0] =	sbarrier.arrive $0xFFFF  }
0x26: {  	s7 =	rddreg [dreg:$0x3]  }
0x27: {  	s6 =	sadd.s32 $0x0, s7  }
0x28: {  	[tilespmem:s3], [sflag:$0x3] =	stream.linear.gather [hbm4b:s6+s3], $0x800, $0x38;
	[tilespmem:$0x1D000] =	vst v63  }
0x29: {  	_ =	swait.ge [sflag:s9], $0x800  }
0x2a: {  	s8 =	rddreg [dreg:$0x4];
	[sflag:s9] =	ssyncset.done $0x0  }
0x2b: {  	[sflag:s9] =	ssyncadd.s32 $0xFFFFF800;
	s6 =	sadd.s32 $0x0, s8  }
0x2c: {  	[tilespmem:s10], [sflag:$0x3] =	stream.linear.gather [hbm4b:s6+s3], $0x800, $0x38;
	[tilespmem:$0x1D000] =	vst v63  }
0x2d: {  	_ =	swait.ge [sflag:s9], $0x800  }
0x2e: {  	[sflag:s9] =	ssyncset.done $0x0  }
0x2f: {  	[sflag:s9] =	ssyncadd.s32 $0xFFFFF800  }
0x30: {  	[tilespmem:s12], [sflag:$0x1] =	stream.indirect.gather [hbm4b:s4+s11], $0x80, s3, s11, $0xb8;
	[tilespmem:$0x1D000] =	vst v63  }
0x31: {  	_ =	swait.ge [sflag:s13], $0x4000  }
0x32: {  	[sflag:s13] =	ssyncset.done $0x0  }
0x33: {  	[sflag:s13] =	ssyncadd.s32 $0xFFFFC000  }
0x34: {  	[tilespmem:s14], [sflag:$0x2] =	stream.indirect.gather [hbm4b:s4+s11], $0x80, s11, s11, $0xb8;
	[tilespmem:$0x1D000] =	vst v63  }
0x35: {  	_ = 	snop  }
0x36: {  	[spmem:s2] =	stream.indirect.scatter.add.f32 [tilespmem:s12], [sflag:$0x3], $0x80, s10, s11, $0xb8;
	[tilespmem:$0x1D000] =	vst v63  }
0x37: {  	_ =	swait.ge [sflag:s9], $0x4000  }
0x38: {  	[sflag:s9] =	ssyncset.done $0x0  }
0x39: {  	[sflag:s9] =	ssyncadd.s32 $0xFFFFC000  }
0x3a: {  	_ =	swait.ge [sflag:s15], $0x4000  }
0x3b: {  	[sflag:s15] =	ssyncset.done $0x0  }
0x3c: {  	s24 =	rddreg [dreg:$0x5];
	[sflag:s15] =	ssyncadd.s32 $0xFFFFC000  }
0x3d: {  	[tilespmem:s12], [sflag:$0x1] =	stream.indirect.gather [hbm4b:s4+s11], $0x80, s24, s11, $0xb8;
	[tilespmem:$0x1D000] =	vst v63  }
0x3e: {  	s7 =	rddreg [dreg:$0x6]  }
0x3f: {  	[spmem:s2] =	stream.indirect.scatter.add.f32 [tilespmem:s14], [sflag:$0x3], $0x80, s7, s11, $0xb8;
	[tilespmem:$0x1D000] =	vst v63  }
0x40: {  	_ =	swait.ge [sflag:s9], $0x4000  }
0x41: {  	[sflag:s9] =	ssyncset.done $0x0  }
0x42: {  	[sflag:s9] =	ssyncadd.s32 $0xFFFFC000  }
0x43: {  	_ =	swait.ge [sflag:s13], $0x4000  }
0x44: {  	[sflag:s13] =	ssyncset.done $0x0  }
0x45: {  	s24 =	rddreg [dreg:$0x7];
	[sflag:s13] =	ssyncadd.s32 $0xFFFFC000  }
0x46: {  	[tilespmem:s14], [sflag:$0x2] =	stream.indirect.gather [hbm4b:s4+s11], $0x80, s24, s11, $0xb8;
	[tilespmem:$0x1D000] =	vst v63  }
0x47: {  	s7 =	rddreg [dreg:$0x8]  }
0x48: {  	[spmem:s2] =	stream.indirect.scatter.add.f32 [tilespmem:s12], [sflag:$0x3], $0x80, s7, s11, $0xb8;
	[tilespmem:$0x1D000] =	vst v63  }
0x49: {  	_ =	swait.ge [sflag:s9], $0x4000  }
0x4a: {  	[sflag:s9] =	ssyncset.done $0x0  }
0x4b: {  	[sflag:s9] =	ssyncadd.s32 $0xFFFFC000  }
0x4c: {  	_ =	swait.ge [sflag:s15], $0x4000  }
0x4d: {  	[sflag:s15] =	ssyncset.done $0x0  }
0x4e: {  	s24 =	rddreg [dreg:$0x9];
	[sflag:s15] =	ssyncadd.s32 $0xFFFFC000  }
0x4f: {  	[tilespmem:s12], [sflag:$0x1] =	stream.indirect.gather [hbm4b:s4+s11], $0x80, s24, s11, $0xb8;
	[tilespmem:$0x1D000] =	vst v63  }
0x50: {  	s7 =	rddreg [dreg:$0xa]  }
0x51: {  	[spmem:s2] =	stream.indirect.scatter.add.f32 [tilespmem:s14], [sflag:$0x3], $0x80, s7, s11, $0xb8;
	[tilespmem:$0x1D000] =	vst v63  }
0x52: {  	_ =	swait.ge [sflag:s9], $0x4000  }
0x53: {  	[sflag:s9] =	ssyncset.done $0x0  }
0x54: {  	[sflag:s9] =	ssyncadd.s32 $0xFFFFC000  }
0x55: {  	_ =	swait.ge [sflag:s13], $0x4000  }
0x56: {  	[sflag:s13] =	ssyncset.done $0x0  }
0x57: {  	s24 =	rddreg [dreg:$0xb];
	[sflag:s13] =	ssyncadd.s32 $0xFFFFC000  }
0x58: {  	[tilespmem:s14], [sflag:$0x2] =	stream.indirect.gather [hbm4b:s4+s11], $0x80, s24, s11, $0xb8;
	[tilespmem:$0x1D000] =	vst v63  }
0x59: {  	s7 =	rddreg [dreg:$0xc]  }
0x5a: {  	[spmem:s2] =	stream.indirect.scatter.add.f32 [tilespmem:s12], [sflag:$0x3], $0x80, s7, s11, $0xb8;
	[tilespmem:$0x1D000] =	vst v63  }
0x5b: {  	_ =	swait.ge [sflag:s9], $0x4000  }
0x5c: {  	[sflag:s9] =	ssyncset.done $0x0  }
0x5d: {  	[sflag:s9] =	ssyncadd.s32 $0xFFFFC000  }
0x5e: {  	_ =	swait.ge [sflag:s15], $0x4000  }
0x5f: {  	[sflag:s15] =	ssyncset.done $0x0  }
0x60: {  	s24 =	rddreg [dreg:$0xd];
	[sflag:s15] =	ssyncadd.s32 $0xFFFFC000  }
0x61: {  	[tilespmem:s12], [sflag:$0x1] =	stream.indirect.gather [hbm4b:s4+s11], $0x80, s24, s11, $0xb8;
	[tilespmem:$0x1D000] =	vst v63  }
0x62: {  	s7 =	rddreg [dreg:$0xe]  }
0x63: {  	[spmem:s2] =	stream.indirect.scatter.add.f32 [tilespmem:s14], [sflag:$0x3], $0x80, s7, s11, $0xb8;
	[tilespmem:$0x1D000] =	vst v63  }
0x64: {  	_ =	swait.ge [sflag:s9], $0x4000  }
0x65: {  	[sflag:s9] =	ssyncset.done $0x0  }
0x66: {  	[sflag:s9] =	ssyncadd.s32 $0xFFFFC000  }
0x67: {  	_ =	swait.ge [sflag:s13], $0x4000  }
0x68: {  	[sflag:s13] =	ssyncset.done $0x0  }
0x69: {  	s8 =	rddreg [dreg:$0xf];
	[sflag:s13] =	ssyncadd.s32 $0xFFFFC000  }
0x6a: {  	[tilespmem:s14], [sflag:$0x2] =	stream.indirect.gather [hbm4b:s4+s11], $0x80, s8, s11, $0xb8;
	[tilespmem:$0x1D000] =	vst v63  }
0x6b: {  	s24 =	rddreg [dreg:$0x10]  }
0x6c: {  	[spmem:s2] =	stream.indirect.scatter.add.f32 [tilespmem:s12], [sflag:$0x3], $0x80, s24, s11, $0xb8;
	[tilespmem:$0x1D000] =	vst v63  }
0x6d: {  	_ =	swait.ge [sflag:s9], $0x4000  }
0x6e: {  	[sflag:s9] =	ssyncset.done $0x0  }
0x6f: {  	[sflag:s9] =	ssyncadd.s32 $0xFFFFC000  }
0x70: {  	_ =	swait.ge [sflag:s15], $0x4000  }
0x71: {  	[sflag:s15] =	ssyncset.done $0x0  }
0x72: {  	[sflag:s15] =	ssyncadd.s32 $0xFFFFC000  }
0x73: {  	[tilespmem:s12], [sflag:$0x1] =	stream.indirect.gather [hbm4b:s4+s11], $0x80, s16, s11, $0xb8;
	[tilespmem:$0x1D000] =	vst v63  }
0x74: {  	_ = 	snop  }
0x75: {  	[spmem:s2] =	stream.indirect.scatter.add.f32 [tilespmem:s14], [sflag:$0x3], $0x80, s17, s11, $0xb8;
	[tilespmem:$0x1D000] =	vst v63  }
0x76: {  	_ =	swait.ge [sflag:s9], $0x4000  }
0x77: {  	[sflag:s9] =	ssyncset.done $0x0  }
0x78: {  	[sflag:s9] =	ssyncadd.s32 $0xFFFFC000  }
0x79: {  	_ =	swait.ge [sflag:s13], $0x4000  }
0x7a: {  	[sflag:s13] =	ssyncset.done $0x0  }
0x7b: {  	[sflag:s13] =	ssyncadd.s32 $0xFFFFC000  }
0x7c: {  	[tilespmem:s14], [sflag:$0x2] =	stream.indirect.gather [hbm4b:s4+s11], $0x80, s18, s11, $0xb8;
	[tilespmem:$0x1D000] =	vst v63  }
0x7d: {  	_ = 	snop  }
0x7e: {  	[spmem:s2] =	stream.indirect.scatter.add.f32 [tilespmem:s12], [sflag:$0x3], $0x80, s19, s11, $0xb8;
	[tilespmem:$0x1D000] =	vst v63  }
0x7f: {  	_ =	swait.ge [sflag:s9], $0x4000  }
0x80: {  	[sflag:s9] =	ssyncset.done $0x0  }
0x81: {  	[sflag:s9] =	ssyncadd.s32 $0xFFFFC000  }
0x82: {  	_ =	swait.ge [sflag:s15], $0x4000  }
0x83: {  	[sflag:s15] =	ssyncset.done $0x0  }
0x84: {  	[sflag:s15] =	ssyncadd.s32 $0xFFFFC000  }
0x85: {  	[tilespmem:s12], [sflag:$0x1] =	stream.indirect.gather [hbm4b:s4+s11], $0x80, s20, s11, $0xb8;
	[tilespmem:$0x1D000] =	vst v63  }
0x86: {  	_ = 	snop  }
0x87: {  	[spmem:s2] =	stream.indirect.scatter.add.f32 [tilespmem:s14], [sflag:$0x3], $0x80, s21, s11, $0xb8;
	[tilespmem:$0x1D000] =	vst v63  }
0x88: {  	_ =	swait.ge [sflag:s9], $0x4000  }
0x89: {  	[sflag:s9] =	ssyncset.done $0x0  }
0x8a: {  	[sflag:s9] =	ssyncadd.s32 $0xFFFFC000  }
0x8b: {  	_ =	swait.ge [sflag:s13], $0x4000  }
0x8c: {  	[sflag:s13] =	ssyncset.done $0x0  }
0x8d: {  	[sflag:s13] =	ssyncadd.s32 $0xFFFFC000  }
0x8e: {  	[tilespmem:s14], [sflag:$0x2] =	stream.indirect.gather [hbm4b:s4+s11], $0x80, s22, s11, $0xb8;
	[tilespmem:$0x1D000] =	vst v63  }
0x8f: {  	_ = 	snop  }
0x90: {  	[spmem:s2] =	stream.indirect.scatter.add.f32 [tilespmem:s12], [sflag:$0x3], $0x80, s23, s11, $0xb8;
	[tilespmem:$0x1D000] =	vst v63  }
0x91: {  	_ =	swait.ge [sflag:s9], $0x4000  }
0x92: {  	[sflag:s9] =	ssyncset.done $0x0  }
0x93: {  	[sflag:s9] =	ssyncadd.s32 $0xFFFFC000  }
0x94: {  	_ =	swait.ge [sflag:s15], $0x4000  }
0x95: {  	[sflag:s15] =	ssyncset.done $0x0  }
0x96: {  	[sflag:s15] =	ssyncadd.s32 $0xFFFFC000  }
0x97: {  	[tilespmem:s12], [sflag:$0x1] =	stream.indirect.gather [hbm4b:s4+s11], $0x80, s25, s11, $0xb8;
	[tilespmem:$0x1D000] =	vst v63  }
0x98: {  	_ = 	snop  }
0x99: {  	[spmem:s2] =	stream.indirect.scatter.add.f32 [tilespmem:s14], [sflag:$0x3], $0x80, s26, s11, $0xb8;
	[tilespmem:$0x1D000] =	vst v63  }
0x9a: {  	_ =	swait.ge [sflag:s9], $0x4000  }
0x9b: {  	[sflag:s9] =	ssyncset.done $0x0  }
0x9c: {  	[sflag:s9] =	ssyncadd.s32 $0xFFFFC000  }
0x9d: {  	_ =	swait.ge [sflag:s13], $0x4000  }
0x9e: {  	[sflag:s13] =	ssyncset.done $0x0  }
0x9f: {  	[sflag:s13] =	ssyncadd.s32 $0xFFFFC000  }
0xa0: {  	[tilespmem:s14], [sflag:$0x2] =	stream.indirect.gather [hbm4b:s4+s11], $0x80, s28, s11, $0xb8;
	[tilespmem:$0x1D000] =	vst v63  }
0xa1: {  	_ = 	snop  }
0xa2: {  	[spmem:s2] =	stream.indirect.scatter.add.f32 [tilespmem:s12], [sflag:$0x3], $0x80, s29, s11, $0xb8;
	[tilespmem:$0x1D000] =	vst v63  }
0xa3: {  	_ =	swait.ge [sflag:s9], $0x4000  }
0xa4: {  	[sflag:s9] =	ssyncset.done $0x0  }
0xa5: {  	[sflag:s9] =	ssyncadd.s32 $0xFFFFC000  }
0xa6: {  	_ =	swait.ge [sflag:s15], $0x4000  }
0xa7: {  	[sflag:s15] =	ssyncset.done $0x0  }
0xa8: {  	[sflag:s15] =	ssyncadd.s32 $0xFFFFC000  }
0xa9: {  	[tilespmem:s12], [sflag:$0x1] =	stream.indirect.gather [hbm4b:s4+s11], $0x80, s30, s11, $0xb8;
	[tilespmem:$0x1D000] =	vst v63  }
0xaa: {  	_ = 	snop  }
0xab: {  	[spmem:s2] =	stream.indirect.scatter.add.f32 [tilespmem:s14], [sflag:$0x3], $0x80, s31, s11, $0xb8;
	[tilespmem:$0x1D000] =	vst v63  }
0xac: {  	_ =	swait.ge [sflag:s9], $0x4000  }
0xad: {  	[sflag:s9] =	ssyncset.done $0x0  }
0xae: {  	[sflag:s9] =	ssyncadd.s32 $0xFFFFC000  }
0xaf: {  	_ =	swait.ge [sflag:s13], $0x4000  }
0xb0: {  	[sflag:s13] =	ssyncset.done $0x0  }
0xb1: {  	[sflag:s13] =	ssyncadd.s32 $0xFFFFC000  }
0xb2: {  	[tilespmem:s14], [sflag:$0x2] =	stream.indirect.gather [hbm4b:s4+s11], $0x80, s1, s11, $0xb8;
	[tilespmem:$0x1D000] =	vst v63  }
0xb3: {  	_ = 	snop  }
0xb4: {  	[spmem:s2] =	stream.indirect.scatter.add.f32 [tilespmem:s12], [sflag:$0x3], $0x80, s0, s11, $0xb8;
	[tilespmem:$0x1D000] =	vst v63  }
0xb5: {  	_ =	swait.ge [sflag:s9], $0x4000  }
0xb6: {  	[sflag:s9] =	ssyncset.done $0x0  }
0xb7: {  	[sflag:s9] =	ssyncadd.s32 $0xFFFFC000  }
0xb8: {  	_ =	swait.ge [sflag:s15], $0x4000  }
0xb9: {  	[sflag:s15] =	ssyncset.done $0x0  }
0xba: {  	[sflag:s15] =	ssyncadd.s32 $0xFFFFC000  }
0xbb: {  	[spmem:s2] =	stream.indirect.scatter.add.f32 [tilespmem:s14], [sflag:$0x3], $0x80, s5, s11, $0xb8;
	[tilespmem:$0x1D000] =	vst v63  }
0xbc: {  	s6 =	simm.s32 $0x200;
	_ =	swait.ge [sflag:s9], $0x4000  }
0xbd: {  	s24 =	simm.s32 $0x100;
	s8 =	rddreg [dreg:$0x3];
	[sflag:s9] =	ssyncset.done $0x0  }
.LBB2_2:
0xbe: {  	[sflag:s9] =	ssyncadd.s32 $0xFFFFC000;
	s8 =	sadd.s32 s24, s8  }
0xbf: {  	[tilespmem:s3], [sflag:$0x3] =	stream.linear.gather [hbm4b:s8+s3], $0x800, $0x38;
	[tilespmem:$0x1D000] =	vst v63  }
0xc0: {  	_ =	swait.ge [sflag:s9], $0x800  }
0xc1: {  	s8 =	rddreg [dreg:$0x4];
	[sflag:s9] =	ssyncset.done $0x0  }
0xc2: {  	[sflag:s9] =	ssyncadd.s32 $0xFFFFF800;
	s8 =	sadd.s32 s24, s8  }
0xc3: {  	[tilespmem:s10], [sflag:$0x3] =	stream.linear.gather [hbm4b:s8+s3], $0x800, $0x38;
	[tilespmem:$0x1D000] =	vst v63  }
0xc4: {  	_ =	swait.ge [sflag:s9], $0x800  }
0xc5: {  	[sflag:s9] =	ssyncset.done $0x0  }
0xc6: {  	[sflag:s9] =	ssyncadd.s32 $0xFFFFF800  }
0xc7: {  	[tilespmem:s12], [sflag:$0x1] =	stream.indirect.gather [hbm4b:s4+s11], $0x80, s3, s11, $0xb8;
	[tilespmem:$0x1D000] =	vst v63  }
0xc8: {  	_ =	swait.ge [sflag:s13], $0x4000  }
0xc9: {  	[sflag:s13] =	ssyncset.done $0x0  }
0xca: {  	[sflag:s13] =	ssyncadd.s32 $0xFFFFC000  }
0xcb: {  	[tilespmem:s14], [sflag:$0x2] =	stream.indirect.gather [hbm4b:s4+s11], $0x80, s11, s11, $0xb8;
	[tilespmem:$0x1D000] =	vst v63  }
0xcc: {  	_ = 	snop  }
0xcd: {  	[spmem:s2] =	stream.indirect.scatter.add.f32 [tilespmem:s12], [sflag:$0x3], $0x80, s10, s11, $0xb8;
	[tilespmem:$0x1D000] =	vst v63  }
0xce: {  	_ =	swait.ge [sflag:s9], $0x4000  }
0xcf: {  	[sflag:s9] =	ssyncset.done $0x0  }
0xd0: {  	[sflag:s9] =	ssyncadd.s32 $0xFFFFC000  }
0xd1: {  	_ =	swait.ge [sflag:s15], $0x4000  }
0xd2: {  	s7 =	smov.u32 s6;
	[sflag:s15] =	ssyncset.done $0x0  }
0xd3: {  	s24 =	smov.u32 s7;
	s7 =	rddreg [dreg:$0x5];
	[sflag:s15] =	ssyncadd.s32 $0xFFFFC000  }
0xd4: {  	[tilespmem:s12], [sflag:$0x1] =	stream.indirect.gather [hbm4b:s4+s11], $0x80, s7, s11, $0xb8;
	[tilespmem:$0x1D000] =	vst v63  }
0xd5: {  	s8 =	rddreg [dreg:$0x6]  }
0xd6: {  	[spmem:s2] =	stream.indirect.scatter.add.f32 [tilespmem:s14], [sflag:$0x3], $0x80, s8, s11, $0xb8;
	[tilespmem:$0x1D000] =	vst v63  }
0xd7: {  	_ =	swait.ge [sflag:s9], $0x4000  }
0xd8: {  	[sflag:s9] =	ssyncset.done $0x0  }
0xd9: {  	[sflag:s9] =	ssyncadd.s32 $0xFFFFC000  }
0xda: {  	_ =	swait.ge [sflag:s13], $0x4000  }
0xdb: {  	[sflag:s13] =	ssyncset.done $0x0  }
0xdc: {  	s7 =	rddreg [dreg:$0x7];
	[sflag:s13] =	ssyncadd.s32 $0xFFFFC000  }
0xdd: {  	[tilespmem:s14], [sflag:$0x2] =	stream.indirect.gather [hbm4b:s4+s11], $0x80, s7, s11, $0xb8;
	[tilespmem:$0x1D000] =	vst v63  }
0xde: {  	s8 =	rddreg [dreg:$0x8]  }
0xdf: {  	[spmem:s2] =	stream.indirect.scatter.add.f32 [tilespmem:s12], [sflag:$0x3], $0x80, s8, s11, $0xb8;
	[tilespmem:$0x1D000] =	vst v63  }
0xe0: {  	_ =	swait.ge [sflag:s9], $0x4000  }
0xe1: {  	[sflag:s9] =	ssyncset.done $0x0  }
0xe2: {  	[sflag:s9] =	ssyncadd.s32 $0xFFFFC000  }
0xe3: {  	_ =	swait.ge [sflag:s15], $0x4000  }
0xe4: {  	[sflag:s15] =	ssyncset.done $0x0  }
0xe5: {  	s7 =	rddreg [dreg:$0x9];
	[sflag:s15] =	ssyncadd.s32 $0xFFFFC000  }
0xe6: {  	[tilespmem:s12], [sflag:$0x1] =	stream.indirect.gather [hbm4b:s4+s11], $0x80, s7, s11, $0xb8;
	[tilespmem:$0x1D000] =	vst v63  }
0xe7: {  	s8 =	rddreg [dreg:$0xa]  }
0xe8: {  	[spmem:s2] =	stream.indirect.scatter.add.f32 [tilespmem:s14], [sflag:$0x3], $0x80, s8, s11, $0xb8;
	[tilespmem:$0x1D000] =	vst v63  }
0xe9: {  	_ =	swait.ge [sflag:s9], $0x4000  }
0xea: {  	[sflag:s9] =	ssyncset.done $0x0  }
0xeb: {  	[sflag:s9] =	ssyncadd.s32 $0xFFFFC000  }
0xec: {  	_ =	swait.ge [sflag:s13], $0x4000  }
0xed: {  	[sflag:s13] =	ssyncset.done $0x0  }
0xee: {  	s7 =	rddreg [dreg:$0xb];
	[sflag:s13] =	ssyncadd.s32 $0xFFFFC000  }
0xef: {  	[tilespmem:s14], [sflag:$0x2] =	stream.indirect.gather [hbm4b:s4+s11], $0x80, s7, s11, $0xb8;
	[tilespmem:$0x1D000] =	vst v63  }
0xf0: {  	s8 =	rddreg [dreg:$0xc]  }
0xf1: {  	[spmem:s2] =	stream.indirect.scatter.add.f32 [tilespmem:s12], [sflag:$0x3], $0x80, s8, s11, $0xb8;
	[tilespmem:$0x1D000] =	vst v63  }
0xf2: {  	_ =	swait.ge [sflag:s9], $0x4000  }
0xf3: {  	[sflag:s9] =	ssyncset.done $0x0  }
0xf4: {  	[sflag:s9] =	ssyncadd.s32 $0xFFFFC000  }
0xf5: {  	_ =	swait.ge [sflag:s15], $0x4000  }
0xf6: {  	[sflag:s15] =	ssyncset.done $0x0  }
0xf7: {  	s7 =	rddreg [dreg:$0xd];
	[sflag:s15] =	ssyncadd.s32 $0xFFFFC000  }
0xf8: {  	[tilespmem:s12], [sflag:$0x1] =	stream.indirect.gather [hbm4b:s4+s11], $0x80, s7, s11, $0xb8;
	[tilespmem:$0x1D000] =	vst v63  }
0xf9: {  	s8 =	rddreg [dreg:$0xe]  }
0xfa: {  	[spmem:s2] =	stream.indirect.scatter.add.f32 [tilespmem:s14], [sflag:$0x3], $0x80, s8, s11, $0xb8;
	[tilespmem:$0x1D000] =	vst v63  }
0xfb: {  	_ =	swait.ge [sflag:s9], $0x4000  }
0xfc: {  	[sflag:s9] =	ssyncset.done $0x0  }
0xfd: {  	[sflag:s9] =	ssyncadd.s32 $0xFFFFC000  }
0xfe: {  	_ =	swait.ge [sflag:s13], $0x4000  }
0xff: {  	[sflag:s13] =	ssyncset.done $0x0  }
0x100: {  	s7 =	rddreg [dreg:$0xf];
	[sflag:s13] =	ssyncadd.s32 $0xFFFFC000  }
0x101: {  	[tilespmem:s14], [sflag:$0x2] =	stream.indirect.gather [hbm4b:s4+s11], $0x80, s7, s11, $0xb8;
	[tilespmem:$0x1D000] =	vst v63  }
0x102: {  	s8 =	rddreg [dreg:$0x10]  }
0x103: {  	[spmem:s2] =	stream.indirect.scatter.add.f32 [tilespmem:s12], [sflag:$0x3], $0x80, s8, s11, $0xb8;
	[tilespmem:$0x1D000] =	vst v63  }
0x104: {  	_ =	swait.ge [sflag:s9], $0x4000  }
0x105: {  	[sflag:s9] =	ssyncset.done $0x0  }
0x106: {  	[sflag:s9] =	ssyncadd.s32 $0xFFFFC000  }
0x107: {  	_ =	swait.ge [sflag:s15], $0x4000  }
0x108: {  	[sflag:s15] =	ssyncset.done $0x0  }
0x109: {  	[sflag:s15] =	ssyncadd.s32 $0xFFFFC000  }
0x10a: {  	[tilespmem:s12], [sflag:$0x1] =	stream.indirect.gather [hbm4b:s4+s11], $0x80, s16, s11, $0xb8;
	[tilespmem:$0x1D000] =	vst v63  }
0x10b: {  	_ = 	snop  }
0x10c: {  	[spmem:s2] =	stream.indirect.scatter.add.f32 [tilespmem:s14], [sflag:$0x3], $0x80, s17, s11, $0xb8;
	[tilespmem:$0x1D000] =	vst v63  }
0x10d: {  	_ =	swait.ge [sflag:s9], $0x4000  }
0x10e: {  	[sflag:s9] =	ssyncset.done $0x0  }
0x10f: {  	[sflag:s9] =	ssyncadd.s32 $0xFFFFC000  }
0x110: {  	_ =	swait.ge [sflag:s13], $0x4000  }
0x111: {  	[sflag:s13] =	ssyncset.done $0x0  }
0x112: {  	[sflag:s13] =	ssyncadd.s32 $0xFFFFC000  }
0x113: {  	[tilespmem:s14], [sflag:$0x2] =	stream.indirect.gather [hbm4b:s4+s11], $0x80, s18, s11, $0xb8;
	[tilespmem:$0x1D000] =	vst v63  }
0x114: {  	_ = 	snop  }
0x115: {  	[spmem:s2] =	stream.indirect.scatter.add.f32 [tilespmem:s12], [sflag:$0x3], $0x80, s19, s11, $0xb8;
	[tilespmem:$0x1D000] =	vst v63  }
0x116: {  	_ =	swait.ge [sflag:s9], $0x4000  }
0x117: {  	[sflag:s9] =	ssyncset.done $0x0  }
0x118: {  	[sflag:s9] =	ssyncadd.s32 $0xFFFFC000  }
0x119: {  	_ =	swait.ge [sflag:s15], $0x4000  }
0x11a: {  	[sflag:s15] =	ssyncset.done $0x0  }
0x11b: {  	[sflag:s15] =	ssyncadd.s32 $0xFFFFC000  }
0x11c: {  	[tilespmem:s12], [sflag:$0x1] =	stream.indirect.gather [hbm4b:s4+s11], $0x80, s20, s11, $0xb8;
	[tilespmem:$0x1D000] =	vst v63  }
0x11d: {  	_ = 	snop  }
0x11e: {  	[spmem:s2] =	stream.indirect.scatter.add.f32 [tilespmem:s14], [sflag:$0x3], $0x80, s21, s11, $0xb8;
	[tilespmem:$0x1D000] =	vst v63  }
0x11f: {  	_ =	swait.ge [sflag:s9], $0x4000  }
0x120: {  	[sflag:s9] =	ssyncset.done $0x0  }
0x121: {  	[sflag:s9] =	ssyncadd.s32 $0xFFFFC000  }
0x122: {  	_ =	swait.ge [sflag:s13], $0x4000  }
0x123: {  	[sflag:s13] =	ssyncset.done $0x0  }
0x124: {  	[sflag:s13] =	ssyncadd.s32 $0xFFFFC000  }
0x125: {  	[tilespmem:s14], [sflag:$0x2] =	stream.indirect.gather [hbm4b:s4+s11], $0x80, s22, s11, $0xb8;
	[tilespmem:$0x1D000] =	vst v63  }
0x126: {  	_ = 	snop  }
0x127: {  	[spmem:s2] =	stream.indirect.scatter.add.f32 [tilespmem:s12], [sflag:$0x3], $0x80, s23, s11, $0xb8;
	[tilespmem:$0x1D000] =	vst v63  }
0x128: {  	_ =	swait.ge [sflag:s9], $0x4000  }
0x129: {  	[sflag:s9] =	ssyncset.done $0x0  }
0x12a: {  	[sflag:s9] =	ssyncadd.s32 $0xFFFFC000  }
0x12b: {  	_ =	swait.ge [sflag:s15], $0x4000  }
0x12c: {  	[sflag:s15] =	ssyncset.done $0x0  }
0x12d: {  	[sflag:s15] =	ssyncadd.s32 $0xFFFFC000  }
0x12e: {  	[tilespmem:s12], [sflag:$0x1] =	stream.indirect.gather [hbm4b:s4+s11], $0x80, s25, s11, $0xb8;
	[tilespmem:$0x1D000] =	vst v63  }
0x12f: {  	_ = 	snop  }
0x130: {  	[spmem:s2] =	stream.indirect.scatter.add.f32 [tilespmem:s14], [sflag:$0x3], $0x80, s26, s11, $0xb8;
	[tilespmem:$0x1D000] =	vst v63  }
0x131: {  	_ =	swait.ge [sflag:s9], $0x4000  }
0x132: {  	[sflag:s9] =	ssyncset.done $0x0  }
0x133: {  	[sflag:s9] =	ssyncadd.s32 $0xFFFFC000  }
0x134: {  	_ =	swait.ge [sflag:s13], $0x4000  }
0x135: {  	[sflag:s13] =	ssyncset.done $0x0  }
0x136: {  	[sflag:s13] =	ssyncadd.s32 $0xFFFFC000  }
0x137: {  	[tilespmem:s14], [sflag:$0x2] =	stream.indirect.gather [hbm4b:s4+s11], $0x80, s28, s11, $0xb8;
	[tilespmem:$0x1D000] =	vst v63  }
0x138: {  	_ = 	snop  }
0x139: {  	[spmem:s2] =	stream.indirect.scatter.add.f32 [tilespmem:s12], [sflag:$0x3], $0x80, s29, s11, $0xb8;
	[tilespmem:$0x1D000] =	vst v63  }
0x13a: {  	_ =	swait.ge [sflag:s9], $0x4000  }
0x13b: {  	[sflag:s9] =	ssyncset.done $0x0  }
0x13c: {  	[sflag:s9] =	ssyncadd.s32 $0xFFFFC000  }
0x13d: {  	_ =	swait.ge [sflag:s15], $0x4000  }
0x13e: {  	[sflag:s15] =	ssyncset.done $0x0  }
0x13f: {  	[sflag:s15] =	ssyncadd.s32 $0xFFFFC000  }
0x140: {  	[tilespmem:s12], [sflag:$0x1] =	stream.indirect.gather [hbm4b:s4+s11], $0x80, s30, s11, $0xb8;
	[tilespmem:$0x1D000] =	vst v63  }
0x141: {  	_ = 	snop  }
0x142: {  	[spmem:s2] =	stream.indirect.scatter.add.f32 [tilespmem:s14], [sflag:$0x3], $0x80, s31, s11, $0xb8;
	[tilespmem:$0x1D000] =	vst v63  }
0x143: {  	_ =	swait.ge [sflag:s9], $0x4000  }
0x144: {  	[sflag:s9] =	ssyncset.done $0x0  }
0x145: {  	[sflag:s9] =	ssyncadd.s32 $0xFFFFC000  }
0x146: {  	_ =	swait.ge [sflag:s13], $0x4000  }
0x147: {  	[sflag:s13] =	ssyncset.done $0x0  }
0x148: {  	[sflag:s13] =	ssyncadd.s32 $0xFFFFC000  }
0x149: {  	[tilespmem:s14], [sflag:$0x2] =	stream.indirect.gather [hbm4b:s4+s11], $0x80, s1, s11, $0xb8;
	[tilespmem:$0x1D000] =	vst v63  }
0x14a: {  	_ = 	snop  }
0x14b: {  	[spmem:s2] =	stream.indirect.scatter.add.f32 [tilespmem:s12], [sflag:$0x3], $0x80, s0, s11, $0xb8;
	[tilespmem:$0x1D000] =	vst v63  }
0x14c: {  	_ =	swait.ge [sflag:s9], $0x4000  }
0x14d: {  	[sflag:s9] =	ssyncset.done $0x0  }
0x14e: {  	[sflag:s9] =	ssyncadd.s32 $0xFFFFC000  }
0x14f: {  	p0 =	sne.s32 s6, $0x400;
	_ =	swait.ge [sflag:s15], $0x4000  }
.Ltmp0:
0x150: {  	[sflag:s15] =	ssyncset.done $0x0;
	(pc) =	sbr.rel @p0 .LBB2_2-.Ltmp0, $4  }
0x151: {  	[sflag:s15] =	ssyncadd.s32 $0xFFFFC000  }
0x152: {  	[spmem:s2] =	stream.indirect.scatter.add.f32 [tilespmem:s14], [sflag:$0x3], $0x80, s5, s11, $0xb8;
	[tilespmem:$0x1D000] =	vst v63  }
0x153: {  	_ =	swait.ge [sflag:s9], $0x4000  }
0x154: {  	s6 =	sadd.s32 $0x100, s6;
	s8 =	rddreg [dreg:$0x3];
	[sflag:s9] =	ssyncset.done $0x0  }
0x155: {  	[sflag:s9] =	ssyncadd.s32 $0xFFFFC000;
	s6 =	sadd.s32 s24, s8  }
0x156: {  	[tilespmem:s3], [sflag:$0x3] =	stream.linear.gather [hbm4b:s6+s3], $0x800, $0x38;
	[tilespmem:$0x1D000] =	vst v63  }
0x157: {  	_ =	swait.ge [sflag:s9], $0x800  }
0x158: {  	s8 =	rddreg [dreg:$0x4];
	[sflag:s9] =	ssyncset.done $0x0  }
0x159: {  	[sflag:s9] =	ssyncadd.s32 $0xFFFFF800;
	s6 =	sadd.s32 s24, s8  }
0x15a: {  	[tilespmem:s10], [sflag:$0x3] =	stream.linear.gather [hbm4b:s6+s3], $0x800, $0x38;
	[tilespmem:$0x1D000] =	vst v63  }
0x15b: {  	_ =	swait.ge [sflag:s9], $0x800  }
0x15c: {  	[sflag:s9] =	ssyncset.done $0x0  }
0x15d: {  	[sflag:s9] =	ssyncadd.s32 $0xFFFFF800  }
0x15e: {  	[tilespmem:s12], [sflag:$0x1] =	stream.indirect.gather [hbm4b:s4+s11], $0x80, s3, s11, $0xb8;
	[tilespmem:$0x1D000] =	vst v63  }
0x15f: {  	_ =	swait.ge [sflag:s13], $0x4000  }
0x160: {  	[sflag:s13] =	ssyncset.done $0x0  }
0x161: {  	[sflag:s13] =	ssyncadd.s32 $0xFFFFC000  }
0x162: {  	[tilespmem:s14], [sflag:$0x2] =	stream.indirect.gather [hbm4b:s4+s11], $0x80, s11, s11, $0xb8;
	[tilespmem:$0x1D000] =	vst v63  }
0x163: {  	_ = 	snop  }
0x164: {  	[spmem:s2] =	stream.indirect.scatter.add.f32 [tilespmem:s12], [sflag:$0x3], $0x80, s10, s11, $0xb8;
	[tilespmem:$0x1D000] =	vst v63  }
0x165: {  	_ =	swait.ge [sflag:s9], $0x4000  }
0x166: {  	[sflag:s9] =	ssyncset.done $0x0  }
0x167: {  	[sflag:s9] =	ssyncadd.s32 $0xFFFFC000  }
0x168: {  	_ =	swait.ge [sflag:s15], $0x4000  }
0x169: {  	[sflag:s15] =	ssyncset.done $0x0  }
0x16a: {  	s24 =	rddreg [dreg:$0x5];
	[sflag:s15] =	ssyncadd.s32 $0xFFFFC000  }
0x16b: {  	[tilespmem:s12], [sflag:$0x1] =	stream.indirect.gather [hbm4b:s4+s11], $0x80, s24, s11, $0xb8;
	[tilespmem:$0x1D000] =	vst v63  }
0x16c: {  	s7 =	rddreg [dreg:$0x6]  }
0x16d: {  	[spmem:s2] =	stream.indirect.scatter.add.f32 [tilespmem:s14], [sflag:$0x3], $0x80, s7, s11, $0xb8;
	[tilespmem:$0x1D000] =	vst v63  }
0x16e: {  	_ =	swait.ge [sflag:s9], $0x4000  }
0x16f: {  	[sflag:s9] =	ssyncset.done $0x0  }
0x170: {  	[sflag:s9] =	ssyncadd.s32 $0xFFFFC000  }
0x171: {  	_ =	swait.ge [sflag:s13], $0x4000  }
0x172: {  	[sflag:s13] =	ssyncset.done $0x0  }
0x173: {  	s8 =	rddreg [dreg:$0x7];
	[sflag:s13] =	ssyncadd.s32 $0xFFFFC000  }
0x174: {  	[tilespmem:s14], [sflag:$0x2] =	stream.indirect.gather [hbm4b:s4+s11], $0x80, s8, s11, $0xb8;
	[tilespmem:$0x1D000] =	vst v63  }
0x175: {  	s24 =	rddreg [dreg:$0x8]  }
0x176: {  	[spmem:s2] =	stream.indirect.scatter.add.f32 [tilespmem:s12], [sflag:$0x3], $0x80, s24, s11, $0xb8;
	[tilespmem:$0x1D000] =	vst v63  }
0x177: {  	_ =	swait.ge [sflag:s9], $0x4000  }
0x178: {  	[sflag:s9] =	ssyncset.done $0x0  }
0x179: {  	[sflag:s9] =	ssyncadd.s32 $0xFFFFC000  }
0x17a: {  	_ =	swait.ge [sflag:s15], $0x4000  }
0x17b: {  	[sflag:s15] =	ssyncset.done $0x0  }
0x17c: {  	s8 =	rddreg [dreg:$0x9];
	[sflag:s15] =	ssyncadd.s32 $0xFFFFC000  }
0x17d: {  	[tilespmem:s12], [sflag:$0x1] =	stream.indirect.gather [hbm4b:s4+s11], $0x80, s8, s11, $0xb8;
	[tilespmem:$0x1D000] =	vst v63  }
0x17e: {  	s24 =	rddreg [dreg:$0xa]  }
0x17f: {  	[spmem:s2] =	stream.indirect.scatter.add.f32 [tilespmem:s14], [sflag:$0x3], $0x80, s24, s11, $0xb8;
	[tilespmem:$0x1D000] =	vst v63  }
0x180: {  	_ =	swait.ge [sflag:s9], $0x4000  }
0x181: {  	[sflag:s9] =	ssyncset.done $0x0  }
0x182: {  	[sflag:s9] =	ssyncadd.s32 $0xFFFFC000  }
0x183: {  	_ =	swait.ge [sflag:s13], $0x4000  }
0x184: {  	[sflag:s13] =	ssyncset.done $0x0  }
0x185: {  	s8 =	rddreg [dreg:$0xb];
	[sflag:s13] =	ssyncadd.s32 $0xFFFFC000  }
0x186: {  	[tilespmem:s14], [sflag:$0x2] =	stream.indirect.gather [hbm4b:s4+s11], $0x80, s8, s11, $0xb8;
	[tilespmem:$0x1D000] =	vst v63  }
0x187: {  	s24 =	rddreg [dreg:$0xc]  }
0x188: {  	[spmem:s2] =	stream.indirect.scatter.add.f32 [tilespmem:s12], [sflag:$0x3], $0x80, s24, s11, $0xb8;
	[tilespmem:$0x1D000] =	vst v63  }
0x189: {  	_ =	swait.ge [sflag:s9], $0x4000  }
0x18a: {  	[sflag:s9] =	ssyncset.done $0x0  }
0x18b: {  	[sflag:s9] =	ssyncadd.s32 $0xFFFFC000  }
0x18c: {  	_ =	swait.ge [sflag:s15], $0x4000  }
0x18d: {  	[sflag:s15] =	ssyncset.done $0x0  }
0x18e: {  	s8 =	rddreg [dreg:$0xd];
	[sflag:s15] =	ssyncadd.s32 $0xFFFFC000  }
0x18f: {  	[tilespmem:s12], [sflag:$0x1] =	stream.indirect.gather [hbm4b:s4+s11], $0x80, s8, s11, $0xb8;
	[tilespmem:$0x1D000] =	vst v63  }
0x190: {  	s24 =	rddreg [dreg:$0xe]  }
0x191: {  	[spmem:s2] =	stream.indirect.scatter.add.f32 [tilespmem:s14], [sflag:$0x3], $0x80, s24, s11, $0xb8;
	[tilespmem:$0x1D000] =	vst v63  }
0x192: {  	_ =	swait.ge [sflag:s9], $0x4000  }
0x193: {  	[sflag:s9] =	ssyncset.done $0x0  }
0x194: {  	[sflag:s9] =	ssyncadd.s32 $0xFFFFC000  }
0x195: {  	_ =	swait.ge [sflag:s13], $0x4000  }
0x196: {  	[sflag:s13] =	ssyncset.done $0x0  }
0x197: {  	s7 =	rddreg [dreg:$0xf];
	[sflag:s13] =	ssyncadd.s32 $0xFFFFC000  }
0x198: {  	[tilespmem:s14], [sflag:$0x2] =	stream.indirect.gather [hbm4b:s4+s11], $0x80, s7, s11, $0xb8;
	[tilespmem:$0x1D000] =	vst v63  }
0x199: {  	s8 =	rddreg [dreg:$0x10]  }
0x19a: {  	[spmem:s2] =	stream.indirect.scatter.add.f32 [tilespmem:s12], [sflag:$0x3], $0x80, s8, s11, $0xb8;
	[tilespmem:$0x1D000] =	vst v63  }
0x19b: {  	_ =	swait.ge [sflag:s9], $0x4000  }
0x19c: {  	[sflag:s9] =	ssyncset.done $0x0  }
0x19d: {  	[sflag:s9] =	ssyncadd.s32 $0xFFFFC000  }
0x19e: {  	_ =	swait.ge [sflag:s15], $0x4000  }
0x19f: {  	[sflag:s15] =	ssyncset.done $0x0  }
0x1a0: {  	[sflag:s15] =	ssyncadd.s32 $0xFFFFC000  }
0x1a1: {  	[tilespmem:s12], [sflag:$0x1] =	stream.indirect.gather [hbm4b:s4+s11], $0x80, s16, s11, $0xb8;
	[tilespmem:$0x1D000] =	vst v63  }
0x1a2: {  	_ = 	snop  }
0x1a3: {  	[spmem:s2] =	stream.indirect.scatter.add.f32 [tilespmem:s14], [sflag:$0x3], $0x80, s17, s11, $0xb8;
	[tilespmem:$0x1D000] =	vst v63  }
0x1a4: {  	_ =	swait.ge [sflag:s9], $0x4000  }
0x1a5: {  	[sflag:s9] =	ssyncset.done $0x0  }
0x1a6: {  	[sflag:s9] =	ssyncadd.s32 $0xFFFFC000  }
0x1a7: {  	_ =	swait.ge [sflag:s13], $0x4000  }
0x1a8: {  	[sflag:s13] =	ssyncset.done $0x0  }
0x1a9: {  	[sflag:s13] =	ssyncadd.s32 $0xFFFFC000  }
0x1aa: {  	[tilespmem:s14], [sflag:$0x2] =	stream.indirect.gather [hbm4b:s4+s11], $0x80, s18, s11, $0xb8;
	[tilespmem:$0x1D000] =	vst v63  }
0x1ab: {  	_ = 	snop  }
0x1ac: {  	[spmem:s2] =	stream.indirect.scatter.add.f32 [tilespmem:s12], [sflag:$0x3], $0x80, s19, s11, $0xb8;
	[tilespmem:$0x1D000] =	vst v63  }
0x1ad: {  	_ =	swait.ge [sflag:s9], $0x4000  }
0x1ae: {  	[sflag:s9] =	ssyncset.done $0x0  }
0x1af: {  	[sflag:s9] =	ssyncadd.s32 $0xFFFFC000  }
0x1b0: {  	_ =	swait.ge [sflag:s15], $0x4000  }
0x1b1: {  	[sflag:s15] =	ssyncset.done $0x0  }
0x1b2: {  	[sflag:s15] =	ssyncadd.s32 $0xFFFFC000  }
0x1b3: {  	[tilespmem:s12], [sflag:$0x1] =	stream.indirect.gather [hbm4b:s4+s11], $0x80, s20, s11, $0xb8;
	[tilespmem:$0x1D000] =	vst v63  }
0x1b4: {  	_ = 	snop  }
0x1b5: {  	[spmem:s2] =	stream.indirect.scatter.add.f32 [tilespmem:s14], [sflag:$0x3], $0x80, s21, s11, $0xb8;
	[tilespmem:$0x1D000] =	vst v63  }
0x1b6: {  	_ =	swait.ge [sflag:s9], $0x4000  }
0x1b7: {  	[sflag:s9] =	ssyncset.done $0x0  }
0x1b8: {  	[sflag:s9] =	ssyncadd.s32 $0xFFFFC000  }
0x1b9: {  	_ =	swait.ge [sflag:s13], $0x4000  }
0x1ba: {  	[sflag:s13] =	ssyncset.done $0x0  }
0x1bb: {  	[sflag:s13] =	ssyncadd.s32 $0xFFFFC000  }
0x1bc: {  	[tilespmem:s14], [sflag:$0x2] =	stream.indirect.gather [hbm4b:s4+s11], $0x80, s22, s11, $0xb8;
	[tilespmem:$0x1D000] =	vst v63  }
0x1bd: {  	_ = 	snop  }
0x1be: {  	[spmem:s2] =	stream.indirect.scatter.add.f32 [tilespmem:s12], [sflag:$0x3], $0x80, s23, s11, $0xb8;
	[tilespmem:$0x1D000] =	vst v63  }
0x1bf: {  	_ =	swait.ge [sflag:s9], $0x4000  }
0x1c0: {  	[sflag:s9] =	ssyncset.done $0x0  }
0x1c1: {  	[sflag:s9] =	ssyncadd.s32 $0xFFFFC000  }
0x1c2: {  	_ =	swait.ge [sflag:s15], $0x4000  }
0x1c3: {  	[sflag:s15] =	ssyncset.done $0x0  }
0x1c4: {  	[sflag:s15] =	ssyncadd.s32 $0xFFFFC000  }
0x1c5: {  	[tilespmem:s12], [sflag:$0x1] =	stream.indirect.gather [hbm4b:s4+s11], $0x80, s25, s11, $0xb8;
	[tilespmem:$0x1D000] =	vst v63  }
0x1c6: {  	_ = 	snop  }
0x1c7: {  	[spmem:s2] =	stream.indirect.scatter.add.f32 [tilespmem:s14], [sflag:$0x3], $0x80, s26, s11, $0xb8;
	[tilespmem:$0x1D000] =	vst v63  }
0x1c8: {  	_ =	swait.ge [sflag:s9], $0x4000  }
0x1c9: {  	[sflag:s9] =	ssyncset.done $0x0  }
0x1ca: {  	[sflag:s9] =	ssyncadd.s32 $0xFFFFC000  }
0x1cb: {  	_ =	swait.ge [sflag:s13], $0x4000  }
0x1cc: {  	[sflag:s13] =	ssyncset.done $0x0  }
0x1cd: {  	[sflag:s13] =	ssyncadd.s32 $0xFFFFC000  }
0x1ce: {  	[tilespmem:s14], [sflag:$0x2] =	stream.indirect.gather [hbm4b:s4+s11], $0x80, s28, s11, $0xb8;
	[tilespmem:$0x1D000] =	vst v63  }
0x1cf: {  	_ = 	snop  }
0x1d0: {  	[spmem:s2] =	stream.indirect.scatter.add.f32 [tilespmem:s12], [sflag:$0x3], $0x80, s29, s11, $0xb8;
	[tilespmem:$0x1D000] =	vst v63  }
0x1d1: {  	_ =	swait.ge [sflag:s9], $0x4000  }
0x1d2: {  	[sflag:s9] =	ssyncset.done $0x0  }
0x1d3: {  	[sflag:s9] =	ssyncadd.s32 $0xFFFFC000  }
0x1d4: {  	_ =	swait.ge [sflag:s15], $0x4000  }
0x1d5: {  	[sflag:s15] =	ssyncset.done $0x0  }
0x1d6: {  	[sflag:s15] =	ssyncadd.s32 $0xFFFFC000  }
0x1d7: {  	[tilespmem:s12], [sflag:$0x1] =	stream.indirect.gather [hbm4b:s4+s11], $0x80, s30, s11, $0xb8;
	[tilespmem:$0x1D000] =	vst v63  }
0x1d8: {  	_ = 	snop  }
0x1d9: {  	[spmem:s2] =	stream.indirect.scatter.add.f32 [tilespmem:s14], [sflag:$0x3], $0x80, s31, s11, $0xb8;
	[tilespmem:$0x1D000] =	vst v63  }
0x1da: {  	_ =	swait.ge [sflag:s9], $0x4000  }
0x1db: {  	[sflag:s9] =	ssyncset.done $0x0  }
0x1dc: {  	[sflag:s9] =	ssyncadd.s32 $0xFFFFC000  }
0x1dd: {  	_ =	swait.ge [sflag:s13], $0x4000  }
0x1de: {  	[sflag:s13] =	ssyncset.done $0x0  }
0x1df: {  	[sflag:s13] =	ssyncadd.s32 $0xFFFFC000  }
0x1e0: {  	[tilespmem:s14], [sflag:$0x2] =	stream.indirect.gather [hbm4b:s4+s11], $0x80, s1, s11, $0xb8;
	[tilespmem:$0x1D000] =	vst v63  }
0x1e1: {  	_ = 	snop  }
0x1e2: {  	[spmem:s2] =	stream.indirect.scatter.add.f32 [tilespmem:s12], [sflag:$0x3], $0x80, s0, s11, $0xb8;
	[tilespmem:$0x1D000] =	vst v63  }
0x1e3: {  	_ =	swait.ge [sflag:s9], $0x4000  }
0x1e4: {  	[sflag:s9] =	ssyncset.done $0x0  }
0x1e5: {  	[sflag:s9] =	ssyncadd.s32 $0xFFFFC000  }
0x1e6: {  	_ =	swait.ge [sflag:s15], $0x4000  }
0x1e7: {  	[sflag:s15] =	ssyncset.done $0x0  }
0x1e8: {  	[sflag:s15] =	ssyncadd.s32 $0xFFFFC000  }
0x1e9: {  	[spmem:s2] =	stream.indirect.scatter.add.f32 [tilespmem:s14], [sflag:$0x3], $0x80, s5, s11, $0xb8;
	[tilespmem:$0x1D000] =	vst v63  }
0x1ea: {  	_ =	swait.ge [sflag:s9], $0x4000  }
0x1eb: {  	[sflag:s9] =	ssyncset.done $0x0  }
0x1ec: {  	[sflag:s9] =	ssyncadd.s32 $0xFFFFC000  }
0x1ed: {  	[bflag:$0x0] =	sbarrier.arrive $0xFFFF  }
0x1ee: {  	s8 =	rddreg [dreg:$0x12]  }
0x1ef: {  	s7 =	rddreg [dreg:$0x14]  }
0x1f0: {  	s24 =	rddreg [dreg:$0x15]  }
0x1f1: {  	[hbm:s24], [sflag:s8] =	dma.local [spmem:s7], $0x2800  }
0x1f2: {  	_ =	swait.ge [sflag:s9], $0x2800  }
0x1f3: {  	s6 =	rddreg [dreg:$0x16]  }
0x1f4: {  	s24 =	sadd.s32 $0x1, s6;
	s6 =	rddreg [dreg:$0x13]  }
0x1f5: {  	p0 =	sne.s32 s24, s6  }
.Ltmp1:
0x1f6: {  	_ = 	snop;
	(pc) =	sbr.rel @p0 .LBB2_1-.Ltmp1, $3  }
0x1f7: {  	_ =	sdelay $0x1  }
0x1f8: {  	[sflag:s9] =	ssyncset.done $0x0  }
0x1f9: {  	[sflag:s9] =	ssyncadd.s32 $0xFFFFD800  }
0x1fa: {  	_ =	sfence.sel $0x180000  }
0x1fb: {  	[bflag:$0x0] =	sbarrier.arrive $0xFFFF  }
0x1fc: {  	_ =	strace $0x9000004D  }
0x1fd: {  	s0 =	stileid.u32;
	[bflag:$0x2] =	sbarrier.arrive $0xFFFF  }
0x1fe: {  	p0 =	sne.s32 s0, $0x0;
	s0 =	rddreg [dreg:$0x2]  }
0x1ff: {  	s0 =	sadd.s32 @!p0 $0x100000, s0  }
0x200: {  	[sflag:s0] =	ssyncadd.tile.s32 @!p0 $0x1;
	_ =	shalt  }
.Lfunc_end2:
_tile_overlayer_lowered:
.L_overlay_start_2:
0x201: {  	(tag) =	ssettag $0x2  }
0x202: {  	s0 =	rddreg [dreg:$0x0];
	s2 =	stileid.u32  }
0x203: {  	s1 =	rddreg [dreg:$0x1];
	p0 =	sne.s32 s2, $0x0  }
0x204: {  	s3 =	rddreg [dreg:$0x2];
	[bflag:$0x3] =	sbarrier.arrive $0xFFFF;
	s2 =	simm.s32 @!p0 $0x1C03  }
0x205: {  	[timem:s3], [sflag:s2] =	dma.local @!p0 [hbm:s0], s1  }
0x206: {  	s0 =	simm.s32 @!p0 $0x3  }
0x207: {  	_ =	swait.ge @!p0 [sflag:s0], s1  }
0x208: {  	s1 =	ssub.s32 @!p0 $0x0, s1;
	[sflag:s0] =	ssyncset.done @!p0 $0x0  }
0x209: {  	[sflag:s0] =	ssyncadd.s32 @!p0 s1  }
0x20a: {  	[bflag:$0x3] =	sbarrier.arrive $0xFFFF  }
0x20b: {  	_ =	shalt  }

</sc_bundles>
